<compile_context>
chip_gen: v7x
topology: tpu7x:2x2x1
jax: 0.10.2.dev20260603
libtpu: 0.0.44.dev20260713+nightly
codegen_flags: <defaults>
</compile_context>

<pallas_src>
import functools

import jax
import jax.numpy as jnp
from jax import lax
from jax.experimental import pallas as pl
from jax.experimental.pallas import tpu as pltpu
from jax.experimental.pallas import tpu_sc as plsc

_B, _L, _D = 4, 2048, 256
_T = 256
_NCH = _L // _T
_NC, _NS = 2, 16
_NW = _NC * _NS
_RPW = (_B * _L) // _NW


def _cumsum_col(x):
  n = x.shape[0]
  k = 1
  while k < n:
    x = x + jnp.concatenate([jnp.zeros((k, 1), x.dtype), x[:-k]], axis=0)
    k *= 2
  return x


def _routing_a(hn, wq, bq, wk, bk):
  dn = (((1,), (1,)), ((), ()))
  qf = lax.dot_general(hn, wq, dn,
                       preferred_element_type=jnp.float32) + bq
  kf = lax.dot_general(hn, wk, dn,
                       preferred_element_type=jnp.float32) + bk
  qn = qf / jnp.maximum(
      jnp.sqrt(jnp.sum(qf * qf, axis=-1, keepdims=True)), 1e-12)
  kn = kf / jnp.maximum(
      jnp.sqrt(jnp.sum(kf * kf, axis=-1, keepdims=True)), 1e-12)
  cos = jnp.sum(qn[:-1] * kn[1:], axis=-1, keepdims=True)
  a_tail = jnp.clip(0.5 * (1.0 - cos), 0.0, 1.0)
  return jnp.concatenate(
      [jnp.ones((1, 1), jnp.float32), a_tail], axis=0)


def _enc_body(h_ref, mean_ref, m_ref, wqt_ref, bq_ref, wkt_ref, bk_ref,
              hn_ref, dest_ref, mnext_ref):
  b = pl.program_id(0)
  hn = h_ref[0] * lax.rsqrt(mean_ref[0] + 1e-6)
  hn_ref[0] = hn
  a = _routing_a(hn, wqt_ref[...], bq_ref[...], wkt_ref[...], bk_ref[...])
  bm = jnp.where((a > 0.5) & (m_ref[0] > 0.5), 1.0, 0.0)
  cs = _cumsum_col(bm)
  n = cs[_L - 1:_L, :]
  iota = lax.broadcasted_iota(jnp.int32, (_L, 1), 0).astype(jnp.float32)
  dest = jnp.where(bm > 0.5, cs - 1.0, n + iota - cs)
  dest_ref[0] = dest.astype(jnp.int32) + b * _L
  mnext_ref[0] = jnp.where(iota < n, 1.0, 0.0)


def _dec_body(h_ref, mean_ref, m_ref, wqt_ref, bq_ref, wkt_ref,
              bk_ref, p_ref, cb_ref):
  b = pl.program_id(0)
  hn = h_ref[0] * lax.rsqrt(mean_ref[0] + 1e-6)
  a = _routing_a(hn, wqt_ref[...], bq_ref[...], wkt_ref[...], bk_ref[...])
  bm = jnp.where((a > 0.5) & (m_ref[0] > 0.5), 1.0, 0.0)
  p_ref[0] = jnp.clip(a, 1e-4, 1.0 - 1e-4)
  cs = _cumsum_col(bm)
  cb = jnp.clip(cs - 1.0, 0.0, float(_L - 1))
  cb_ref[0] = cb.astype(jnp.int32) + b * _L


def _ema_exact_body(h_ref, mean_ref, enc_ref, cb_ref, pr_ref, spc_ref,
                    spr_ref, rw_ref, out_ref, zx_ref):
  b = pl.program_id(0)
  hn = h_ref[0] * lax.rsqrt(mean_ref[0] + 1e-6)
  for c in range(_NCH):
    kk = (c + 1) * _T
    cbc = cb_ref[0, c * _T:(c + 1) * _T, :] - b * _L
    kx = lax.broadcasted_iota(jnp.int32, (_T, kk), 1)
    eoh = jnp.where(kx == cbc, 1.0, 0.0)
    zx_ref[pl.ds(c * _T, _T), :_D] = jnp.dot(
        eoh, hn[:kk], preferred_element_type=jnp.float32)
    zx_ref[pl.ds(c * _T, _T), _D:] = jnp.dot(
        eoh, enc_ref[0, :kk, :], preferred_element_type=jnp.float32)
    sp_col = spc_ref[0, c * _T:(c + 1) * _T, :]
    expo = sp_col - spr_ref[0, :, :kk]
    ii = lax.broadcasted_iota(jnp.int32, (_T, kk), 0) + c * _T
    jj = lax.broadcasted_iota(jnp.int32, (_T, kk), 1)
    w = pr_ref[0, :, :kk] * jnp.exp(jnp.where(ii >= jj, expo, -jnp.inf))
    o2 = jnp.dot(w, zx_ref[:kk, :], preferred_element_type=jnp.float32)
    out_ref[0, c * _T:(c + 1) * _T, :] = (
        o2[:, :_D] + rw_ref[...] * o2[:, _D:])


def _ema_fast_body(h_ref, mean_ref, enc_ref, cb_ref, pr_ref, spc_ref,
                   spr_ref, rw_ref, out_ref):
  ii = lax.broadcasted_iota(jnp.int32, (_T, _T), 0)
  jj = lax.broadcasted_iota(jnp.int32, (_T, _T), 1)
  causal = ii >= jj
  b = pl.program_id(0)
  hn = h_ref[0] * lax.rsqrt(mean_ref[0] + 1e-6)

  y = jnp.zeros((1, 2 * _D), jnp.float32)
  sp_prev = jnp.zeros((1, 1), jnp.float32)
  for c in range(_NCH):
    kk = (c + 1) * _T
    sp_col = spc_ref[0, c * _T:(c + 1) * _T, :]
    sp_row = spr_ref[0, :, c * _T:(c + 1) * _T]
    p_row = pr_ref[0, :, c * _T:(c + 1) * _T]
    cbc = cb_ref[0, c * _T:(c + 1) * _T, :] - b * _L
    kx = lax.broadcasted_iota(jnp.int32, (_T, kk), 1)
    eoh = jnp.where(kx == cbc, 1.0, 0.0)
    zc = jnp.concatenate(
        [jnp.dot(eoh, hn[:kk], preferred_element_type=jnp.float32),
         jnp.dot(eoh, enc_ref[0, :kk, :],
                 preferred_element_type=jnp.float32)], axis=1)
    w = jnp.where(causal, p_row * jnp.exp(sp_col - sp_row), 0.0)
    o2 = jnp.dot(w, zc, preferred_element_type=jnp.float32)
    o2 = o2 + jnp.exp(sp_col - sp_prev) * y
    out_ref[0, c * _T:(c + 1) * _T, :] = (
        o2[:, :_D] + rw_ref[...] * o2[:, _D:])
    y = o2[_T - 1:_T, :]
    sp_prev = sp_col[_T - 1:_T, :]


def _enc_call(h, mean, m, wqt, bq, wkt, bk):
  return pl.pallas_call(
      _enc_body,
      grid=(_B,),
      in_specs=[
          pl.BlockSpec((1, _L, _D), lambda b: (b, 0, 0)),
          pl.BlockSpec((1, _L, 1), lambda b: (b, 0, 0)),
          pl.BlockSpec((1, _L, 1), lambda b: (b, 0, 0)),
          pl.BlockSpec((_D, _D), lambda b: (0, 0)),
          pl.BlockSpec((1, _D), lambda b: (0, 0)),
          pl.BlockSpec((_D, _D), lambda b: (0, 0)),
          pl.BlockSpec((1, _D), lambda b: (0, 0)),
      ],
      out_specs=[
          pl.BlockSpec((1, _L, _D), lambda b: (b, 0, 0)),
          pl.BlockSpec((1, _L, 1), lambda b: (b, 0, 0)),
          pl.BlockSpec((1, _L, 1), lambda b: (b, 0, 0)),
      ],
      out_shape=[
          jax.ShapeDtypeStruct((_B, _L, _D), jnp.float32),
          jax.ShapeDtypeStruct((_B, _L, 1), jnp.int32),
          jax.ShapeDtypeStruct((_B, _L, 1), jnp.float32),
      ],
      compiler_params=pltpu.CompilerParams(
          dimension_semantics=("arbitrary",)),
  )(h, mean, m, wqt, bq, wkt, bk)


def _dec_call(h, mean, m, wq, bq, wk, bk):
  return pl.pallas_call(
      _dec_body,
      grid=(_B,),
      in_specs=[
          pl.BlockSpec((1, _L, _D), lambda b: (b, 0, 0)),
          pl.BlockSpec((1, _L, 1), lambda b: (b, 0, 0)),
          pl.BlockSpec((1, _L, 1), lambda b: (b, 0, 0)),
          pl.BlockSpec((_D, _D), lambda b: (0, 0)),
          pl.BlockSpec((1, _D), lambda b: (0, 0)),
          pl.BlockSpec((_D, _D), lambda b: (0, 0)),
          pl.BlockSpec((1, _D), lambda b: (0, 0)),
      ],
      out_specs=[
          pl.BlockSpec((1, _L, 1), lambda b: (b, 0, 0)),
          pl.BlockSpec((1, _L, 1), lambda b: (b, 0, 0)),
      ],
      out_shape=[
          jax.ShapeDtypeStruct((_B, _L, 1), jnp.float32),
          jax.ShapeDtypeStruct((_B, _L, 1), jnp.int32),
      ],
      compiler_params=pltpu.CompilerParams(
          dimension_semantics=("arbitrary",)),
  )(h, mean, m, wq, bq, wk, bk)


def _ema_call(body, scratch, h, mean, enc_n, cb, p_row, spad_col, spad_row,
              rw):
  return pl.pallas_call(
      body,
      grid=(_B,),
      in_specs=[
          pl.BlockSpec((1, _L, _D), lambda b: (b, 0, 0)),
          pl.BlockSpec((1, _L, 1), lambda b: (b, 0, 0)),
          pl.BlockSpec((1, _L, _D), lambda b: (b, 0, 0)),
          pl.BlockSpec((1, _L, 1), lambda b: (b, 0, 0)),
          pl.BlockSpec((1, 1, _L), lambda b: (b, 0, 0)),
          pl.BlockSpec((1, _L, 1), lambda b: (b, 0, 0)),
          pl.BlockSpec((1, 1, _L), lambda b: (b, 0, 0)),
          pl.BlockSpec((1, 1), lambda b: (0, 0)),
      ],
      out_specs=pl.BlockSpec((1, _L, _D), lambda b: (b, 0, 0)),
      out_shape=jax.ShapeDtypeStruct((_B, _L, _D), jnp.float32),
      scratch_shapes=scratch,
      compiler_params=pltpu.CompilerParams(
          dimension_semantics=("arbitrary",)),
  )(h, mean, enc_n, cb, p_row, spad_col, spad_row, rw)


@functools.cache
def _build_sc_kernels():
  mesh = plsc.VectorSubcoreMesh(
      core_axis_name="c", subcore_axis_name="s",
      num_cores=_NC, num_subcores=_NS)

  @functools.partial(
      pl.kernel,
      out_type=jax.ShapeDtypeStruct((_B * _L, _D), jnp.float32),
      mesh=mesh,
      scratch_types=[
          pltpu.VMEM((2, 128), jnp.int32),
          pltpu.VMEM((_RPW, _D), jnp.float32),
          pltpu.SemaphoreType.DMA,
      ],
  )
  def sc_permute(h_hbm, idx_hbm, out_hbm, idx_v, rows_v, sem):
    wid = lax.axis_index("s") * _NC + lax.axis_index("c")
    base = wid * _RPW
    pltpu.sync_copy(idx_hbm.at[wid], idx_v)
    pltpu.sync_copy(h_hbm.at[pl.ds(base, _RPW)], rows_v)
    for j in range(2):
      pltpu.async_copy(
          rows_v.at[pl.ds(j * 128, 128)], out_hbm.at[idx_v.at[j]], sem).wait()

  return sc_permute


def _sc_permute(h_flat, idx):
  return _build_sc_kernels()(h_flat, idx)


def kernel(hidden_states, mask, enc_Wq, enc_bq, enc_Wk, enc_bk,
           dec_Wq, dec_bq, dec_Wk, dec_bk, residual_weights):
  h = hidden_states
  m = mask.astype(jnp.float32).reshape(_B, _L, 1)

  enc_norms = []
  for i in range(2):
    mean = jnp.mean(h * h, axis=-1, keepdims=True)
    hn, dest, m_next = _enc_call(
        h, mean, m, enc_Wq[i], enc_bq[i].reshape(1, _D),
        enc_Wk[i], enc_bk[i].reshape(1, _D))
    enc_norms.append(hn)
    h = _sc_permute(
        hn.reshape(_B * _L, _D),
        dest.reshape(_NW, 2, 128)).reshape(_B, _L, _D)
    m = m_next

  enc_rev = enc_norms[::-1]
  for i in range(2):
    mean = jnp.mean(h * h, axis=-1, keepdims=True)
    p, cb = _dec_call(
        h, mean, m, dec_Wq[i], dec_bq[i].reshape(1, _D),
        dec_Wk[i], dec_bk[i].reshape(1, _D))
    p2 = p.reshape(_B, _L)
    s = jnp.cumsum(jnp.log1p(-p2), axis=1)
    spad = jnp.concatenate([jnp.zeros((_B, 1), jnp.float32), s[:, :-1]],
                           axis=1)
    body, scratch = ((_ema_exact_body, [pltpu.VMEM((_L, 2 * _D),
                                                   jnp.float32)])
                     if i == 0 else (_ema_fast_body, []))
    h = _ema_call(body, scratch, h, mean, enc_rev[i], cb,
                  p.reshape(_B, 1, _L), spad.reshape(_B, _L, 1),
                  spad.reshape(_B, 1, _L), residual_weights[i].reshape(1, 1))

  return h

# --- scband reference (transcript-rebuilt; emitter-appended) ---
"""Pipeline reference for scband-hnet-5317169512678 (READ-ONLY COPY).

The authoritative reference and input builder live on the scoring server;
editing this copy changes nothing except your own understanding.
"""

import jax, jax.numpy as jnp
import numpy as np

N_LAYERS = 2
B, L, D = 4, 2048, 256

def rms_norm(x, eps=1e-6):
    return x * jax.lax.rsqrt(jnp.mean(x * x, axis=-1, keepdims=True) + eps)

def routing(x, mask, Wq, bq, Wk, bk):
    Q = (x @ Wq.T + bq)[:, :-1]
    K = (x @ Wk.T + bk)[:, 1:]
    Qn = Q / jnp.maximum(jnp.linalg.norm(Q, axis=-1, keepdims=True), 1e-12)
    Kn = K / jnp.maximum(jnp.linalg.norm(K, axis=-1, keepdims=True), 1e-12)
    cos_sim = jnp.sum(Qn * Kn, axis=-1)
    A = jnp.clip(0.5 * (1.0 - cos_sim), 0.0, 1.0)
    A = jnp.pad(A, ((0, 0), (1, 0)), constant_values=1.0)
    boundary_probs = jnp.stack((1.0 - A, A), axis=-1)
    sel = jnp.argmax(boundary_probs, axis=-1)
    boundary_mask = sel.astype(bool) & mask
    return boundary_probs, boundary_mask, sel

def down_sample(h, boundary_mask):
    b, l, d = h.shape
    num_tokens = boundary_mask.sum(axis=-1)
    flat = jnp.arange(l)[None, :] + (~boundary_mask).astype(jnp.int32) * l
    order = jnp.argsort(flat, axis=1)
    nh = jnp.take_along_axis(h, jnp.broadcast_to(order[:, :, None], (b, l, d)), axis=1)
    nmask = jnp.arange(l)[None, :] < num_tokens[:, None]
    return nh, nmask

def upsample(z, boundary_probs, boundary_mask):
    b, lc, d = z.shape
    lo = boundary_mask.shape[1]
    cb = jnp.cumsum(boundary_mask.astype(jnp.float32), axis=-1)
    cb = jnp.clip(cb - 1.0, 0, lc - 1).astype(jnp.int32)
    p = jnp.clip(boundary_probs[:, :, 1].astype(jnp.float32), 1e-4, 1.0 - 1e-4)
    z_exp = jnp.take_along_axis(z, jnp.broadcast_to(cb[:, :, None], (b, lo, d)), axis=1)
    log1mp = jnp.log1p(-p)
    S = jnp.cumsum(log1mp, axis=1)
    Spad = jnp.concatenate([jnp.zeros((b, 1), z.dtype), S[:, :-1]], axis=1)
    causal = jnp.tril(jnp.ones((lo, lo), dtype=bool))
    expo = Spad[:, :, None] - Spad[:, None, :]
    expo = jnp.where(causal[None], expo, -jnp.inf)
    W = p[:, None, :] * jnp.exp(expo)
    return jnp.einsum('bij,bjd->bid', W, z_exp)

def hnet_forward(h, mask, enc_params, dec_params, residual_weights):
    enc_outs = []
    m = mask
    for i in range(N_LAYERS):
        h = rms_norm(h)
        enc_outs.append(h)
        bp, bm, sel = routing(h, m, *enc_params[i])
        h, m = down_sample(h, bm)
    enc_rev = enc_outs[::-1]
    for i in range(N_LAYERS):
        h = rms_norm(h)
        bp, bm, sel = routing(h, m, *dec_params[i])
        h = upsample(h, bp, bm)
        er = upsample(enc_rev[i], bp, bm)
        h = h + residual_weights[i] * er
    return h

def setup_inputs(seed: int = 0):
    key = jax.random.key(seed)
    ks = jax.random.split(key, 10)
    s = 1.0 / np.sqrt(D)
    return {
        "hidden_states": jax.random.normal(ks[0], (B, L, D), jnp.float32),
        "mask": jnp.ones((B, L), dtype=bool),
        "enc_Wq": jax.random.uniform(ks[1], (N_LAYERS, D, D), jnp.float32, -s, s),
        "enc_bq": jax.random.uniform(ks[2], (N_LAYERS, D), jnp.float32, -s, s),
        "enc_Wk": jax.random.uniform(ks[3], (N_LAYERS, D, D), jnp.float32, -s, s),
        "enc_bk": jax.random.uniform(ks[4], (N_LAYERS, D), jnp.float32, -s, s),
        "dec_Wq": jax.random.uniform(ks[5], (N_LAYERS, D, D), jnp.float32, -s, s),
        "dec_bq": jax.random.uniform(ks[6], (N_LAYERS, D), jnp.float32, -s, s),
        "dec_Wk": jax.random.uniform(ks[7], (N_LAYERS, D, D), jnp.float32, -s, s),
        "dec_bk": jax.random.uniform(ks[8], (N_LAYERS, D), jnp.float32, -s, s),
        "residual_weights": jnp.ones((N_LAYERS,), jnp.float32),
    }

def reference(hidden_states, mask, enc_Wq, enc_bq, enc_Wk, enc_bk, dec_Wq, dec_bq, dec_Wk, dec_bk, residual_weights):
    enc_params = [(enc_Wq[i], enc_bq[i], enc_Wk[i], enc_bk[i]) for i in range(N_LAYERS)]
    dec_params = [(dec_Wq[i], dec_bq[i], dec_Wk[i], dec_bk[i]) for i in range(N_LAYERS)]
    return hnet_forward(hidden_states, mask, enc_params, dec_params, residual_weights)

if __name__ == "__main__":
    import jax
    _d = setup_inputs()
    print(jax.jit(kernel)(*tuple(_d.values())))

</pallas_src>

<mosaic_0001>
#map = affine_map<(d0, d1) -> (0, 0)>
#map1 = affine_map<(d0, d1) -> (0, 0, 0)>
module attributes {stable_mosaic.version = 14 : i64} {
  func.func @sc_permute(%arg0: i32, %arg1: i32, %arg2: memref<8192x256xf32, #tpu.memory_space<hbm>>, %arg3: memref<32x2x128xi32, #tpu.memory_space<hbm>>, %arg4: memref<8192x256xf32, #tpu.memory_space<hbm>>, %arg5: memref<2x128xi32, #tpu.memory_space<vmem>>, %arg6: memref<256x256xf32, #tpu.memory_space<vmem>>, %arg7: memref<!tpu.dma_semaphore, #tpu.memory_space<semaphore_mem>>) attributes {dimension_semantics = [#tpu.dimension_semantics<core_parallel>, #tpu.dimension_semantics<subcore_parallel>], iteration_bounds = array<i64: 2, 16>, scalar_prefetch = 0 : i64, scratch_operands = 3 : i64, tpu.core_type = #tpu.core_type<sc_vector_subcore>, window_params = [{transform_indices = #map}, {transform_indices = #map1}, {transform_indices = #map}]} {
    %mul3A = arith.constant 2 : i32
    %mul3A_0 = arith.muli %arg1, %mul3A : i32
    %add3A = arith.addi %mul3A_0, %arg0 : i32
    %mul3A_1 = arith.constant 256 : i32
    %mul3A_2 = arith.muli %add3A, %mul3A_1 : i32
    "tpu.region"() ({
      %run_scoped3A = tpu.sem_alloc : memref<!tpu.dma_semaphore, #tpu.memory_space<semaphore_mem>>
      %dma_start3A_41 = arith.constant 0 : i32
      %dma_start3A_42 = arith.constant 0 : i32
      %dma_start3A_43 = tpu.memref_slice %arg3[%add3A, %dma_start3A_41, %dma_start3A_42] : memref<32x2x128xi32, #tpu.memory_space<hbm>> -> memref<1x2x128xi32, #tpu.memory_space<hbm>>
      %dma_start3A_44 = tpu.memref_squeeze %dma_start3A_43 : memref<1x2x128xi32, #tpu.memory_space<hbm>> -> memref<2x128xi32, #tpu.memory_space<hbm>>
      %dma_start3A_45 = arith.constant 0 : i32
      %dma_start3A_46 = arith.constant 0 : i32
      %dma_start3A_47 = tpu.memref_slice %arg3[%add3A, %dma_start3A_45, %dma_start3A_46] : memref<32x2x128xi32, #tpu.memory_space<hbm>> -> memref<1x2x128xi32, #tpu.memory_space<hbm>>
      %dma_start3A_48 = tpu.memref_squeeze %dma_start3A_47 : memref<1x2x128xi32, #tpu.memory_space<hbm>> -> memref<2x128xi32, #tpu.memory_space<hbm>>
      tpu.enqueue_dma source(%dma_start3A_48 : memref<2x128xi32, #tpu.memory_space<hbm>>) target(%arg5 : memref<2x128xi32, #tpu.memory_space<vmem>>) target_semaphore(%run_scoped3A : memref<!tpu.dma_semaphore, #tpu.memory_space<semaphore_mem>>)
      %dma_wait3A_49 = arith.constant 0 : i32
      %dma_wait3A_50 = arith.constant 0 : i32
      %dma_wait3A_51 = tpu.memref_slice %arg3[%add3A, %dma_wait3A_49, %dma_wait3A_50] : memref<32x2x128xi32, #tpu.memory_space<hbm>> -> memref<1x2x128xi32, #tpu.memory_space<hbm>>
      %dma_wait3A_52 = tpu.memref_squeeze %dma_wait3A_51 : memref<1x2x128xi32, #tpu.memory_space<hbm>> -> memref<2x128xi32, #tpu.memory_space<hbm>>
      %dma_wait3A_53 = arith.constant 0 : i32
      %dma_wait3A_54 = arith.constant 0 : i32
      %dma_wait3A_55 = tpu.memref_slice %arg3[%add3A, %dma_wait3A_53, %dma_wait3A_54] : memref<32x2x128xi32, #tpu.memory_space<hbm>> -> memref<1x2x128xi32, #tpu.memory_space<hbm>>
      %dma_wait3A_56 = tpu.memref_squeeze %dma_wait3A_55 : memref<1x2x128xi32, #tpu.memory_space<hbm>> -> memref<2x128xi32, #tpu.memory_space<hbm>>
      tpu.wait_dma2 semaphore(%run_scoped3A : memref<!tpu.dma_semaphore, #tpu.memory_space<semaphore_mem>>) src(%dma_wait3A_56 : memref<2x128xi32, #tpu.memory_space<hbm>>) dst(%arg5 : memref<2x128xi32, #tpu.memory_space<vmem>>)
      tpu.yield
    }) : () -> ()
    "tpu.region"() ({
      %run_scoped3A = tpu.sem_alloc : memref<!tpu.dma_semaphore, #tpu.memory_space<semaphore_mem>>
      %dma_start3A_41 = arith.constant 0 : i32
      %dma_start3A_42 = tpu.memref_slice %arg2[%mul3A_2, %dma_start3A_41] : memref<8192x256xf32, #tpu.memory_space<hbm>> -> memref<256x256xf32, #tpu.memory_space<hbm>>
      %dma_start3A_43 = arith.constant 0 : i32
      %dma_start3A_44 = tpu.memref_slice %arg2[%mul3A_2, %dma_start3A_43] : memref<8192x256xf32, #tpu.memory_space<hbm>> -> memref<256x256xf32, #tpu.memory_space<hbm>>
      tpu.enqueue_dma source(%dma_start3A_44 : memref<256x256xf32, #tpu.memory_space<hbm>>) target(%arg6 : memref<256x256xf32, #tpu.memory_space<vmem>>) target_semaphore(%run_scoped3A : memref<!tpu.dma_semaphore, #tpu.memory_space<semaphore_mem>>)
      %dma_wait3A_45 = arith.constant 0 : i32
      %dma_wait3A_46 = tpu.memref_slice %arg2[%mul3A_2, %dma_wait3A_45] : memref<8192x256xf32, #tpu.memory_space<hbm>> -> memref<256x256xf32, #tpu.memory_space<hbm>>
      %dma_wait3A_47 = arith.constant 0 : i32
      %dma_wait3A_48 = tpu.memref_slice %arg2[%mul3A_2, %dma_wait3A_47] : memref<8192x256xf32, #tpu.memory_space<hbm>> -> memref<256x256xf32, #tpu.memory_space<hbm>>
      tpu.wait_dma2 semaphore(%run_scoped3A : memref<!tpu.dma_semaphore, #tpu.memory_space<semaphore_mem>>) src(%dma_wait3A_48 : memref<256x256xf32, #tpu.memory_space<hbm>>) dst(%arg6 : memref<256x256xf32, #tpu.memory_space<vmem>>)
      tpu.yield
    }) : () -> ()
    %dma_start3A = arith.constant 0 : i32
    %dma_start3A_3 = arith.constant 0 : i32
    %dma_start3A_4 = arith.constant 0 : i32
    %dma_start3A_5 = tpu.memref_slice %arg6[%dma_start3A_3, %dma_start3A_4] : memref<256x256xf32, #tpu.memory_space<vmem>> -> memref<128x256xf32, #tpu.memory_space<vmem>>
    %dma_start3A_6 = arith.constant 0 : i32
    %dma_start3A_7 = tpu.memref_slice %arg5[%dma_start3A, %dma_start3A_6] : memref<2x128xi32, #tpu.memory_space<vmem>> -> memref<1x128xi32, #tpu.memory_space<vmem>>
    %dma_start3A_8 = tpu.memref_squeeze %dma_start3A_7 : memref<1x128xi32, #tpu.memory_space<vmem>> -> memref<128xi32, #tpu.memory_space<vmem>>
    %dma_start3A_9 = arith.constant 0 : i32
    %dma_start3A_10 = arith.constant 0 : i32
    %dma_start3A_11 = tpu.memref_slice %arg4[%dma_start3A_9, %dma_start3A_10] : memref<8192x256xf32, #tpu.memory_space<hbm>> -> memref<8192x256xf32, #tpu.memory_space<hbm>>
    tpu.enqueue_indirect_dma source(%dma_start3A_5 : memref<128x256xf32, #tpu.memory_space<vmem>>) target(%dma_start3A_11 : memref<8192x256xf32, #tpu.memory_space<hbm>>) offsets(%dma_start3A_8 : memref<128xi32, #tpu.memory_space<vmem>>) semaphore(%arg7 : memref<!tpu.dma_semaphore, #tpu.memory_space<semaphore_mem>>)
    %dma_wait3A = arith.constant 0 : i32
    %dma_wait3A_12 = arith.constant 0 : i32
    %dma_wait3A_13 = arith.constant 0 : i32
    %dma_wait3A_14 = tpu.memref_slice %arg6[%dma_wait3A_12, %dma_wait3A_13] : memref<256x256xf32, #tpu.memory_space<vmem>> -> memref<128x256xf32, #tpu.memory_space<vmem>>
    %dma_wait3A_15 = arith.constant 0 : i32
    %dma_wait3A_16 = tpu.memref_slice %arg5[%dma_wait3A, %dma_wait3A_15] : memref<2x128xi32, #tpu.memory_space<vmem>> -> memref<1x128xi32, #tpu.memory_space<vmem>>
    %dma_wait3A_17 = tpu.memref_squeeze %dma_wait3A_16 : memref<1x128xi32, #tpu.memory_space<vmem>> -> memref<128xi32, #tpu.memory_space<vmem>>
    %dma_wait3A_18 = arith.constant 0 : i32
    %dma_wait3A_19 = arith.constant 0 : i32
    %dma_wait3A_20 = tpu.memref_slice %arg4[%dma_wait3A_18, %dma_wait3A_19] : memref<8192x256xf32, #tpu.memory_space<hbm>> -> memref<8192x256xf32, #tpu.memory_space<hbm>>
    tpu.wait_indirect_dma semaphore(%arg7 : memref<!tpu.dma_semaphore, #tpu.memory_space<semaphore_mem>>) src(%dma_wait3A_14 : memref<128x256xf32, #tpu.memory_space<vmem>>) dst(%dma_wait3A_20 : memref<8192x256xf32, #tpu.memory_space<hbm>>)
    %dma_start3A_21 = arith.constant 1 : i32
    %dma_start3A_22 = arith.constant 128 : i32
    %dma_start3A_23 = arith.constant 0 : i32
    %dma_start3A_24 = tpu.memref_slice %arg6[%dma_start3A_22, %dma_start3A_23] : memref<256x256xf32, #tpu.memory_space<vmem>> -> memref<128x256xf32, #tpu.memory_space<vmem>>
    %dma_start3A_25 = arith.constant 0 : i32
    %dma_start3A_26 = tpu.memref_slice %arg5[%dma_start3A_21, %dma_start3A_25] : memref<2x128xi32, #tpu.memory_space<vmem>> -> memref<1x128xi32, #tpu.memory_space<vmem>>
    %dma_start3A_27 = tpu.memref_squeeze %dma_start3A_26 : memref<1x128xi32, #tpu.memory_space<vmem>> -> memref<128xi32, #tpu.memory_space<vmem>>
    %dma_start3A_28 = arith.constant 0 : i32
    %dma_start3A_29 = arith.constant 0 : i32
    %dma_start3A_30 = tpu.memref_slice %arg4[%dma_start3A_28, %dma_start3A_29] : memref<8192x256xf32, #tpu.memory_space<hbm>> -> memref<8192x256xf32, #tpu.memory_space<hbm>>
    tpu.enqueue_indirect_dma source(%dma_start3A_24 : memref<128x256xf32, #tpu.memory_space<vmem>>) target(%dma_start3A_30 : memref<8192x256xf32, #tpu.memory_space<hbm>>) offsets(%dma_start3A_27 : memref<128xi32, #tpu.memory_space<vmem>>) semaphore(%arg7 : memref<!tpu.dma_semaphore, #tpu.memory_space<semaphore_mem>>)
    %dma_wait3A_31 = arith.constant 1 : i32
    %dma_wait3A_32 = arith.constant 128 : i32
    %dma_wait3A_33 = arith.constant 0 : i32
    %dma_wait3A_34 = tpu.memref_slice %arg6[%dma_wait3A_32, %dma_wait3A_33] : memref<256x256xf32, #tpu.memory_space<vmem>> -> memref<128x256xf32, #tpu.memory_space<vmem>>
    %dma_wait3A_35 = arith.constant 0 : i32
    %dma_wait3A_36 = tpu.memref_slice %arg5[%dma_wait3A_31, %dma_wait3A_35] : memref<2x128xi32, #tpu.memory_space<vmem>> -> memref<1x128xi32, #tpu.memory_space<vmem>>
    %dma_wait3A_37 = tpu.memref_squeeze %dma_wait3A_36 : memref<1x128xi32, #tpu.memory_space<vmem>> -> memref<128xi32, #tpu.memory_space<vmem>>
    %dma_wait3A_38 = arith.constant 0 : i32
    %dma_wait3A_39 = arith.constant 0 : i32
    %dma_wait3A_40 = tpu.memref_slice %arg4[%dma_wait3A_38, %dma_wait3A_39] : memref<8192x256xf32, #tpu.memory_space<hbm>> -> memref<8192x256xf32, #tpu.memory_space<hbm>>
    tpu.wait_indirect_dma semaphore(%arg7 : memref<!tpu.dma_semaphore, #tpu.memory_space<semaphore_mem>>) src(%dma_wait3A_34 : memref<128x256xf32, #tpu.memory_space<vmem>>) dst(%dma_wait3A_40 : memref<8192x256xf32, #tpu.memory_space<hbm>>)
    return
  }
}

#map = affine_map<(d0, d1) -> (0, 0)>
#map1 = affine_map<(d0, d1) -> (0, 0, 0)>
module attributes {stable_mosaic.version = 14 : i64} {
  func.func @sc_permute(%arg0: i32, %arg1: i32, %arg2: memref<8192x256xf32, #tpu.memory_space<hbm>>, %arg3: memref<32x2x128xi32, #tpu.memory_space<hbm>>, %arg4: memref<8192x256xf32, #tpu.memory_space<hbm>>, %arg5: memref<2x128xi32, #tpu.memory_space<vmem>>, %arg6: memref<256x256xf32, #tpu.memory_space<vmem>>, %arg7: memref<!tpu.dma_semaphore, #tpu.memory_space<semaphore_mem>>) attributes {dimension_semantics = [#tpu.dimension_semantics<core_parallel>, #tpu.dimension_semantics<subcore_parallel>], iteration_bounds = array<i64: 2, 16>, scalar_prefetch = 0 : i64, scratch_operands = 3 : i64, tpu.core_type = #tpu.core_type<sc_vector_subcore>, window_params = [{transform_indices = #map}, {transform_indices = #map1}, {transform_indices = #map}]} {
    %mul3A = arith.constant 2 : i32
    %mul3A_0 = arith.muli %arg1, %mul3A : i32
    %add3A = arith.addi %mul3A_0, %arg0 : i32
    %mul3A_1 = arith.constant 256 : i32
    %mul3A_2 = arith.muli %add3A, %mul3A_1 : i32
    "tpu.region"() ({
      %run_scoped3A = tpu.sem_alloc : memref<!tpu.dma_semaphore, #tpu.memory_space<semaphore_mem>>
      %dma_start3A_41 = arith.constant 0 : i32
      %dma_start3A_42 = arith.constant 0 : i32
      %dma_start3A_43 = tpu.memref_slice %arg3[%add3A, %dma_start3A_41, %dma_start3A_42] : memref<32x2x128xi32, #tpu.memory_space<hbm>> -> memref<1x2x128xi32, #tpu.memory_space<hbm>>
      %dma_start3A_44 = tpu.memref_squeeze %dma_start3A_43 : memref<1x2x128xi32, #tpu.memory_space<hbm>> -> memref<2x128xi32, #tpu.memory_space<hbm>>
      %dma_start3A_45 = arith.constant 0 : i32
      %dma_start3A_46 = arith.constant 0 : i32
      %dma_start3A_47 = tpu.memref_slice %arg3[%add3A, %dma_start3A_45, %dma_start3A_46] : memref<32x2x128xi32, #tpu.memory_space<hbm>> -> memref<1x2x128xi32, #tpu.memory_space<hbm>>
      %dma_start3A_48 = tpu.memref_squeeze %dma_start3A_47 : memref<1x2x128xi32, #tpu.memory_space<hbm>> -> memref<2x128xi32, #tpu.memory_space<hbm>>
      tpu.enqueue_dma source(%dma_start3A_48 : memref<2x128xi32, #tpu.memory_space<hbm>>) target(%arg5 : memref<2x128xi32, #tpu.memory_space<vmem>>) target_semaphore(%run_scoped3A : memref<!tpu.dma_semaphore, #tpu.memory_space<semaphore_mem>>)
      %dma_wait3A_49 = arith.constant 0 : i32
      %dma_wait3A_50 = arith.constant 0 : i32
      %dma_wait3A_51 = tpu.memref_slice %arg3[%add3A, %dma_wait3A_49, %dma_wait3A_50] : memref<32x2x128xi32, #tpu.memory_space<hbm>> -> memref<1x2x128xi32, #tpu.memory_space<hbm>>
      %dma_wait3A_52 = tpu.memref_squeeze %dma_wait3A_51 : memref<1x2x128xi32, #tpu.memory_space<hbm>> -> memref<2x128xi32, #tpu.memory_space<hbm>>
      %dma_wait3A_53 = arith.constant 0 : i32
      %dma_wait3A_54 = arith.constant 0 : i32
      %dma_wait3A_55 = tpu.memref_slice %arg3[%add3A, %dma_wait3A_53, %dma_wait3A_54] : memref<32x2x128xi32, #tpu.memory_space<hbm>> -> memref<1x2x128xi32, #tpu.memory_space<hbm>>
      %dma_wait3A_56 = tpu.memref_squeeze %dma_wait3A_55 : memref<1x2x128xi32, #tpu.memory_space<hbm>> -> memref<2x128xi32, #tpu.memory_space<hbm>>
      tpu.wait_dma2 semaphore(%run_scoped3A : memref<!tpu.dma_semaphore, #tpu.memory_space<semaphore_mem>>) src(%dma_wait3A_56 : memref<2x128xi32, #tpu.memory_space<hbm>>) dst(%arg5 : memref<2x128xi32, #tpu.memory_space<vmem>>)
      tpu.yield
    }) : () -> ()
    "tpu.region"() ({
      %run_scoped3A = tpu.sem_alloc : memref<!tpu.dma_semaphore, #tpu.memory_space<semaphore_mem>>
      %dma_start3A_41 = arith.constant 0 : i32
      %dma_start3A_42 = tpu.memref_slice %arg2[%mul3A_2, %dma_start3A_41] : memref<8192x256xf32, #tpu.memory_space<hbm>> -> memref<256x256xf32, #tpu.memory_space<hbm>>
      %dma_start3A_43 = arith.constant 0 : i32
      %dma_start3A_44 = tpu.memref_slice %arg2[%mul3A_2, %dma_start3A_43] : memref<8192x256xf32, #tpu.memory_space<hbm>> -> memref<256x256xf32, #tpu.memory_space<hbm>>
      tpu.enqueue_dma source(%dma_start3A_44 : memref<256x256xf32, #tpu.memory_space<hbm>>) target(%arg6 : memref<256x256xf32, #tpu.memory_space<vmem>>) target_semaphore(%run_scoped3A : memref<!tpu.dma_semaphore, #tpu.memory_space<semaphore_mem>>)
      %dma_wait3A_45 = arith.constant 0 : i32
      %dma_wait3A_46 = tpu.memref_slice %arg2[%mul3A_2, %dma_wait3A_45] : memref<8192x256xf32, #tpu.memory_space<hbm>> -> memref<256x256xf32, #tpu.memory_space<hbm>>
      %dma_wait3A_47 = arith.constant 0 : i32
      %dma_wait3A_48 = tpu.memref_slice %arg2[%mul3A_2, %dma_wait3A_47] : memref<8192x256xf32, #tpu.memory_space<hbm>> -> memref<256x256xf32, #tpu.memory_space<hbm>>
      tpu.wait_dma2 semaphore(%run_scoped3A : memref<!tpu.dma_semaphore, #tpu.memory_space<semaphore_mem>>) src(%dma_wait3A_48 : memref<256x256xf32, #tpu.memory_space<hbm>>) dst(%arg6 : memref<256x256xf32, #tpu.memory_space<vmem>>)
      tpu.yield
    }) : () -> ()
    %dma_start3A = arith.constant 0 : i32
    %dma_start3A_3 = arith.constant 0 : i32
    %dma_start3A_4 = arith.constant 0 : i32
    %dma_start3A_5 = tpu.memref_slice %arg6[%dma_start3A_3, %dma_start3A_4] : memref<256x256xf32, #tpu.memory_space<vmem>> -> memref<128x256xf32, #tpu.memory_space<vmem>>
    %dma_start3A_6 = arith.constant 0 : i32
    %dma_start3A_7 = tpu.memref_slice %arg5[%dma_start3A, %dma_start3A_6] : memref<2x128xi32, #tpu.memory_space<vmem>> -> memref<1x128xi32, #tpu.memory_space<vmem>>
    %dma_start3A_8 = tpu.memref_squeeze %dma_start3A_7 : memref<1x128xi32, #tpu.memory_space<vmem>> -> memref<128xi32, #tpu.memory_space<vmem>>
    %dma_start3A_9 = arith.constant 0 : i32
    %dma_start3A_10 = arith.constant 0 : i32
    %dma_start3A_11 = tpu.memref_slice %arg4[%dma_start3A_9, %dma_start3A_10] : memref<8192x256xf32, #tpu.memory_space<hbm>> -> memref<8192x256xf32, #tpu.memory_space<hbm>>
    tpu.enqueue_indirect_dma source(%dma_start3A_5 : memref<128x256xf32, #tpu.memory_space<vmem>>) target(%dma_start3A_11 : memref<8192x256xf32, #tpu.memory_space<hbm>>) offsets(%dma_start3A_8 : memref<128xi32, #tpu.memory_space<vmem>>) semaphore(%arg7 : memref<!tpu.dma_semaphore, #tpu.memory_space<semaphore_mem>>)
    %dma_wait3A = arith.constant 0 : i32
    %dma_wait3A_12 = arith.constant 0 : i32
    %dma_wait3A_13 = arith.constant 0 : i32
    %dma_wait3A_14 = tpu.memref_slice %arg6[%dma_wait3A_12, %dma_wait3A_13] : memref<256x256xf32, #tpu.memory_space<vmem>> -> memref<128x256xf32, #tpu.memory_space<vmem>>
    %dma_wait3A_15 = arith.constant 0 : i32
    %dma_wait3A_16 = tpu.memref_slice %arg5[%dma_wait3A, %dma_wait3A_15] : memref<2x128xi32, #tpu.memory_space<vmem>> -> memref<1x128xi32, #tpu.memory_space<vmem>>
    %dma_wait3A_17 = tpu.memref_squeeze %dma_wait3A_16 : memref<1x128xi32, #tpu.memory_space<vmem>> -> memref<128xi32, #tpu.memory_space<vmem>>
    %dma_wait3A_18 = arith.constant 0 : i32
    %dma_wait3A_19 = arith.constant 0 : i32
    %dma_wait3A_20 = tpu.memref_slice %arg4[%dma_wait3A_18, %dma_wait3A_19] : memref<8192x256xf32, #tpu.memory_space<hbm>> -> memref<8192x256xf32, #tpu.memory_space<hbm>>
    tpu.wait_indirect_dma semaphore(%arg7 : memref<!tpu.dma_semaphore, #tpu.memory_space<semaphore_mem>>) src(%dma_wait3A_14 : memref<128x256xf32, #tpu.memory_space<vmem>>) dst(%dma_wait3A_20 : memref<8192x256xf32, #tpu.memory_space<hbm>>)
    %dma_start3A_21 = arith.constant 1 : i32
    %dma_start3A_22 = arith.constant 128 : i32
    %dma_start3A_23 = arith.constant 0 : i32
    %dma_start3A_24 = tpu.memref_slice %arg6[%dma_start3A_22, %dma_start3A_23] : memref<256x256xf32, #tpu.memory_space<vmem>> -> memref<128x256xf32, #tpu.memory_space<vmem>>
    %dma_start3A_25 = arith.constant 0 : i32
    %dma_start3A_26 = tpu.memref_slice %arg5[%dma_start3A_21, %dma_start3A_25] : memref<2x128xi32, #tpu.memory_space<vmem>> -> memref<1x128xi32, #tpu.memory_space<vmem>>
    %dma_start3A_27 = tpu.memref_squeeze %dma_start3A_26 : memref<1x128xi32, #tpu.memory_space<vmem>> -> memref<128xi32, #tpu.memory_space<vmem>>
    %dma_start3A_28 = arith.constant 0 : i32
    %dma_start3A_29 = arith.constant 0 : i32
    %dma_start3A_30 = tpu.memref_slice %arg4[%dma_start3A_28, %dma_start3A_29] : memref<8192x256xf32, #tpu.memory_space<hbm>> -> memref<8192x256xf32, #tpu.memory_space<hbm>>
    tpu.enqueue_indirect_dma source(%dma_start3A_24 : memref<128x256xf32, #tpu.memory_space<vmem>>) target(%dma_start3A_30 : memref<8192x256xf32, #tpu.memory_space<hbm>>) offsets(%dma_start3A_27 : memref<128xi32, #tpu.memory_space<vmem>>) semaphore(%arg7 : memref<!tpu.dma_semaphore, #tpu.memory_space<semaphore_mem>>)
    %dma_wait3A_31 = arith.constant 1 : i32
    %dma_wait3A_32 = arith.constant 128 : i32
    %dma_wait3A_33 = arith.constant 0 : i32
    %dma_wait3A_34 = tpu.memref_slice %arg6[%dma_wait3A_32, %dma_wait3A_33] : memref<256x256xf32, #tpu.memory_space<vmem>> -> memref<128x256xf32, #tpu.memory_space<vmem>>
    %dma_wait3A_35 = arith.constant 0 : i32
    %dma_wait3A_36 = tpu.memref_slice %arg5[%dma_wait3A_31, %dma_wait3A_35] : memref<2x128xi32, #tpu.memory_space<vmem>> -> memref<1x128xi32, #tpu.memory_space<vmem>>
    %dma_wait3A_37 = tpu.memref_squeeze %dma_wait3A_36 : memref<1x128xi32, #tpu.memory_space<vmem>> -> memref<128xi32, #tpu.memory_space<vmem>>
    %dma_wait3A_38 = arith.constant 0 : i32
    %dma_wait3A_39 = arith.constant 0 : i32
    %dma_wait3A_40 = tpu.memref_slice %arg4[%dma_wait3A_38, %dma_wait3A_39] : memref<8192x256xf32, #tpu.memory_space<hbm>> -> memref<8192x256xf32, #tpu.memory_space<hbm>>
    tpu.wait_indirect_dma semaphore(%arg7 : memref<!tpu.dma_semaphore, #tpu.memory_space<semaphore_mem>>) src(%dma_wait3A_34 : memref<128x256xf32, #tpu.memory_space<vmem>>) dst(%dma_wait3A_40 : memref<8192x256xf32, #tpu.memory_space<hbm>>)
    return
  }
}

module attributes {stable_mosaic.version = 14 : i64} {
  func.func @_enc_body(%arg0: i32, %arg1: memref<1x2048x256xf32, #tpu.memory_space<vmem>>, %arg2: memref<1x2048x1xf32, #tpu.memory_space<vmem>>, %arg3: memref<1x2048x1xf32, #tpu.memory_space<vmem>>, %arg4: memref<256x256xf32, #tpu.memory_space<vmem>>, %arg5: memref<1x256xf32, #tpu.memory_space<vmem>>, %arg6: memref<256x256xf32, #tpu.memory_space<vmem>>, %arg7: memref<1x256xf32, #tpu.memory_space<vmem>>, %arg8: memref<1x2048x256xf32, #tpu.memory_space<vmem>>, %arg9: memref<1x2048x1xi32, #tpu.memory_space<vmem>>, %arg10: memref<1x2048x1xf32, #tpu.memory_space<vmem>>) attributes {dimension_semantics = [#tpu.dimension_semantics<arbitrary>], iteration_bounds = array<i64: 4>, scalar_prefetch = 0 : i64, scratch_operands = 0 : i64, tpu.core_type = #tpu.core_type<tc>, window_params = [{transform_indices = @transform_0, window_bounds = array<i64: 1, 2048, 256>}, {transform_indices = @transform_1, window_bounds = array<i64: 1, 2048, 1>}, {transform_indices = @transform_2, window_bounds = array<i64: 1, 2048, 1>}, {pipeline_mode = #tpu.pipeline_mode<synchronous>, transform_indices = @transform_3, window_bounds = array<i64: 256, 256>}, {pipeline_mode = #tpu.pipeline_mode<synchronous>, transform_indices = @transform_4, window_bounds = array<i64: 1, 256>}, {pipeline_mode = #tpu.pipeline_mode<synchronous>, transform_indices = @transform_5, window_bounds = array<i64: 256, 256>}, {pipeline_mode = #tpu.pipeline_mode<synchronous>, transform_indices = @transform_6, window_bounds = array<i64: 1, 256>}, {transform_indices = @transform_7, window_bounds = array<i64: 1, 2048, 256>}, {transform_indices = @transform_8, window_bounds = array<i64: 1, 2048, 1>}, {transform_indices = @transform_9, window_bounds = array<i64: 1, 2048, 1>}]} {
    %get3A = arith.constant 0 : index
    %get3A_0 = arith.constant 0 : index
    %get3A_1 = arith.constant 0 : index
    %get3A_2 = vector.load %arg1[%get3A, %get3A_0, %get3A_1] : memref<1x2048x256xf32, #tpu.memory_space<vmem>>, vector<1x2048x256xf32>
    %get3A_3 = vector.shape_cast %get3A_2 : vector<1x2048x256xf32> to vector<2048x256xf32>
    %get3A_4 = arith.constant 0 : index
    %get3A_5 = arith.constant 0 : index
    %get3A_6 = arith.constant 0 : index
    %get3A_7 = vector.load %arg2[%get3A_4, %get3A_5, %get3A_6] : memref<1x2048x1xf32, #tpu.memory_space<vmem>>, vector<1x2048x1xf32>
    %get3A_8 = vector.shape_cast %get3A_7 : vector<1x2048x1xf32> to vector<2048x1xf32>
    %add3A = arith.constant 9.99999997E-7 : f32
    %add3A_9 = vector.broadcast %add3A : f32 to vector<2048x1xf32>
    %add3A_10 = arith.addf %get3A_8, %add3A_9 : vector<2048x1xf32>
    %rsqrt3A = math.rsqrt %add3A_10 : vector<2048x1xf32>
    %mul3A = vector.broadcast %rsqrt3A : vector<2048x1xf32> to vector<2048x256xf32>
    %mul3A_11 = arith.mulf %get3A_3, %mul3A : vector<2048x256xf32>
    %swap3A = arith.constant 0 : index
    %swap3A_12 = arith.constant 0 : index
    %swap3A_13 = arith.constant 0 : index
    %swap3A_14 = vector.load %arg8[%swap3A, %swap3A_12, %swap3A_13] : memref<1x2048x256xf32, #tpu.memory_space<vmem>>, vector<1x2048x256xf32>
    %swap3A_15 = vector.shape_cast %swap3A_14 : vector<1x2048x256xf32> to vector<2048x256xf32>
    %swap3A_16 = vector.shape_cast %mul3A_11 : vector<2048x256xf32> to vector<1x2048x256xf32>
    tpu.vector_store %arg8[%swap3A, %swap3A_12, %swap3A_13], %swap3A_16 {strides = array<i32>} : memref<1x2048x256xf32, #tpu.memory_space<vmem>>, vector<1x2048x256xf32>,
    %get3A_17 = arith.constant 0 : index
    %get3A_18 = arith.constant 0 : index
    %get3A_19 = vector.load %arg4[%get3A_17, %get3A_18] : memref<256x256xf32, #tpu.memory_space<vmem>>, vector<256x256xf32>
    %get3A_20 = arith.constant 0 : index
    %get3A_21 = arith.constant 0 : index
    %get3A_22 = vector.load %arg5[%get3A_20, %get3A_21] : memref<1x256xf32, #tpu.memory_space<vmem>>, vector<1x256xf32>
    %get3A_23 = arith.constant 0 : index
    %get3A_24 = arith.constant 0 : index
    %get3A_25 = vector.load %arg6[%get3A_23, %get3A_24] : memref<256x256xf32, #tpu.memory_space<vmem>>, vector<256x256xf32>
    %get3A_26 = arith.constant 0 : index
    %get3A_27 = arith.constant 0 : index
    %get3A_28 = vector.load %arg7[%get3A_26, %get3A_27] : memref<1x256xf32, #tpu.memory_space<vmem>>, vector<1x256xf32>
    %dot_general3A = arith.constant dense<0.000000e+00> : vector<2048x256xf32>
    %dot_general3A_29 = tpu.matmul %mul3A_11, %get3A_19, %dot_general3A {dimension_numbers = #tpu.dot_dimension_numbers<[1], [1], [0], [0], [0, 0, 1, 0], [], []>, transpose_lhs_hint = false} : vector<2048x256xf32>, vector<256x256xf32>, vector<2048x256xf32> -> vector<2048x256xf32>
    %add3A_30 = vector.broadcast %get3A_22 : vector<1x256xf32> to vector<2048x256xf32>
    %add3A_31 = arith.addf %dot_general3A_29, %add3A_30 : vector<2048x256xf32>
    %dot_general3A_32 = arith.constant dense<0.000000e+00> : vector<2048x256xf32>
    %dot_general3A_33 = tpu.matmul %mul3A_11, %get3A_25, %dot_general3A_32 {dimension_numbers = #tpu.dot_dimension_numbers<[1], [1], [0], [0], [0, 0, 1, 0], [], []>, transpose_lhs_hint = false} : vector<2048x256xf32>, vector<256x256xf32>, vector<2048x256xf32> -> vector<2048x256xf32>
    %add3A_34 = vector.broadcast %get3A_28 : vector<1x256xf32> to vector<2048x256xf32>
    %add3A_35 = arith.addf %dot_general3A_33, %add3A_34 : vector<2048x256xf32>
    %mul3A_36 = arith.mulf %add3A_31, %add3A_31 : vector<2048x256xf32>
    %reduce_sum3A = arith.constant dense<0.000000e+00> : vector<2048xf32>
    %reduce_sum3A_37 = vector.multi_reduction <add>, %mul3A_36, %reduce_sum3A [1] : vector<2048x256xf32> to vector<2048xf32>
    %broadcast_in_dim3A = vector.shape_cast %reduce_sum3A_37 : vector<2048xf32> to vector<2048x1xf32>
    %sqrt3A = math.sqrt %broadcast_in_dim3A : vector<2048x1xf32>
    %max3A = arith.constant 9.99999996E-13 : f32
    %max3A_38 = vector.broadcast %max3A : f32 to vector<2048x1xf32>
    %max3A_39 = arith.maximumf %sqrt3A, %max3A_38 : vector<2048x1xf32>
    %div3A = vector.broadcast %max3A_39 : vector<2048x1xf32> to vector<2048x256xf32>
    %div3A_40 = arith.divf %add3A_31, %div3A : vector<2048x256xf32>
    %mul3A_41 = arith.mulf %add3A_35, %add3A_35 : vector<2048x256xf32>
    %reduce_sum3A_42 = arith.constant dense<0.000000e+00> : vector<2048xf32>
    %reduce_sum3A_43 = vector.multi_reduction <add>, %mul3A_41, %reduce_sum3A_42 [1] : vector<2048x256xf32> to vector<2048xf32>
    %broadcast_in_dim3A_44 = vector.shape_cast %reduce_sum3A_43 : vector<2048xf32> to vector<2048x1xf32>
    %sqrt3A_45 = math.sqrt %broadcast_in_dim3A_44 : vector<2048x1xf32>
    %max3A_46 = arith.constant 9.99999996E-13 : f32
    %max3A_47 = vector.broadcast %max3A_46 : f32 to vector<2048x1xf32>
    %max3A_48 = arith.maximumf %sqrt3A_45, %max3A_47 : vector<2048x1xf32>
    %div3A_49 = vector.broadcast %max3A_48 : vector<2048x1xf32> to vector<2048x256xf32>
    %div3A_50 = arith.divf %add3A_35, %div3A_49 : vector<2048x256xf32>
    %slice3A = vector.extract_strided_slice %div3A_40 {offsets = [0, 0], sizes = [2047, 256], strides = [1, 1]} : vector<2048x256xf32> to vector<2047x256xf32>
    %slice3A_51 = vector.extract_strided_slice %div3A_50 {offsets = [1, 0], sizes = [2047, 256], strides = [1, 1]} : vector<2048x256xf32> to vector<2047x256xf32>
    %mul3A_52 = arith.mulf %slice3A, %slice3A_51 : vector<2047x256xf32>
    %reduce_sum3A_53 = arith.constant dense<0.000000e+00> : vector<2047xf32>
    %reduce_sum3A_54 = vector.multi_reduction <add>, %mul3A_52, %reduce_sum3A_53 [1] : vector<2047x256xf32> to vector<2047xf32>
    %broadcast_in_dim3A_55 = vector.shape_cast %reduce_sum3A_54 : vector<2047xf32> to vector<2047x1xf32>
    %sub3A = arith.constant 1.000000e+00 : f32
    %sub3A_56 = vector.broadcast %sub3A : f32 to vector<2047x1xf32>
    %sub3A_57 = arith.subf %sub3A_56, %broadcast_in_dim3A_55 : vector<2047x1xf32>
    %mul3A_58 = arith.constant 5.000000e-01 : f32
    %mul3A_59 = vector.broadcast %mul3A_58 : f32 to vector<2047x1xf32>
    %mul3A_60 = arith.mulf %mul3A_59, %sub3A_57 : vector<2047x1xf32>
    %jit3A = arith.constant 0.000000e+00 : f32
    %jit3A_61 = arith.constant 1.000000e+00 : f32
    %max3A_62 = vector.broadcast %jit3A : f32 to vector<2047x1xf32>
    %max3A_63 = arith.maximumf %max3A_62, %mul3A_60 : vector<2047x1xf32>
    %min3A = vector.broadcast %jit3A_61 : f32 to vector<2047x1xf32>
    %min3A_64 = arith.minimumf %min3A, %max3A_63 : vector<2047x1xf32>
    %broadcast_in_dim3A_65 = arith.constant 1.000000e+00 : f32
    %broadcast_in_dim3A_66 = vector.broadcast %broadcast_in_dim3A_65 : f32 to vector<1x1xf32>
    %concatenate3A = tpu.concatenate %broadcast_in_dim3A_66, %min3A_64 in 0 : vector<1x1xf32>, vector<2047x1xf32> -> vector<2048x1xf32>
    %gt3A = arith.constant 5.000000e-01 : f32
    %gt3A_67 = vector.broadcast %gt3A : f32 to vector<2048x1xf32>
    %gt3A_68 = arith.cmpf ogt, %concatenate3A, %gt3A_67 : vector<2048x1xf32>
    %get3A_69 = arith.constant 0 : index
    %get3A_70 = arith.constant 0 : index
    %get3A_71 = arith.constant 0 : index
    %get3A_72 = vector.load %arg3[%get3A_69, %get3A_70, %get3A_71] : memref<1x2048x1xf32, #tpu.memory_space<vmem>>, vector<1x2048x1xf32>
    %get3A_73 = vector.shape_cast %get3A_72 : vector<1x2048x1xf32> to vector<2048x1xf32>
    %gt3A_74 = arith.constant 5.000000e-01 : f32
    %gt3A_75 = vector.broadcast %gt3A_74 : f32 to vector<2048x1xf32>
    %gt3A_76 = arith.cmpf ogt, %get3A_73, %gt3A_75 : vector<2048x1xf32>
    %and3A = arith.andi %gt3A_68, %gt3A_76 : vector<2048x1xi1>
    %jit3A_77 = arith.constant 1.000000e+00 : f32
    %jit3A_78 = arith.constant 0.000000e+00 : f32
    %broadcast_in_dim3A_79 = vector.broadcast %jit3A_77 : f32 to vector<2048x1xf32>
    %broadcast_in_dim3A_80 = vector.broadcast %jit3A_78 : f32 to vector<2048x1xf32>
    %select_n3A = arith.select %and3A, %broadcast_in_dim3A_79, %broadcast_in_dim3A_80 : vector<2048x1xi1>, vector<2048x1xf32>
    %broadcast_in_dim3A_81 = arith.constant 0.000000e+00 : f32
    %broadcast_in_dim3A_82 = vector.broadcast %broadcast_in_dim3A_81 : f32 to vector<1x1xf32>
    %slice3A_83 = vector.extract_strided_slice %select_n3A {offsets = [0, 0], sizes = [2047, 1], strides = [1, 1]} : vector<2048x1xf32> to vector<2047x1xf32>
    %concatenate3A_84 = tpu.concatenate %broadcast_in_dim3A_82, %slice3A_83 in 0 : vector<1x1xf32>, vector<2047x1xf32> -> vector<2048x1xf32>
    %add3A_85 = arith.addf %select_n3A, %concatenate3A_84 : vector<2048x1xf32>
    %broadcast_in_dim3A_86 = arith.constant 0.000000e+00 : f32
    %broadcast_in_dim3A_87 = vector.broadcast %broadcast_in_dim3A_86 : f32 to vector<2x1xf32>
    %slice3A_88 = vector.extract_strided_slice %add3A_85 {offsets = [0, 0], sizes = [2046, 1], strides = [1, 1]} : vector<2048x1xf32> to vector<2046x1xf32>
    %concatenate3A_89 = tpu.concatenate %broadcast_in_dim3A_87, %slice3A_88 in 0 : vector<2x1xf32>, vector<2046x1xf32> -> vector<2048x1xf32>
    %add3A_90 = arith.addf %add3A_85, %concatenate3A_89 : vector<2048x1xf32>
    %broadcast_in_dim3A_91 = arith.constant 0.000000e+00 : f32
    %broadcast_in_dim3A_92 = vector.broadcast %broadcast_in_dim3A_91 : f32 to vector<4x1xf32>
    %slice3A_93 = vector.extract_strided_slice %add3A_90 {offsets = [0, 0], sizes = [2044, 1], strides = [1, 1]} : vector<2048x1xf32> to vector<2044x1xf32>
    %concatenate3A_94 = tpu.concatenate %broadcast_in_dim3A_92, %slice3A_93 in 0 : vector<4x1xf32>, vector<2044x1xf32> -> vector<2048x1xf32>
    %add3A_95 = arith.addf %add3A_90, %concatenate3A_94 : vector<2048x1xf32>
    %broadcast_in_dim3A_96 = arith.constant 0.000000e+00 : f32
    %broadcast_in_dim3A_97 = vector.broadcast %broadcast_in_dim3A_96 : f32 to vector<8x1xf32>
    %slice3A_98 = vector.extract_strided_slice %add3A_95 {offsets = [0, 0], sizes = [2040, 1], strides = [1, 1]} : vector<2048x1xf32> to vector<2040x1xf32>
    %concatenate3A_99 = tpu.concatenate %broadcast_in_dim3A_97, %slice3A_98 in 0 : vector<8x1xf32>, vector<2040x1xf32> -> vector<2048x1xf32>
    %add3A_100 = arith.addf %add3A_95, %concatenate3A_99 : vector<2048x1xf32>
    %broadcast_in_dim3A_101 = arith.constant 0.000000e+00 : f32
    %broadcast_in_dim3A_102 = vector.broadcast %broadcast_in_dim3A_101 : f32 to vector<16x1xf32>
    %slice3A_103 = vector.extract_strided_slice %add3A_100 {offsets = [0, 0], sizes = [2032, 1], strides = [1, 1]} : vector<2048x1xf32> to vector<2032x1xf32>
    %concatenate3A_104 = tpu.concatenate %broadcast_in_dim3A_102, %slice3A_103 in 0 : vector<16x1xf32>, vector<2032x1xf32> -> vector<2048x1xf32>
    %add3A_105 = arith.addf %add3A_100, %concatenate3A_104 : vector<2048x1xf32>
    %broadcast_in_dim3A_106 = arith.constant 0.000000e+00 : f32
    %broadcast_in_dim3A_107 = vector.broadcast %broadcast_in_dim3A_106 : f32 to vector<32x1xf32>
    %slice3A_108 = vector.extract_strided_slice %add3A_105 {offsets = [0, 0], sizes = [2016, 1], strides = [1, 1]} : vector<2048x1xf32> to vector<2016x1xf32>
    %concatenate3A_109 = tpu.concatenate %broadcast_in_dim3A_107, %slice3A_108 in 0 : vector<32x1xf32>, vector<2016x1xf32> -> vector<2048x1xf32>
    %add3A_110 = arith.addf %add3A_105, %concatenate3A_109 : vector<2048x1xf32>
    %broadcast_in_dim3A_111 = arith.constant 0.000000e+00 : f32
    %broadcast_in_dim3A_112 = vector.broadcast %broadcast_in_dim3A_111 : f32 to vector<64x1xf32>
    %slice3A_113 = vector.extract_strided_slice %add3A_110 {offsets = [0, 0], sizes = [1984, 1], strides = [1, 1]} : vector<2048x1xf32> to vector<1984x1xf32>
    %concatenate3A_114 = tpu.concatenate %broadcast_in_dim3A_112, %slice3A_113 in 0 : vector<64x1xf32>, vector<1984x1xf32> -> vector<2048x1xf32>
    %add3A_115 = arith.addf %add3A_110, %concatenate3A_114 : vector<2048x1xf32>
    %broadcast_in_dim3A_116 = arith.constant 0.000000e+00 : f32
    %broadcast_in_dim3A_117 = vector.broadcast %broadcast_in_dim3A_116 : f32 to vector<128x1xf32>
    %slice3A_118 = vector.extract_strided_slice %add3A_115 {offsets = [0, 0], sizes = [1920, 1], strides = [1, 1]} : vector<2048x1xf32> to vector<1920x1xf32>
    %concatenate3A_119 = tpu.concatenate %broadcast_in_dim3A_117, %slice3A_118 in 0 : vector<128x1xf32>, vector<1920x1xf32> -> vector<2048x1xf32>
    %add3A_120 = arith.addf %add3A_115, %concatenate3A_119 : vector<2048x1xf32>
    %broadcast_in_dim3A_121 = arith.constant 0.000000e+00 : f32
    %broadcast_in_dim3A_122 = vector.broadcast %broadcast_in_dim3A_121 : f32 to vector<256x1xf32>
    %slice3A_123 = vector.extract_strided_slice %add3A_120 {offsets = [0, 0], sizes = [1792, 1], strides = [1, 1]} : vector<2048x1xf32> to vector<1792x1xf32>
    %concatenate3A_124 = tpu.concatenate %broadcast_in_dim3A_122, %slice3A_123 in 0 : vector<256x1xf32>, vector<1792x1xf32> -> vector<2048x1xf32>
    %add3A_125 = arith.addf %add3A_120, %concatenate3A_124 : vector<2048x1xf32>
    %broadcast_in_dim3A_126 = arith.constant 0.000000e+00 : f32
    %broadcast_in_dim3A_127 = vector.broadcast %broadcast_in_dim3A_126 : f32 to vector<512x1xf32>
    %slice3A_128 = vector.extract_strided_slice %add3A_125 {offsets = [0, 0], sizes = [1536, 1], strides = [1, 1]} : vector<2048x1xf32> to vector<1536x1xf32>
    %concatenate3A_129 = tpu.concatenate %broadcast_in_dim3A_127, %slice3A_128 in 0 : vector<512x1xf32>, vector<1536x1xf32> -> vector<2048x1xf32>
    %add3A_130 = arith.addf %add3A_125, %concatenate3A_129 : vector<2048x1xf32>
    %broadcast_in_dim3A_131 = arith.constant 0.000000e+00 : f32
    %broadcast_in_dim3A_132 = vector.broadcast %broadcast_in_dim3A_131 : f32 to vector<1024x1xf32>
    %slice3A_133 = vector.extract_strided_slice %add3A_130 {offsets = [0, 0], sizes = [1024, 1], strides = [1, 1]} : vector<2048x1xf32> to vector<1024x1xf32>
    %concatenate3A_134 = tpu.concatenate %broadcast_in_dim3A_132, %slice3A_133 in 0 : vector<1024x1xf32>, vector<1024x1xf32> -> vector<2048x1xf32>
    %add3A_135 = arith.addf %add3A_130, %concatenate3A_134 : vector<2048x1xf32>
    %slice3A_136 = vector.extract_strided_slice %add3A_135 {offsets = [2047, 0], sizes = [1, 1], strides = [1, 1]} : vector<2048x1xf32> to vector<1x1xf32>
    %iota3A = tpu.iota {dimensions = array<i32: 0>} : vector<2048x1xi32>
    %convert_element_type3A = arith.sitofp %iota3A : vector<2048x1xi32> to vector<2048x1xf32>
    %gt3A_137 = arith.constant 5.000000e-01 : f32
    %gt3A_138 = vector.broadcast %gt3A_137 : f32 to vector<2048x1xf32>
    %gt3A_139 = arith.cmpf ogt, %select_n3A, %gt3A_138 : vector<2048x1xf32>
    %sub3A_140 = arith.constant 1.000000e+00 : f32
    %sub3A_141 = vector.broadcast %sub3A_140 : f32 to vector<2048x1xf32>
    %sub3A_142 = arith.subf %add3A_135, %sub3A_141 : vector<2048x1xf32>
    %add3A_143 = vector.broadcast %slice3A_136 : vector<1x1xf32> to vector<2048x1xf32>
    %add3A_144 = arith.addf %add3A_143, %convert_element_type3A : vector<2048x1xf32>
    %sub3A_145 = arith.subf %add3A_144, %add3A_135 : vector<2048x1xf32>
    %select_n3A_146 = arith.select %gt3A_139, %sub3A_142, %sub3A_145 : vector<2048x1xi1>, vector<2048x1xf32>
    %convert_element_type3A_147 = arith.fptosi %select_n3A_146 : vector<2048x1xf32> to vector<2048x1xi32>
    %mul3A_148 = arith.constant 2048 : i32
    %mul3A_149 = arith.muli %arg0, %mul3A_148 : i32
    %add3A_150 = vector.broadcast %mul3A_149 : i32 to vector<2048x1xi32>
    %add3A_151 = arith.addi %convert_element_type3A_147, %add3A_150 : vector<2048x1xi32>
    %swap3A_152 = arith.constant 0 : index
    %swap3A_153 = arith.constant 0 : index
    %swap3A_154 = arith.constant 0 : index
    %swap3A_155 = vector.load %arg9[%swap3A_152, %swap3A_153, %swap3A_154] : memref<1x2048x1xi32, #tpu.memory_space<vmem>>, vector<1x2048x1xi32>
    %swap3A_156 = vector.shape_cast %swap3A_155 : vector<1x2048x1xi32> to vector<2048x1xi32>
    %swap3A_157 = vector.shape_cast %add3A_151 : vector<2048x1xi32> to vector<1x2048x1xi32>
    tpu.vector_store %arg9[%swap3A_152, %swap3A_153, %swap3A_154], %swap3A_157 {strides = array<i32>} : memref<1x2048x1xi32, #tpu.memory_space<vmem>>, vector<1x2048x1xi32>,
    %lt3A = vector.broadcast %slice3A_136 : vector<1x1xf32> to vector<2048x1xf32>
    %lt3A_158 = arith.cmpf olt, %convert_element_type3A, %lt3A : vector<2048x1xf32>
    %jit3A_159 = arith.constant 1.000000e+00 : f32
    %jit3A_160 = arith.constant 0.000000e+00 : f32
    %broadcast_in_dim3A_161 = vector.broadcast %jit3A_159 : f32 to vector<2048x1xf32>
    %broadcast_in_dim3A_162 = vector.broadcast %jit3A_160 : f32 to vector<2048x1xf32>
    %select_n3A_163 = arith.select %lt3A_158, %broadcast_in_dim3A_161, %broadcast_in_dim3A_162 : vector<2048x1xi1>, vector<2048x1xf32>
    %swap3A_164 = arith.constant 0 : index
    %swap3A_165 = arith.constant 0 : index
    %swap3A_166 = arith.constant 0 : index
    %swap3A_167 = vector.load %arg10[%swap3A_164, %swap3A_165, %swap3A_166] : memref<1x2048x1xf32, #tpu.memory_space<vmem>>, vector<1x2048x1xf32>
    %swap3A_168 = vector.shape_cast %swap3A_167 : vector<1x2048x1xf32> to vector<2048x1xf32>
    %swap3A_169 = vector.shape_cast %select_n3A_163 : vector<2048x1xf32> to vector<1x2048x1xf32>
    tpu.vector_store %arg10[%swap3A_164, %swap3A_165, %swap3A_166], %swap3A_169 {strides = array<i32>} : memref<1x2048x1xf32, #tpu.memory_space<vmem>>, vector<1x2048x1xf32>,
    return
  }
  func.func @transform_0(%arg0: i32) -> (i32, i32, i32) {
    %c0_i32 = arith.constant 0 : i32
    %c0_i32_0 = arith.constant 0 : i32
    %c0_i32_1 = arith.constant 0 : i32
    return %arg0, %c0_i32, %c0_i32_0 : i32, i32, i32
  }
  func.func @transform_1(%arg0: i32) -> (i32, i32, i32) {
    %c0_i32 = arith.constant 0 : i32
    %c0_i32_0 = arith.constant 0 : i32
    %c0_i32_1 = arith.constant 0 : i32
    return %arg0, %c0_i32, %c0_i32_0 : i32, i32, i32
  }
  func.func @transform_2(%arg0: i32) -> (i32, i32, i32) {
    %c0_i32 = arith.constant 0 : i32
    %c0_i32_0 = arith.constant 0 : i32
    %c0_i32_1 = arith.constant 0 : i32
    return %arg0, %c0_i32, %c0_i32_0 : i32, i32, i32
  }
  func.func @transform_3(%arg0: i32) -> (i32, i32) {
    %c0_i32 = arith.constant 0 : i32
    %c0_i32_0 = arith.constant 0 : i32
    %c0_i32_1 = arith.constant 0 : i32
    return %c0_i32, %c0_i32_0 : i32, i32
  }
  func.func @transform_4(%arg0: i32) -> (i32, i32) {
    %c0_i32 = arith.constant 0 : i32
    %c0_i32_0 = arith.constant 0 : i32
    %c0_i32_1 = arith.constant 0 : i32
    return %c0_i32, %c0_i32_0 : i32, i32
  }
  func.func @transform_5(%arg0: i32) -> (i32, i32) {
    %c0_i32 = arith.constant 0 : i32
    %c0_i32_0 = arith.constant 0 : i32
    %c0_i32_1 = arith.constant 0 : i32
    return %c0_i32, %c0_i32_0 : i32, i32
  }
  func.func @transform_6(%arg0: i32) -> (i32, i32) {
    %c0_i32 = arith.constant 0 : i32
    %c0_i32_0 = arith.constant 0 : i32
    %c0_i32_1 = arith.constant 0 : i32
    return %c0_i32, %c0_i32_0 : i32, i32
  }
  func.func @transform_7(%arg0: i32) -> (i32, i32, i32) {
    %c0_i32 = arith.constant 0 : i32
    %c0_i32_0 = arith.constant 0 : i32
    %c0_i32_1 = arith.constant 0 : i32
    return %arg0, %c0_i32, %c0_i32_0 : i32, i32, i32
  }
  func.func @transform_8(%arg0: i32) -> (i32, i32, i32) {
    %c0_i32 = arith.constant 0 : i32
    %c0_i32_0 = arith.constant 0 : i32
    %c0_i32_1 = arith.constant 0 : i32
    return %arg0, %c0_i32, %c0_i32_0 : i32, i32, i32
  }
  func.func @transform_9(%arg0: i32) -> (i32, i32, i32) {
    %c0_i32 = arith.constant 0 : i32
    %c0_i32_0 = arith.constant 0 : i32
    %c0_i32_1 = arith.constant 0 : i32
    return %arg0, %c0_i32, %c0_i32_0 : i32, i32, i32
  }
}

module attributes {stable_mosaic.version = 14 : i64} {
  func.func @_dec_body(%arg0: i32, %arg1: memref<1x2048x256xf32, #tpu.memory_space<vmem>>, %arg2: memref<1x2048x1xf32, #tpu.memory_space<vmem>>, %arg3: memref<1x2048x1xf32, #tpu.memory_space<vmem>>, %arg4: memref<256x256xf32, #tpu.memory_space<vmem>>, %arg5: memref<1x256xf32, #tpu.memory_space<vmem>>, %arg6: memref<256x256xf32, #tpu.memory_space<vmem>>, %arg7: memref<1x256xf32, #tpu.memory_space<vmem>>, %arg8: memref<1x2048x1xf32, #tpu.memory_space<vmem>>, %arg9: memref<1x2048x1xi32, #tpu.memory_space<vmem>>) attributes {dimension_semantics = [#tpu.dimension_semantics<arbitrary>], iteration_bounds = array<i64: 4>, scalar_prefetch = 0 : i64, scratch_operands = 0 : i64, tpu.core_type = #tpu.core_type<tc>, window_params = [{transform_indices = @transform_0, window_bounds = array<i64: 1, 2048, 256>}, {transform_indices = @transform_1, window_bounds = array<i64: 1, 2048, 1>}, {transform_indices = @transform_2, window_bounds = array<i64: 1, 2048, 1>}, {pipeline_mode = #tpu.pipeline_mode<synchronous>, transform_indices = @transform_3, window_bounds = array<i64: 256, 256>}, {pipeline_mode = #tpu.pipeline_mode<synchronous>, transform_indices = @transform_4, window_bounds = array<i64: 1, 256>}, {pipeline_mode = #tpu.pipeline_mode<synchronous>, transform_indices = @transform_5, window_bounds = array<i64: 256, 256>}, {pipeline_mode = #tpu.pipeline_mode<synchronous>, transform_indices = @transform_6, window_bounds = array<i64: 1, 256>}, {transform_indices = @transform_7, window_bounds = array<i64: 1, 2048, 1>}, {transform_indices = @transform_8, window_bounds = array<i64: 1, 2048, 1>}]} {
    %get3A = arith.constant 0 : index
    %get3A_0 = arith.constant 0 : index
    %get3A_1 = arith.constant 0 : index
    %get3A_2 = vector.load %arg1[%get3A, %get3A_0, %get3A_1] : memref<1x2048x256xf32, #tpu.memory_space<vmem>>, vector<1x2048x256xf32>
    %get3A_3 = vector.shape_cast %get3A_2 : vector<1x2048x256xf32> to vector<2048x256xf32>
    %get3A_4 = arith.constant 0 : index
    %get3A_5 = arith.constant 0 : index
    %get3A_6 = arith.constant 0 : index
    %get3A_7 = vector.load %arg2[%get3A_4, %get3A_5, %get3A_6] : memref<1x2048x1xf32, #tpu.memory_space<vmem>>, vector<1x2048x1xf32>
    %get3A_8 = vector.shape_cast %get3A_7 : vector<1x2048x1xf32> to vector<2048x1xf32>
    %add3A = arith.constant 9.99999997E-7 : f32
    %add3A_9 = vector.broadcast %add3A : f32 to vector<2048x1xf32>
    %add3A_10 = arith.addf %get3A_8, %add3A_9 : vector<2048x1xf32>
    %rsqrt3A = math.rsqrt %add3A_10 : vector<2048x1xf32>
    %mul3A = vector.broadcast %rsqrt3A : vector<2048x1xf32> to vector<2048x256xf32>
    %mul3A_11 = arith.mulf %get3A_3, %mul3A : vector<2048x256xf32>
    %get3A_12 = arith.constant 0 : index
    %get3A_13 = arith.constant 0 : index
    %get3A_14 = vector.load %arg4[%get3A_12, %get3A_13] : memref<256x256xf32, #tpu.memory_space<vmem>>, vector<256x256xf32>
    %get3A_15 = arith.constant 0 : index
    %get3A_16 = arith.constant 0 : index
    %get3A_17 = vector.load %arg5[%get3A_15, %get3A_16] : memref<1x256xf32, #tpu.memory_space<vmem>>, vector<1x256xf32>
    %get3A_18 = arith.constant 0 : index
    %get3A_19 = arith.constant 0 : index
    %get3A_20 = vector.load %arg6[%get3A_18, %get3A_19] : memref<256x256xf32, #tpu.memory_space<vmem>>, vector<256x256xf32>
    %get3A_21 = arith.constant 0 : index
    %get3A_22 = arith.constant 0 : index
    %get3A_23 = vector.load %arg7[%get3A_21, %get3A_22] : memref<1x256xf32, #tpu.memory_space<vmem>>, vector<1x256xf32>
    %dot_general3A = arith.constant dense<0.000000e+00> : vector<2048x256xf32>
    %dot_general3A_24 = tpu.matmul %mul3A_11, %get3A_14, %dot_general3A {dimension_numbers = #tpu.dot_dimension_numbers<[1], [1], [0], [0], [0, 0, 1, 0], [], []>, transpose_lhs_hint = false} : vector<2048x256xf32>, vector<256x256xf32>, vector<2048x256xf32> -> vector<2048x256xf32>
    %add3A_25 = vector.broadcast %get3A_17 : vector<1x256xf32> to vector<2048x256xf32>
    %add3A_26 = arith.addf %dot_general3A_24, %add3A_25 : vector<2048x256xf32>
    %dot_general3A_27 = arith.constant dense<0.000000e+00> : vector<2048x256xf32>
    %dot_general3A_28 = tpu.matmul %mul3A_11, %get3A_20, %dot_general3A_27 {dimension_numbers = #tpu.dot_dimension_numbers<[1], [1], [0], [0], [0, 0, 1, 0], [], []>, transpose_lhs_hint = false} : vector<2048x256xf32>, vector<256x256xf32>, vector<2048x256xf32> -> vector<2048x256xf32>
    %add3A_29 = vector.broadcast %get3A_23 : vector<1x256xf32> to vector<2048x256xf32>
    %add3A_30 = arith.addf %dot_general3A_28, %add3A_29 : vector<2048x256xf32>
    %mul3A_31 = arith.mulf %add3A_26, %add3A_26 : vector<2048x256xf32>
    %reduce_sum3A = arith.constant dense<0.000000e+00> : vector<2048xf32>
    %reduce_sum3A_32 = vector.multi_reduction <add>, %mul3A_31, %reduce_sum3A [1] : vector<2048x256xf32> to vector<2048xf32>
    %broadcast_in_dim3A = vector.shape_cast %reduce_sum3A_32 : vector<2048xf32> to vector<2048x1xf32>
    %sqrt3A = math.sqrt %broadcast_in_dim3A : vector<2048x1xf32>
    %max3A = arith.constant 9.99999996E-13 : f32
    %max3A_33 = vector.broadcast %max3A : f32 to vector<2048x1xf32>
    %max3A_34 = arith.maximumf %sqrt3A, %max3A_33 : vector<2048x1xf32>
    %div3A = vector.broadcast %max3A_34 : vector<2048x1xf32> to vector<2048x256xf32>
    %div3A_35 = arith.divf %add3A_26, %div3A : vector<2048x256xf32>
    %mul3A_36 = arith.mulf %add3A_30, %add3A_30 : vector<2048x256xf32>
    %reduce_sum3A_37 = arith.constant dense<0.000000e+00> : vector<2048xf32>
    %reduce_sum3A_38 = vector.multi_reduction <add>, %mul3A_36, %reduce_sum3A_37 [1] : vector<2048x256xf32> to vector<2048xf32>
    %broadcast_in_dim3A_39 = vector.shape_cast %reduce_sum3A_38 : vector<2048xf32> to vector<2048x1xf32>
    %sqrt3A_40 = math.sqrt %broadcast_in_dim3A_39 : vector<2048x1xf32>
    %max3A_41 = arith.constant 9.99999996E-13 : f32
    %max3A_42 = vector.broadcast %max3A_41 : f32 to vector<2048x1xf32>
    %max3A_43 = arith.maximumf %sqrt3A_40, %max3A_42 : vector<2048x1xf32>
    %div3A_44 = vector.broadcast %max3A_43 : vector<2048x1xf32> to vector<2048x256xf32>
    %div3A_45 = arith.divf %add3A_30, %div3A_44 : vector<2048x256xf32>
    %slice3A = vector.extract_strided_slice %div3A_35 {offsets = [0, 0], sizes = [2047, 256], strides = [1, 1]} : vector<2048x256xf32> to vector<2047x256xf32>
    %slice3A_46 = vector.extract_strided_slice %div3A_45 {offsets = [1, 0], sizes = [2047, 256], strides = [1, 1]} : vector<2048x256xf32> to vector<2047x256xf32>
    %mul3A_47 = arith.mulf %slice3A, %slice3A_46 : vector<2047x256xf32>
    %reduce_sum3A_48 = arith.constant dense<0.000000e+00> : vector<2047xf32>
    %reduce_sum3A_49 = vector.multi_reduction <add>, %mul3A_47, %reduce_sum3A_48 [1] : vector<2047x256xf32> to vector<2047xf32>
    %broadcast_in_dim3A_50 = vector.shape_cast %reduce_sum3A_49 : vector<2047xf32> to vector<2047x1xf32>
    %sub3A = arith.constant 1.000000e+00 : f32
    %sub3A_51 = vector.broadcast %sub3A : f32 to vector<2047x1xf32>
    %sub3A_52 = arith.subf %sub3A_51, %broadcast_in_dim3A_50 : vector<2047x1xf32>
    %mul3A_53 = arith.constant 5.000000e-01 : f32
    %mul3A_54 = vector.broadcast %mul3A_53 : f32 to vector<2047x1xf32>
    %mul3A_55 = arith.mulf %mul3A_54, %sub3A_52 : vector<2047x1xf32>
    %jit3A = arith.constant 0.000000e+00 : f32
    %jit3A_56 = arith.constant 1.000000e+00 : f32
    %max3A_57 = vector.broadcast %jit3A : f32 to vector<2047x1xf32>
    %max3A_58 = arith.maximumf %max3A_57, %mul3A_55 : vector<2047x1xf32>
    %min3A = vector.broadcast %jit3A_56 : f32 to vector<2047x1xf32>
    %min3A_59 = arith.minimumf %min3A, %max3A_58 : vector<2047x1xf32>
    %broadcast_in_dim3A_60 = arith.constant 1.000000e+00 : f32
    %broadcast_in_dim3A_61 = vector.broadcast %broadcast_in_dim3A_60 : f32 to vector<1x1xf32>
    %concatenate3A = tpu.concatenate %broadcast_in_dim3A_61, %min3A_59 in 0 : vector<1x1xf32>, vector<2047x1xf32> -> vector<2048x1xf32>
    %gt3A = arith.constant 5.000000e-01 : f32
    %gt3A_62 = vector.broadcast %gt3A : f32 to vector<2048x1xf32>
    %gt3A_63 = arith.cmpf ogt, %concatenate3A, %gt3A_62 : vector<2048x1xf32>
    %get3A_64 = arith.constant 0 : index
    %get3A_65 = arith.constant 0 : index
    %get3A_66 = arith.constant 0 : index
    %get3A_67 = vector.load %arg3[%get3A_64, %get3A_65, %get3A_66] : memref<1x2048x1xf32, #tpu.memory_space<vmem>>, vector<1x2048x1xf32>
    %get3A_68 = vector.shape_cast %get3A_67 : vector<1x2048x1xf32> to vector<2048x1xf32>
    %gt3A_69 = arith.constant 5.000000e-01 : f32
    %gt3A_70 = vector.broadcast %gt3A_69 : f32 to vector<2048x1xf32>
    %gt3A_71 = arith.cmpf ogt, %get3A_68, %gt3A_70 : vector<2048x1xf32>
    %and3A = arith.andi %gt3A_63, %gt3A_71 : vector<2048x1xi1>
    %jit3A_72 = arith.constant 1.000000e+00 : f32
    %jit3A_73 = arith.constant 0.000000e+00 : f32
    %broadcast_in_dim3A_74 = vector.broadcast %jit3A_72 : f32 to vector<2048x1xf32>
    %broadcast_in_dim3A_75 = vector.broadcast %jit3A_73 : f32 to vector<2048x1xf32>
    %select_n3A = arith.select %and3A, %broadcast_in_dim3A_74, %broadcast_in_dim3A_75 : vector<2048x1xi1>, vector<2048x1xf32>
    %jit3A_76 = arith.constant 9.99999974E-5 : f32
    %jit3A_77 = arith.constant 0.999899983 : f32
    %max3A_78 = vector.broadcast %jit3A_76 : f32 to vector<2048x1xf32>
    %max3A_79 = arith.maximumf %max3A_78, %concatenate3A : vector<2048x1xf32>
    %min3A_80 = vector.broadcast %jit3A_77 : f32 to vector<2048x1xf32>
    %min3A_81 = arith.minimumf %min3A_80, %max3A_79 : vector<2048x1xf32>
    %swap3A = arith.constant 0 : index
    %swap3A_82 = arith.constant 0 : index
    %swap3A_83 = arith.constant 0 : index
    %swap3A_84 = vector.load %arg8[%swap3A, %swap3A_82, %swap3A_83] : memref<1x2048x1xf32, #tpu.memory_space<vmem>>, vector<1x2048x1xf32>
    %swap3A_85 = vector.shape_cast %swap3A_84 : vector<1x2048x1xf32> to vector<2048x1xf32>
    %swap3A_86 = vector.shape_cast %min3A_81 : vector<2048x1xf32> to vector<1x2048x1xf32>
    tpu.vector_store %arg8[%swap3A, %swap3A_82, %swap3A_83], %swap3A_86 {strides = array<i32>} : memref<1x2048x1xf32, #tpu.memory_space<vmem>>, vector<1x2048x1xf32>,
    %broadcast_in_dim3A_87 = arith.constant 0.000000e+00 : f32
    %broadcast_in_dim3A_88 = vector.broadcast %broadcast_in_dim3A_87 : f32 to vector<1x1xf32>
    %slice3A_89 = vector.extract_strided_slice %select_n3A {offsets = [0, 0], sizes = [2047, 1], strides = [1, 1]} : vector<2048x1xf32> to vector<2047x1xf32>
    %concatenate3A_90 = tpu.concatenate %broadcast_in_dim3A_88, %slice3A_89 in 0 : vector<1x1xf32>, vector<2047x1xf32> -> vector<2048x1xf32>
    %add3A_91 = arith.addf %select_n3A, %concatenate3A_90 : vector<2048x1xf32>
    %broadcast_in_dim3A_92 = arith.constant 0.000000e+00 : f32
    %broadcast_in_dim3A_93 = vector.broadcast %broadcast_in_dim3A_92 : f32 to vector<2x1xf32>
    %slice3A_94 = vector.extract_strided_slice %add3A_91 {offsets = [0, 0], sizes = [2046, 1], strides = [1, 1]} : vector<2048x1xf32> to vector<2046x1xf32>
    %concatenate3A_95 = tpu.concatenate %broadcast_in_dim3A_93, %slice3A_94 in 0 : vector<2x1xf32>, vector<2046x1xf32> -> vector<2048x1xf32>
    %add3A_96 = arith.addf %add3A_91, %concatenate3A_95 : vector<2048x1xf32>
    %broadcast_in_dim3A_97 = arith.constant 0.000000e+00 : f32
    %broadcast_in_dim3A_98 = vector.broadcast %broadcast_in_dim3A_97 : f32 to vector<4x1xf32>
    %slice3A_99 = vector.extract_strided_slice %add3A_96 {offsets = [0, 0], sizes = [2044, 1], strides = [1, 1]} : vector<2048x1xf32> to vector<2044x1xf32>
    %concatenate3A_100 = tpu.concatenate %broadcast_in_dim3A_98, %slice3A_99 in 0 : vector<4x1xf32>, vector<2044x1xf32> -> vector<2048x1xf32>
    %add3A_101 = arith.addf %add3A_96, %concatenate3A_100 : vector<2048x1xf32>
    %broadcast_in_dim3A_102 = arith.constant 0.000000e+00 : f32
    %broadcast_in_dim3A_103 = vector.broadcast %broadcast_in_dim3A_102 : f32 to vector<8x1xf32>
    %slice3A_104 = vector.extract_strided_slice %add3A_101 {offsets = [0, 0], sizes = [2040, 1], strides = [1, 1]} : vector<2048x1xf32> to vector<2040x1xf32>
    %concatenate3A_105 = tpu.concatenate %broadcast_in_dim3A_103, %slice3A_104 in 0 : vector<8x1xf32>, vector<2040x1xf32> -> vector<2048x1xf32>
    %add3A_106 = arith.addf %add3A_101, %concatenate3A_105 : vector<2048x1xf32>
    %broadcast_in_dim3A_107 = arith.constant 0.000000e+00 : f32
    %broadcast_in_dim3A_108 = vector.broadcast %broadcast_in_dim3A_107 : f32 to vector<16x1xf32>
    %slice3A_109 = vector.extract_strided_slice %add3A_106 {offsets = [0, 0], sizes = [2032, 1], strides = [1, 1]} : vector<2048x1xf32> to vector<2032x1xf32>
    %concatenate3A_110 = tpu.concatenate %broadcast_in_dim3A_108, %slice3A_109 in 0 : vector<16x1xf32>, vector<2032x1xf32> -> vector<2048x1xf32>
    %add3A_111 = arith.addf %add3A_106, %concatenate3A_110 : vector<2048x1xf32>
    %broadcast_in_dim3A_112 = arith.constant 0.000000e+00 : f32
    %broadcast_in_dim3A_113 = vector.broadcast %broadcast_in_dim3A_112 : f32 to vector<32x1xf32>
    %slice3A_114 = vector.extract_strided_slice %add3A_111 {offsets = [0, 0], sizes = [2016, 1], strides = [1, 1]} : vector<2048x1xf32> to vector<2016x1xf32>
    %concatenate3A_115 = tpu.concatenate %broadcast_in_dim3A_113, %slice3A_114 in 0 : vector<32x1xf32>, vector<2016x1xf32> -> vector<2048x1xf32>
    %add3A_116 = arith.addf %add3A_111, %concatenate3A_115 : vector<2048x1xf32>
    %broadcast_in_dim3A_117 = arith.constant 0.000000e+00 : f32
    %broadcast_in_dim3A_118 = vector.broadcast %broadcast_in_dim3A_117 : f32 to vector<64x1xf32>
    %slice3A_119 = vector.extract_strided_slice %add3A_116 {offsets = [0, 0], sizes = [1984, 1], strides = [1, 1]} : vector<2048x1xf32> to vector<1984x1xf32>
    %concatenate3A_120 = tpu.concatenate %broadcast_in_dim3A_118, %slice3A_119 in 0 : vector<64x1xf32>, vector<1984x1xf32> -> vector<2048x1xf32>
    %add3A_121 = arith.addf %add3A_116, %concatenate3A_120 : vector<2048x1xf32>
    %broadcast_in_dim3A_122 = arith.constant 0.000000e+00 : f32
    %broadcast_in_dim3A_123 = vector.broadcast %broadcast_in_dim3A_122 : f32 to vector<128x1xf32>
    %slice3A_124 = vector.extract_strided_slice %add3A_121 {offsets = [0, 0], sizes = [1920, 1], strides = [1, 1]} : vector<2048x1xf32> to vector<1920x1xf32>
    %concatenate3A_125 = tpu.concatenate %broadcast_in_dim3A_123, %slice3A_124 in 0 : vector<128x1xf32>, vector<1920x1xf32> -> vector<2048x1xf32>
    %add3A_126 = arith.addf %add3A_121, %concatenate3A_125 : vector<2048x1xf32>
    %broadcast_in_dim3A_127 = arith.constant 0.000000e+00 : f32
    %broadcast_in_dim3A_128 = vector.broadcast %broadcast_in_dim3A_127 : f32 to vector<256x1xf32>
    %slice3A_129 = vector.extract_strided_slice %add3A_126 {offsets = [0, 0], sizes = [1792, 1], strides = [1, 1]} : vector<2048x1xf32> to vector<1792x1xf32>
    %concatenate3A_130 = tpu.concatenate %broadcast_in_dim3A_128, %slice3A_129 in 0 : vector<256x1xf32>, vector<1792x1xf32> -> vector<2048x1xf32>
    %add3A_131 = arith.addf %add3A_126, %concatenate3A_130 : vector<2048x1xf32>
    %broadcast_in_dim3A_132 = arith.constant 0.000000e+00 : f32
    %broadcast_in_dim3A_133 = vector.broadcast %broadcast_in_dim3A_132 : f32 to vector<512x1xf32>
    %slice3A_134 = vector.extract_strided_slice %add3A_131 {offsets = [0, 0], sizes = [1536, 1], strides = [1, 1]} : vector<2048x1xf32> to vector<1536x1xf32>
    %concatenate3A_135 = tpu.concatenate %broadcast_in_dim3A_133, %slice3A_134 in 0 : vector<512x1xf32>, vector<1536x1xf32> -> vector<2048x1xf32>
    %add3A_136 = arith.addf %add3A_131, %concatenate3A_135 : vector<2048x1xf32>
    %broadcast_in_dim3A_137 = arith.constant 0.000000e+00 : f32
    %broadcast_in_dim3A_138 = vector.broadcast %broadcast_in_dim3A_137 : f32 to vector<1024x1xf32>
    %slice3A_139 = vector.extract_strided_slice %add3A_136 {offsets = [0, 0], sizes = [1024, 1], strides = [1, 1]} : vector<2048x1xf32> to vector<1024x1xf32>
    %concatenate3A_140 = tpu.concatenate %broadcast_in_dim3A_138, %slice3A_139 in 0 : vector<1024x1xf32>, vector<1024x1xf32> -> vector<2048x1xf32>
    %add3A_141 = arith.addf %add3A_136, %concatenate3A_140 : vector<2048x1xf32>
    %sub3A_142 = arith.constant 1.000000e+00 : f32
    %sub3A_143 = vector.broadcast %sub3A_142 : f32 to vector<2048x1xf32>
    %sub3A_144 = arith.subf %add3A_141, %sub3A_143 : vector<2048x1xf32>
    %jit3A_145 = arith.constant 0.000000e+00 : f32
    %jit3A_146 = arith.constant 2.047000e+03 : f32
    %max3A_147 = vector.broadcast %jit3A_145 : f32 to vector<2048x1xf32>
    %max3A_148 = arith.maximumf %max3A_147, %sub3A_144 : vector<2048x1xf32>
    %min3A_149 = vector.broadcast %jit3A_146 : f32 to vector<2048x1xf32>
    %min3A_150 = arith.minimumf %min3A_149, %max3A_148 : vector<2048x1xf32>
    %convert_element_type3A = arith.fptosi %min3A_150 : vector<2048x1xf32> to vector<2048x1xi32>
    %mul3A_151 = arith.constant 2048 : i32
    %mul3A_152 = arith.muli %arg0, %mul3A_151 : i32
    %add3A_153 = vector.broadcast %mul3A_152 : i32 to vector<2048x1xi32>
    %add3A_154 = arith.addi %convert_element_type3A, %add3A_153 : vector<2048x1xi32>
    %swap3A_155 = arith.constant 0 : index
    %swap3A_156 = arith.constant 0 : index
    %swap3A_157 = arith.constant 0 : index
    %swap3A_158 = vector.load %arg9[%swap3A_155, %swap3A_156, %swap3A_157] : memref<1x2048x1xi32, #tpu.memory_space<vmem>>, vector<1x2048x1xi32>
    %swap3A_159 = vector.shape_cast %swap3A_158 : vector<1x2048x1xi32> to vector<2048x1xi32>
    %swap3A_160 = vector.shape_cast %add3A_154 : vector<2048x1xi32> to vector<1x2048x1xi32>
    tpu.vector_store %arg9[%swap3A_155, %swap3A_156, %swap3A_157], %swap3A_160 {strides = array<i32>} : memref<1x2048x1xi32, #tpu.memory_space<vmem>>, vector<1x2048x1xi32>,
    return
  }
  func.func @transform_0(%arg0: i32) -> (i32, i32, i32) {
    %c0_i32 = arith.constant 0 : i32
    %c0_i32_0 = arith.constant 0 : i32
    %c0_i32_1 = arith.constant 0 : i32
    return %arg0, %c0_i32, %c0_i32_0 : i32, i32, i32
  }
  func.func @transform_1(%arg0: i32) -> (i32, i32, i32) {
    %c0_i32 = arith.constant 0 : i32
    %c0_i32_0 = arith.constant 0 : i32
    %c0_i32_1 = arith.constant 0 : i32
    return %arg0, %c0_i32, %c0_i32_0 : i32, i32, i32
  }
  func.func @transform_2(%arg0: i32) -> (i32, i32, i32) {
    %c0_i32 = arith.constant 0 : i32
    %c0_i32_0 = arith.constant 0 : i32
    %c0_i32_1 = arith.constant 0 : i32
    return %arg0, %c0_i32, %c0_i32_0 : i32, i32, i32
  }
  func.func @transform_3(%arg0: i32) -> (i32, i32) {
    %c0_i32 = arith.constant 0 : i32
    %c0_i32_0 = arith.constant 0 : i32
    %c0_i32_1 = arith.constant 0 : i32
    return %c0_i32, %c0_i32_0 : i32, i32
  }
  func.func @transform_4(%arg0: i32) -> (i32, i32) {
    %c0_i32 = arith.constant 0 : i32
    %c0_i32_0 = arith.constant 0 : i32
    %c0_i32_1 = arith.constant 0 : i32
    return %c0_i32, %c0_i32_0 : i32, i32
  }
  func.func @transform_5(%arg0: i32) -> (i32, i32) {
    %c0_i32 = arith.constant 0 : i32
    %c0_i32_0 = arith.constant 0 : i32
    %c0_i32_1 = arith.constant 0 : i32
    return %c0_i32, %c0_i32_0 : i32, i32
  }
  func.func @transform_6(%arg0: i32) -> (i32, i32) {
    %c0_i32 = arith.constant 0 : i32
    %c0_i32_0 = arith.constant 0 : i32
    %c0_i32_1 = arith.constant 0 : i32
    return %c0_i32, %c0_i32_0 : i32, i32
  }
  func.func @transform_7(%arg0: i32) -> (i32, i32, i32) {
    %c0_i32 = arith.constant 0 : i32
    %c0_i32_0 = arith.constant 0 : i32
    %c0_i32_1 = arith.constant 0 : i32
    return %arg0, %c0_i32, %c0_i32_0 : i32, i32, i32
  }
  func.func @transform_8(%arg0: i32) -> (i32, i32, i32) {
    %c0_i32 = arith.constant 0 : i32
    %c0_i32_0 = arith.constant 0 : i32
    %c0_i32_1 = arith.constant 0 : i32
    return %arg0, %c0_i32, %c0_i32_0 : i32, i32, i32
  }
}

module attributes {stable_mosaic.version = 14 : i64} {
  func.func @_ema_exact_body(%arg0: i32, %arg1: memref<1x2048x256xf32, #tpu.memory_space<vmem>>, %arg2: memref<1x2048x1xf32, #tpu.memory_space<vmem>>, %arg3: memref<1x2048x256xf32, #tpu.memory_space<vmem>>, %arg4: memref<1x2048x1xi32, #tpu.memory_space<vmem>>, %arg5: memref<1x1x2048xf32, #tpu.memory_space<vmem>>, %arg6: memref<1x2048x1xf32, #tpu.memory_space<vmem>>, %arg7: memref<1x1x2048xf32, #tpu.memory_space<vmem>>, %arg8: memref<1x1xf32, #tpu.memory_space<vmem>>, %arg9: memref<1x2048x256xf32, #tpu.memory_space<vmem>>, %arg10: memref<2048x512xf32, #tpu.memory_space<vmem>>) attributes {dimension_semantics = [#tpu.dimension_semantics<arbitrary>], iteration_bounds = array<i64: 4>, scalar_prefetch = 0 : i64, scratch_operands = 1 : i64, tpu.core_type = #tpu.core_type<tc>, window_params = [{transform_indices = @transform_0, window_bounds = array<i64: 1, 2048, 256>}, {transform_indices = @transform_1, window_bounds = array<i64: 1, 2048, 1>}, {transform_indices = @transform_2, window_bounds = array<i64: 1, 2048, 256>}, {transform_indices = @transform_3, window_bounds = array<i64: 1, 2048, 1>}, {transform_indices = @transform_4, window_bounds = array<i64: 1, 1, 2048>}, {transform_indices = @transform_5, window_bounds = array<i64: 1, 2048, 1>}, {transform_indices = @transform_6, window_bounds = array<i64: 1, 1, 2048>}, {pipeline_mode = #tpu.pipeline_mode<synchronous>, transform_indices = @transform_7, window_bounds = array<i64: 1, 1>}, {transform_indices = @transform_8, window_bounds = array<i64: 1, 2048, 256>}]} {
    %get3A = arith.constant 0 : index
    %get3A_0 = arith.constant 0 : index
    %get3A_1 = arith.constant 0 : index
    %get3A_2 = vector.load %arg1[%get3A, %get3A_0, %get3A_1] : memref<1x2048x256xf32, #tpu.memory_space<vmem>>, vector<1x2048x256xf32>
    %get3A_3 = vector.shape_cast %get3A_2 : vector<1x2048x256xf32> to vector<2048x256xf32>
    %get3A_4 = arith.constant 0 : index
    %get3A_5 = arith.constant 0 : index
    %get3A_6 = arith.constant 0 : index
    %get3A_7 = vector.load %arg2[%get3A_4, %get3A_5, %get3A_6] : memref<1x2048x1xf32, #tpu.memory_space<vmem>>, vector<1x2048x1xf32>
    %get3A_8 = vector.shape_cast %get3A_7 : vector<1x2048x1xf32> to vector<2048x1xf32>
    %add3A = arith.constant 9.99999997E-7 : f32
    %add3A_9 = vector.broadcast %add3A : f32 to vector<2048x1xf32>
    %add3A_10 = arith.addf %get3A_8, %add3A_9 : vector<2048x1xf32>
    %rsqrt3A = math.rsqrt %add3A_10 : vector<2048x1xf32>
    %mul3A = vector.broadcast %rsqrt3A : vector<2048x1xf32> to vector<2048x256xf32>
    %mul3A_11 = arith.mulf %get3A_3, %mul3A : vector<2048x256xf32>
    %get3A_12 = arith.constant 0 : index
    %get3A_13 = arith.constant 0 : index
    %get3A_14 = arith.constant 0 : index
    %get3A_15 = vector.load %arg4[%get3A_12, %get3A_13, %get3A_14] : memref<1x2048x1xi32, #tpu.memory_space<vmem>>, vector<1x256x1xi32>
    %get3A_16 = vector.shape_cast %get3A_15 : vector<1x256x1xi32> to vector<256x1xi32>
    %mul3A_17 = arith.constant 2048 : i32
    %mul3A_18 = arith.muli %arg0, %mul3A_17 : i32
    %sub3A = vector.broadcast %mul3A_18 : i32 to vector<256x1xi32>
    %sub3A_19 = arith.subi %get3A_16, %sub3A : vector<256x1xi32>
    %iota3A = tpu.iota {dimensions = array<i32: 1>} : vector<256x256xi32>
    %eq3A = vector.broadcast %sub3A_19 : vector<256x1xi32> to vector<256x256xi32>
    %eq3A_20 = arith.cmpi eq, %iota3A, %eq3A : vector<256x256xi32>
    %jit3A = arith.constant 1.000000e+00 : f32
    %jit3A_21 = arith.constant 0.000000e+00 : f32
    %broadcast_in_dim3A = vector.broadcast %jit3A : f32 to vector<256x256xf32>
    %broadcast_in_dim3A_22 = vector.broadcast %jit3A_21 : f32 to vector<256x256xf32>
    %select_n3A = arith.select %eq3A_20, %broadcast_in_dim3A, %broadcast_in_dim3A_22 : vector<256x256xi1>, vector<256x256xf32>
    %slice3A = vector.extract_strided_slice %mul3A_11 {offsets = [0, 0], sizes = [256, 256], strides = [1, 1]} : vector<2048x256xf32> to vector<256x256xf32>
    %dot_general3A = arith.constant dense<0.000000e+00> : vector<256x256xf32>
    %dot_general3A_23 = tpu.matmul %select_n3A, %slice3A, %dot_general3A {dimension_numbers = #tpu.dot_dimension_numbers<[1], [0], [0], [1], [0, 0, 1, 1], [], []>, transpose_lhs_hint = false} : vector<256x256xf32>, vector<256x256xf32>, vector<256x256xf32> -> vector<256x256xf32>
    %swap3A = arith.constant 0 : index
    %swap3A_24 = arith.constant 0 : index
    %swap3A_25 = vector.load %arg10[%swap3A, %swap3A_24] : memref<2048x512xf32, #tpu.memory_space<vmem>>, vector<256x256xf32>
    tpu.vector_store %arg10[%swap3A, %swap3A_24], %dot_general3A_23 {strides = array<i32>} : memref<2048x512xf32, #tpu.memory_space<vmem>>, vector<256x256xf32>,
    %get3A_26 = arith.constant 0 : index
    %get3A_27 = arith.constant 0 : index
    %get3A_28 = arith.constant 0 : index
    %get3A_29 = vector.load %arg3[%get3A_26, %get3A_27, %get3A_28] : memref<1x2048x256xf32, #tpu.memory_space<vmem>>, vector<1x256x256xf32>
    %get3A_30 = vector.shape_cast %get3A_29 : vector<1x256x256xf32> to vector<256x256xf32>
    %dot_general3A_31 = arith.constant dense<0.000000e+00> : vector<256x256xf32>
    %dot_general3A_32 = tpu.matmul %select_n3A, %get3A_30, %dot_general3A_31 {dimension_numbers = #tpu.dot_dimension_numbers<[1], [0], [0], [1], [0, 0, 1, 1], [], []>, transpose_lhs_hint = false} : vector<256x256xf32>, vector<256x256xf32>, vector<256x256xf32> -> vector<256x256xf32>
    %swap3A_33 = arith.constant 0 : index
    %swap3A_34 = arith.constant 256 : index
    %swap3A_35 = vector.load %arg10[%swap3A_33, %swap3A_34] : memref<2048x512xf32, #tpu.memory_space<vmem>>, vector<256x256xf32>
    tpu.vector_store %arg10[%swap3A_33, %swap3A_34], %dot_general3A_32 {strides = array<i32>} : memref<2048x512xf32, #tpu.memory_space<vmem>>, vector<256x256xf32>,
    %get3A_36 = arith.constant 0 : index
    %get3A_37 = arith.constant 0 : index
    %get3A_38 = arith.constant 0 : index
    %get3A_39 = vector.load %arg6[%get3A_36, %get3A_37, %get3A_38] : memref<1x2048x1xf32, #tpu.memory_space<vmem>>, vector<1x256x1xf32>
    %get3A_40 = vector.shape_cast %get3A_39 : vector<1x256x1xf32> to vector<256x1xf32>
    %get3A_41 = arith.constant 0 : index
    %get3A_42 = arith.constant 0 : index
    %get3A_43 = arith.constant 0 : index
    %get3A_44 = vector.load %arg7[%get3A_41, %get3A_42, %get3A_43] : memref<1x1x2048xf32, #tpu.memory_space<vmem>>, vector<1x1x256xf32>
    %get3A_45 = vector.shape_cast %get3A_44 : vector<1x1x256xf32> to vector<1x256xf32>
    %sub3A_46 = vector.broadcast %get3A_40 : vector<256x1xf32> to vector<256x256xf32>
    %sub3A_47 = vector.broadcast %get3A_45 : vector<1x256xf32> to vector<256x256xf32>
    %sub3A_48 = arith.subf %sub3A_46, %sub3A_47 : vector<256x256xf32>
    %iota3A_49 = tpu.iota {dimensions = array<i32: 0>} : vector<256x256xi32>
    %add3A_50 = arith.constant 0 : i32
    %add3A_51 = vector.broadcast %add3A_50 : i32 to vector<256x256xi32>
    %add3A_52 = arith.addi %iota3A_49, %add3A_51 : vector<256x256xi32>
    %iota3A_53 = tpu.iota {dimensions = array<i32: 1>} : vector<256x256xi32>
    %get3A_54 = arith.constant 0 : index
    %get3A_55 = arith.constant 0 : index
    %get3A_56 = arith.constant 0 : index
    %get3A_57 = vector.load %arg5[%get3A_54, %get3A_55, %get3A_56] : memref<1x1x2048xf32, #tpu.memory_space<vmem>>, vector<1x1x256xf32>
    %get3A_58 = vector.shape_cast %get3A_57 : vector<1x1x256xf32> to vector<1x256xf32>
    %ge3A = arith.cmpi sge, %add3A_52, %iota3A_53 : vector<256x256xi32>
    %jit3A_59 = arith.constant 0xFF800000 : f32
    %broadcast_in_dim3A_60 = vector.broadcast %jit3A_59 : f32 to vector<256x256xf32>
    %select_n3A_61 = arith.select %ge3A, %sub3A_48, %broadcast_in_dim3A_60 : vector<256x256xi1>, vector<256x256xf32>
    %exp3A = math.exp %select_n3A_61 : vector<256x256xf32>
    %mul3A_62 = vector.broadcast %get3A_58 : vector<1x256xf32> to vector<256x256xf32>
    %mul3A_63 = arith.mulf %mul3A_62, %exp3A : vector<256x256xf32>
    %get3A_64 = arith.constant 0 : index
    %get3A_65 = arith.constant 0 : index
    %get3A_66 = vector.load %arg10[%get3A_64, %get3A_65] : memref<2048x512xf32, #tpu.memory_space<vmem>>, vector<256x512xf32>
    %dot_general3A_67 = arith.constant dense<0.000000e+00> : vector<256x512xf32>
    %dot_general3A_68 = tpu.matmul %mul3A_63, %get3A_66, %dot_general3A_67 {dimension_numbers = #tpu.dot_dimension_numbers<[1], [0], [0], [1], [0, 0, 1, 1], [], []>, transpose_lhs_hint = false} : vector<256x256xf32>, vector<256x512xf32>, vector<256x512xf32> -> vector<256x512xf32>
    %slice3A_69 = vector.extract_strided_slice %dot_general3A_68 {offsets = [0, 0], sizes = [256, 256], strides = [1, 1]} : vector<256x512xf32> to vector<256x256xf32>
    %get3A_70 = arith.constant 0 : index
    %get3A_71 = arith.constant 0 : index
    %get3A_72 = vector.load %arg8[%get3A_70, %get3A_71] : memref<1x1xf32, #tpu.memory_space<vmem>>, vector<1x1xf32>
    %slice3A_73 = vector.extract_strided_slice %dot_general3A_68 {offsets = [0, 256], sizes = [256, 256], strides = [1, 1]} : vector<256x512xf32> to vector<256x256xf32>
    %mul3A_74 = vector.broadcast %get3A_72 : vector<1x1xf32> to vector<256x256xf32>
    %mul3A_75 = arith.mulf %mul3A_74, %slice3A_73 : vector<256x256xf32>
    %add3A_76 = arith.addf %slice3A_69, %mul3A_75 : vector<256x256xf32>
    %swap3A_77 = arith.constant 0 : index
    %swap3A_78 = arith.constant 0 : index
    %swap3A_79 = arith.constant 0 : index
    %swap3A_80 = vector.load %arg9[%swap3A_77, %swap3A_78, %swap3A_79] : memref<1x2048x256xf32, #tpu.memory_space<vmem>>, vector<1x256x256xf32>
    %swap3A_81 = vector.shape_cast %swap3A_80 : vector<1x256x256xf32> to vector<256x256xf32>
    %swap3A_82 = vector.shape_cast %add3A_76 : vector<256x256xf32> to vector<1x256x256xf32>
    tpu.vector_store %arg9[%swap3A_77, %swap3A_78, %swap3A_79], %swap3A_82 {strides = array<i32>} : memref<1x2048x256xf32, #tpu.memory_space<vmem>>, vector<1x256x256xf32>,
    %get3A_83 = arith.constant 0 : index
    %get3A_84 = arith.constant 256 : index
    %get3A_85 = arith.constant 0 : index
    %get3A_86 = vector.load %arg4[%get3A_83, %get3A_84, %get3A_85] : memref<1x2048x1xi32, #tpu.memory_space<vmem>>, vector<1x256x1xi32>
    %get3A_87 = vector.shape_cast %get3A_86 : vector<1x256x1xi32> to vector<256x1xi32>
    %mul3A_88 = arith.constant 2048 : i32
    %mul3A_89 = arith.muli %arg0, %mul3A_88 : i32
    %sub3A_90 = vector.broadcast %mul3A_89 : i32 to vector<256x1xi32>
    %sub3A_91 = arith.subi %get3A_87, %sub3A_90 : vector<256x1xi32>
    %iota3A_92 = tpu.iota {dimensions = array<i32: 1>} : vector<256x512xi32>
    %eq3A_93 = vector.broadcast %sub3A_91 : vector<256x1xi32> to vector<256x512xi32>
    %eq3A_94 = arith.cmpi eq, %iota3A_92, %eq3A_93 : vector<256x512xi32>
    %jit3A_95 = arith.constant 1.000000e+00 : f32
    %jit3A_96 = arith.constant 0.000000e+00 : f32
    %broadcast_in_dim3A_97 = vector.broadcast %jit3A_95 : f32 to vector<256x512xf32>
    %broadcast_in_dim3A_98 = vector.broadcast %jit3A_96 : f32 to vector<256x512xf32>
    %select_n3A_99 = arith.select %eq3A_94, %broadcast_in_dim3A_97, %broadcast_in_dim3A_98 : vector<256x512xi1>, vector<256x512xf32>
    %slice3A_100 = vector.extract_strided_slice %mul3A_11 {offsets = [0, 0], sizes = [512, 256], strides = [1, 1]} : vector<2048x256xf32> to vector<512x256xf32>
    %dot_general3A_101 = arith.constant dense<0.000000e+00> : vector<256x256xf32>
    %dot_general3A_102 = tpu.matmul %select_n3A_99, %slice3A_100, %dot_general3A_101 {dimension_numbers = #tpu.dot_dimension_numbers<[1], [0], [0], [1], [0, 0, 1, 1], [], []>, transpose_lhs_hint = false} : vector<256x512xf32>, vector<512x256xf32>, vector<256x256xf32> -> vector<256x256xf32>
    %swap3A_103 = arith.constant 256 : index
    %swap3A_104 = arith.constant 0 : index
    %swap3A_105 = vector.load %arg10[%swap3A_103, %swap3A_104] : memref<2048x512xf32, #tpu.memory_space<vmem>>, vector<256x256xf32>
    tpu.vector_store %arg10[%swap3A_103, %swap3A_104], %dot_general3A_102 {strides = array<i32>} : memref<2048x512xf32, #tpu.memory_space<vmem>>, vector<256x256xf32>,
    %get3A_106 = arith.constant 0 : index
    %get3A_107 = arith.constant 0 : index
    %get3A_108 = arith.constant 0 : index
    %get3A_109 = vector.load %arg3[%get3A_106, %get3A_107, %get3A_108] : memref<1x2048x256xf32, #tpu.memory_space<vmem>>, vector<1x512x256xf32>
    %get3A_110 = vector.shape_cast %get3A_109 : vector<1x512x256xf32> to vector<512x256xf32>
    %dot_general3A_111 = arith.constant dense<0.000000e+00> : vector<256x256xf32>
    %dot_general3A_112 = tpu.matmul %select_n3A_99, %get3A_110, %dot_general3A_111 {dimension_numbers = #tpu.dot_dimension_numbers<[1], [0], [0], [1], [0, 0, 1, 1], [], []>, transpose_lhs_hint = false} : vector<256x512xf32>, vector<512x256xf32>, vector<256x256xf32> -> vector<256x256xf32>
    %swap3A_113 = arith.constant 256 : index
    %swap3A_114 = arith.constant 256 : index
    %swap3A_115 = vector.load %arg10[%swap3A_113, %swap3A_114] : memref<2048x512xf32, #tpu.memory_space<vmem>>, vector<256x256xf32>
    tpu.vector_store %arg10[%swap3A_113, %swap3A_114], %dot_general3A_112 {strides = array<i32>} : memref<2048x512xf32, #tpu.memory_space<vmem>>, vector<256x256xf32>,
    %get3A_116 = arith.constant 0 : index
    %get3A_117 = arith.constant 256 : index
    %get3A_118 = arith.constant 0 : index
    %get3A_119 = vector.load %arg6[%get3A_116, %get3A_117, %get3A_118] : memref<1x2048x1xf32, #tpu.memory_space<vmem>>, vector<1x256x1xf32>
    %get3A_120 = vector.shape_cast %get3A_119 : vector<1x256x1xf32> to vector<256x1xf32>
    %get3A_121 = arith.constant 0 : index
    %get3A_122 = arith.constant 0 : index
    %get3A_123 = arith.constant 0 : index
    %get3A_124 = vector.load %arg7[%get3A_121, %get3A_122, %get3A_123] : memref<1x1x2048xf32, #tpu.memory_space<vmem>>, vector<1x1x512xf32>
    %get3A_125 = vector.shape_cast %get3A_124 : vector<1x1x512xf32> to vector<1x512xf32>
    %sub3A_126 = vector.broadcast %get3A_120 : vector<256x1xf32> to vector<256x512xf32>
    %sub3A_127 = vector.broadcast %get3A_125 : vector<1x512xf32> to vector<256x512xf32>
    %sub3A_128 = arith.subf %sub3A_126, %sub3A_127 : vector<256x512xf32>
    %iota3A_129 = tpu.iota {dimensions = array<i32: 0>} : vector<256x512xi32>
    %add3A_130 = arith.constant 256 : i32
    %add3A_131 = vector.broadcast %add3A_130 : i32 to vector<256x512xi32>
    %add3A_132 = arith.addi %iota3A_129, %add3A_131 : vector<256x512xi32>
    %iota3A_133 = tpu.iota {dimensions = array<i32: 1>} : vector<256x512xi32>
    %get3A_134 = arith.constant 0 : index
    %get3A_135 = arith.constant 0 : index
    %get3A_136 = arith.constant 0 : index
    %get3A_137 = vector.load %arg5[%get3A_134, %get3A_135, %get3A_136] : memref<1x1x2048xf32, #tpu.memory_space<vmem>>, vector<1x1x512xf32>
    %get3A_138 = vector.shape_cast %get3A_137 : vector<1x1x512xf32> to vector<1x512xf32>
    %ge3A_139 = arith.cmpi sge, %add3A_132, %iota3A_133 : vector<256x512xi32>
    %jit3A_140 = arith.constant 0xFF800000 : f32
    %broadcast_in_dim3A_141 = vector.broadcast %jit3A_140 : f32 to vector<256x512xf32>
    %select_n3A_142 = arith.select %ge3A_139, %sub3A_128, %broadcast_in_dim3A_141 : vector<256x512xi1>, vector<256x512xf32>
    %exp3A_143 = math.exp %select_n3A_142 : vector<256x512xf32>
    %mul3A_144 = vector.broadcast %get3A_138 : vector<1x512xf32> to vector<256x512xf32>
    %mul3A_145 = arith.mulf %mul3A_144, %exp3A_143 : vector<256x512xf32>
    %get3A_146 = arith.constant 0 : index
    %get3A_147 = arith.constant 0 : index
    %get3A_148 = vector.load %arg10[%get3A_146, %get3A_147] : memref<2048x512xf32, #tpu.memory_space<vmem>>, vector<512x512xf32>
    %dot_general3A_149 = arith.constant dense<0.000000e+00> : vector<256x512xf32>
    %dot_general3A_150 = tpu.matmul %mul3A_145, %get3A_148, %dot_general3A_149 {dimension_numbers = #tpu.dot_dimension_numbers<[1], [0], [0], [1], [0, 0, 1, 1], [], []>, transpose_lhs_hint = false} : vector<256x512xf32>, vector<512x512xf32>, vector<256x512xf32> -> vector<256x512xf32>
    %slice3A_151 = vector.extract_strided_slice %dot_general3A_150 {offsets = [0, 0], sizes = [256, 256], strides = [1, 1]} : vector<256x512xf32> to vector<256x256xf32>
    %get3A_152 = arith.constant 0 : index
    %get3A_153 = arith.constant 0 : index
    %get3A_154 = vector.load %arg8[%get3A_152, %get3A_153] : memref<1x1xf32, #tpu.memory_space<vmem>>, vector<1x1xf32>
    %slice3A_155 = vector.extract_strided_slice %dot_general3A_150 {offsets = [0, 256], sizes = [256, 256], strides = [1, 1]} : vector<256x512xf32> to vector<256x256xf32>
    %mul3A_156 = vector.broadcast %get3A_154 : vector<1x1xf32> to vector<256x256xf32>
    %mul3A_157 = arith.mulf %mul3A_156, %slice3A_155 : vector<256x256xf32>
    %add3A_158 = arith.addf %slice3A_151, %mul3A_157 : vector<256x256xf32>
    %swap3A_159 = arith.constant 0 : index
    %swap3A_160 = arith.constant 256 : index
    %swap3A_161 = arith.constant 0 : index
    %swap3A_162 = vector.load %arg9[%swap3A_159, %swap3A_160, %swap3A_161] : memref<1x2048x256xf32, #tpu.memory_space<vmem>>, vector<1x256x256xf32>
    %swap3A_163 = vector.shape_cast %swap3A_162 : vector<1x256x256xf32> to vector<256x256xf32>
    %swap3A_164 = vector.shape_cast %add3A_158 : vector<256x256xf32> to vector<1x256x256xf32>
    tpu.vector_store %arg9[%swap3A_159, %swap3A_160, %swap3A_161], %swap3A_164 {strides = array<i32>} : memref<1x2048x256xf32, #tpu.memory_space<vmem>>, vector<1x256x256xf32>,
    %get3A_165 = arith.constant 0 : index
    %get3A_166 = arith.constant 512 : index
    %get3A_167 = arith.constant 0 : index
    %get3A_168 = vector.load %arg4[%get3A_165, %get3A_166, %get3A_167] : memref<1x2048x1xi32, #tpu.memory_space<vmem>>, vector<1x256x1xi32>
    %get3A_169 = vector.shape_cast %get3A_168 : vector<1x256x1xi32> to vector<256x1xi32>
    %mul3A_170 = arith.constant 2048 : i32
    %mul3A_171 = arith.muli %arg0, %mul3A_170 : i32
    %sub3A_172 = vector.broadcast %mul3A_171 : i32 to vector<256x1xi32>
    %sub3A_173 = arith.subi %get3A_169, %sub3A_172 : vector<256x1xi32>
    %iota3A_174 = tpu.iota {dimensions = array<i32: 1>} : vector<256x768xi32>
    %eq3A_175 = vector.broadcast %sub3A_173 : vector<256x1xi32> to vector<256x768xi32>
    %eq3A_176 = arith.cmpi eq, %iota3A_174, %eq3A_175 : vector<256x768xi32>
    %jit3A_177 = arith.constant 1.000000e+00 : f32
    %jit3A_178 = arith.constant 0.000000e+00 : f32
    %broadcast_in_dim3A_179 = vector.broadcast %jit3A_177 : f32 to vector<256x768xf32>
    %broadcast_in_dim3A_180 = vector.broadcast %jit3A_178 : f32 to vector<256x768xf32>
    %select_n3A_181 = arith.select %eq3A_176, %broadcast_in_dim3A_179, %broadcast_in_dim3A_180 : vector<256x768xi1>, vector<256x768xf32>
    %slice3A_182 = vector.extract_strided_slice %mul3A_11 {offsets = [0, 0], sizes = [768, 256], strides = [1, 1]} : vector<2048x256xf32> to vector<768x256xf32>
    %dot_general3A_183 = arith.constant dense<0.000000e+00> : vector<256x256xf32>
    %dot_general3A_184 = tpu.matmul %select_n3A_181, %slice3A_182, %dot_general3A_183 {dimension_numbers = #tpu.dot_dimension_numbers<[1], [0], [0], [1], [0, 0, 1, 1], [], []>, transpose_lhs_hint = false} : vector<256x768xf32>, vector<768x256xf32>, vector<256x256xf32> -> vector<256x256xf32>
    %swap3A_185 = arith.constant 512 : index
    %swap3A_186 = arith.constant 0 : index
    %swap3A_187 = vector.load %arg10[%swap3A_185, %swap3A_186] : memref<2048x512xf32, #tpu.memory_space<vmem>>, vector<256x256xf32>
    tpu.vector_store %arg10[%swap3A_185, %swap3A_186], %dot_general3A_184 {strides = array<i32>} : memref<2048x512xf32, #tpu.memory_space<vmem>>, vector<256x256xf32>,
    %get3A_188 = arith.constant 0 : index
    %get3A_189 = arith.constant 0 : index
    %get3A_190 = arith.constant 0 : index
    %get3A_191 = vector.load %arg3[%get3A_188, %get3A_189, %get3A_190] : memref<1x2048x256xf32, #tpu.memory_space<vmem>>, vector<1x768x256xf32>
    %get3A_192 = vector.shape_cast %get3A_191 : vector<1x768x256xf32> to vector<768x256xf32>
    %dot_general3A_193 = arith.constant dense<0.000000e+00> : vector<256x256xf32>
    %dot_general3A_194 = tpu.matmul %select_n3A_181, %get3A_192, %dot_general3A_193 {dimension_numbers = #tpu.dot_dimension_numbers<[1], [0], [0], [1], [0, 0, 1, 1], [], []>, transpose_lhs_hint = false} : vector<256x768xf32>, vector<768x256xf32>, vector<256x256xf32> -> vector<256x256xf32>
    %swap3A_195 = arith.constant 512 : index
    %swap3A_196 = arith.constant 256 : index
    %swap3A_197 = vector.load %arg10[%swap3A_195, %swap3A_196] : memref<2048x512xf32, #tpu.memory_space<vmem>>, vector<256x256xf32>
    tpu.vector_store %arg10[%swap3A_195, %swap3A_196], %dot_general3A_194 {strides = array<i32>} : memref<2048x512xf32, #tpu.memory_space<vmem>>, vector<256x256xf32>,
    %get3A_198 = arith.constant 0 : index
    %get3A_199 = arith.constant 512 : index
    %get3A_200 = arith.constant 0 : index
    %get3A_201 = vector.load %arg6[%get3A_198, %get3A_199, %get3A_200] : memref<1x2048x1xf32, #tpu.memory_space<vmem>>, vector<1x256x1xf32>
    %get3A_202 = vector.shape_cast %get3A_201 : vector<1x256x1xf32> to vector<256x1xf32>
    %get3A_203 = arith.constant 0 : index
    %get3A_204 = arith.constant 0 : index
    %get3A_205 = arith.constant 0 : index
    %get3A_206 = vector.load %arg7[%get3A_203, %get3A_204, %get3A_205] : memref<1x1x2048xf32, #tpu.memory_space<vmem>>, vector<1x1x768xf32>
    %get3A_207 = vector.shape_cast %get3A_206 : vector<1x1x768xf32> to vector<1x768xf32>
    %sub3A_208 = vector.broadcast %get3A_202 : vector<256x1xf32> to vector<256x768xf32>
    %sub3A_209 = vector.broadcast %get3A_207 : vector<1x768xf32> to vector<256x768xf32>
    %sub3A_210 = arith.subf %sub3A_208, %sub3A_209 : vector<256x768xf32>
    %iota3A_211 = tpu.iota {dimensions = array<i32: 0>} : vector<256x768xi32>
    %add3A_212 = arith.constant 512 : i32
    %add3A_213 = vector.broadcast %add3A_212 : i32 to vector<256x768xi32>
    %add3A_214 = arith.addi %iota3A_211, %add3A_213 : vector<256x768xi32>
    %iota3A_215 = tpu.iota {dimensions = array<i32: 1>} : vector<256x768xi32>
    %get3A_216 = arith.constant 0 : index
    %get3A_217 = arith.constant 0 : index
    %get3A_218 = arith.constant 0 : index
    %get3A_219 = vector.load %arg5[%get3A_216, %get3A_217, %get3A_218] : memref<1x1x2048xf32, #tpu.memory_space<vmem>>, vector<1x1x768xf32>
    %get3A_220 = vector.shape_cast %get3A_219 : vector<1x1x768xf32> to vector<1x768xf32>
    %ge3A_221 = arith.cmpi sge, %add3A_214, %iota3A_215 : vector<256x768xi32>
    %jit3A_222 = arith.constant 0xFF800000 : f32
    %broadcast_in_dim3A_223 = vector.broadcast %jit3A_222 : f32 to vector<256x768xf32>
    %select_n3A_224 = arith.select %ge3A_221, %sub3A_210, %broadcast_in_dim3A_223 : vector<256x768xi1>, vector<256x768xf32>
    %exp3A_225 = math.exp %select_n3A_224 : vector<256x768xf32>
    %mul3A_226 = vector.broadcast %get3A_220 : vector<1x768xf32> to vector<256x768xf32>
    %mul3A_227 = arith.mulf %mul3A_226, %exp3A_225 : vector<256x768xf32>
    %get3A_228 = arith.constant 0 : index
    %get3A_229 = arith.constant 0 : index
    %get3A_230 = vector.load %arg10[%get3A_228, %get3A_229] : memref<2048x512xf32, #tpu.memory_space<vmem>>, vector<768x512xf32>
    %dot_general3A_231 = arith.constant dense<0.000000e+00> : vector<256x512xf32>
    %dot_general3A_232 = tpu.matmul %mul3A_227, %get3A_230, %dot_general3A_231 {dimension_numbers = #tpu.dot_dimension_numbers<[1], [0], [0], [1], [0, 0, 1, 1], [], []>, transpose_lhs_hint = false} : vector<256x768xf32>, vector<768x512xf32>, vector<256x512xf32> -> vector<256x512xf32>
    %slice3A_233 = vector.extract_strided_slice %dot_general3A_232 {offsets = [0, 0], sizes = [256, 256], strides = [1, 1]} : vector<256x512xf32> to vector<256x256xf32>
    %get3A_234 = arith.constant 0 : index
    %get3A_235 = arith.constant 0 : index
    %get3A_236 = vector.load %arg8[%get3A_234, %get3A_235] : memref<1x1xf32, #tpu.memory_space<vmem>>, vector<1x1xf32>
    %slice3A_237 = vector.extract_strided_slice %dot_general3A_232 {offsets = [0, 256], sizes = [256, 256], strides = [1, 1]} : vector<256x512xf32> to vector<256x256xf32>
    %mul3A_238 = vector.broadcast %get3A_236 : vector<1x1xf32> to vector<256x256xf32>
    %mul3A_239 = arith.mulf %mul3A_238, %slice3A_237 : vector<256x256xf32>
    %add3A_240 = arith.addf %slice3A_233, %mul3A_239 : vector<256x256xf32>
    %swap3A_241 = arith.constant 0 : index
    %swap3A_242 = arith.constant 512 : index
    %swap3A_243 = arith.constant 0 : index
    %swap3A_244 = vector.load %arg9[%swap3A_241, %swap3A_242, %swap3A_243] : memref<1x2048x256xf32, #tpu.memory_space<vmem>>, vector<1x256x256xf32>
    %swap3A_245 = vector.shape_cast %swap3A_244 : vector<1x256x256xf32> to vector<256x256xf32>
    %swap3A_246 = vector.shape_cast %add3A_240 : vector<256x256xf32> to vector<1x256x256xf32>
    tpu.vector_store %arg9[%swap3A_241, %swap3A_242, %swap3A_243], %swap3A_246 {strides = array<i32>} : memref<1x2048x256xf32, #tpu.memory_space<vmem>>, vector<1x256x256xf32>,
    %get3A_247 = arith.constant 0 : index
    %get3A_248 = arith.constant 768 : index
    %get3A_249 = arith.constant 0 : index
    %get3A_250 = vector.load %arg4[%get3A_247, %get3A_248, %get3A_249] : memref<1x2048x1xi32, #tpu.memory_space<vmem>>, vector<1x256x1xi32>
    %get3A_251 = vector.shape_cast %get3A_250 : vector<1x256x1xi32> to vector<256x1xi32>
    %mul3A_252 = arith.constant 2048 : i32
    %mul3A_253 = arith.muli %arg0, %mul3A_252 : i32
    %sub3A_254 = vector.broadcast %mul3A_253 : i32 to vector<256x1xi32>
    %sub3A_255 = arith.subi %get3A_251, %sub3A_254 : vector<256x1xi32>
    %iota3A_256 = tpu.iota {dimensions = array<i32: 1>} : vector<256x1024xi32>
    %eq3A_257 = vector.broadcast %sub3A_255 : vector<256x1xi32> to vector<256x1024xi32>
    %eq3A_258 = arith.cmpi eq, %iota3A_256, %eq3A_257 : vector<256x1024xi32>
    %jit3A_259 = arith.constant 1.000000e+00 : f32
    %jit3A_260 = arith.constant 0.000000e+00 : f32
    %broadcast_in_dim3A_261 = vector.broadcast %jit3A_259 : f32 to vector<256x1024xf32>
    %broadcast_in_dim3A_262 = vector.broadcast %jit3A_260 : f32 to vector<256x1024xf32>
    %select_n3A_263 = arith.select %eq3A_258, %broadcast_in_dim3A_261, %broadcast_in_dim3A_262 : vector<256x1024xi1>, vector<256x1024xf32>
    %slice3A_264 = vector.extract_strided_slice %mul3A_11 {offsets = [0, 0], sizes = [1024, 256], strides = [1, 1]} : vector<2048x256xf32> to vector<1024x256xf32>
    %dot_general3A_265 = arith.constant dense<0.000000e+00> : vector<256x256xf32>
    %dot_general3A_266 = tpu.matmul %select_n3A_263, %slice3A_264, %dot_general3A_265 {dimension_numbers = #tpu.dot_dimension_numbers<[1], [0], [0], [1], [0, 0, 1, 1], [], []>, transpose_lhs_hint = false} : vector<256x1024xf32>, vector<1024x256xf32>, vector<256x256xf32> -> vector<256x256xf32>
    %swap3A_267 = arith.constant 768 : index
    %swap3A_268 = arith.constant 0 : index
    %swap3A_269 = vector.load %arg10[%swap3A_267, %swap3A_268] : memref<2048x512xf32, #tpu.memory_space<vmem>>, vector<256x256xf32>
    tpu.vector_store %arg10[%swap3A_267, %swap3A_268], %dot_general3A_266 {strides = array<i32>} : memref<2048x512xf32, #tpu.memory_space<vmem>>, vector<256x256xf32>,
    %get3A_270 = arith.constant 0 : index
    %get3A_271 = arith.constant 0 : index
    %get3A_272 = arith.constant 0 : index
    %get3A_273 = vector.load %arg3[%get3A_270, %get3A_271, %get3A_272] : memref<1x2048x256xf32, #tpu.memory_space<vmem>>, vector<1x1024x256xf32>
    %get3A_274 = vector.shape_cast %get3A_273 : vector<1x1024x256xf32> to vector<1024x256xf32>
    %dot_general3A_275 = arith.constant dense<0.000000e+00> : vector<256x256xf32>
    %dot_general3A_276 = tpu.matmul %select_n3A_263, %get3A_274, %dot_general3A_275 {dimension_numbers = #tpu.dot_dimension_numbers<[1], [0], [0], [1], [0, 0, 1, 1], [], []>, transpose_lhs_hint = false} : vector<256x1024xf32>, vector<1024x256xf32>, vector<256x256xf32> -> vector<256x256xf32>
    %swap3A_277 = arith.constant 768 : index
    %swap3A_278 = arith.constant 256 : index
    %swap3A_279 = vector.load %arg10[%swap3A_277, %swap3A_278] : memref<2048x512xf32, #tpu.memory_space<vmem>>, vector<256x256xf32>
    tpu.vector_store %arg10[%swap3A_277, %swap3A_278], %dot_general3A_276 {strides = array<i32>} : memref<2048x512xf32, #tpu.memory_space<vmem>>, vector<256x256xf32>,
    %get3A_280 = arith.constant 0 : index
    %get3A_281 = arith.constant 768 : index
    %get3A_282 = arith.constant 0 : index
    %get3A_283 = vector.load %arg6[%get3A_280, %get3A_281, %get3A_282] : memref<1x2048x1xf32, #tpu.memory_space<vmem>>, vector<1x256x1xf32>
    %get3A_284 = vector.shape_cast %get3A_283 : vector<1x256x1xf32> to vector<256x1xf32>
    %get3A_285 = arith.constant 0 : index
    %get3A_286 = arith.constant 0 : index
    %get3A_287 = arith.constant 0 : index
    %get3A_288 = vector.load %arg7[%get3A_285, %get3A_286, %get3A_287] : memref<1x1x2048xf32, #tpu.memory_space<vmem>>, vector<1x1x1024xf32>
    %get3A_289 = vector.shape_cast %get3A_288 : vector<1x1x1024xf32> to vector<1x1024xf32>
    %sub3A_290 = vector.broadcast %get3A_284 : vector<256x1xf32> to vector<256x1024xf32>
    %sub3A_291 = vector.broadcast %get3A_289 : vector<1x1024xf32> to vector<256x1024xf32>
    %sub3A_292 = arith.subf %sub3A_290, %sub3A_291 : vector<256x1024xf32>
    %iota3A_293 = tpu.iota {dimensions = array<i32: 0>} : vector<256x1024xi32>
    %add3A_294 = arith.constant 768 : i32
    %add3A_295 = vector.broadcast %add3A_294 : i32 to vector<256x1024xi32>
    %add3A_296 = arith.addi %iota3A_293, %add3A_295 : vector<256x1024xi32>
    %iota3A_297 = tpu.iota {dimensions = array<i32: 1>} : vector<256x1024xi32>
    %get3A_298 = arith.constant 0 : index
    %get3A_299 = arith.constant 0 : index
    %get3A_300 = arith.constant 0 : index
    %get3A_301 = vector.load %arg5[%get3A_298, %get3A_299, %get3A_300] : memref<1x1x2048xf32, #tpu.memory_space<vmem>>, vector<1x1x1024xf32>
    %get3A_302 = vector.shape_cast %get3A_301 : vector<1x1x1024xf32> to vector<1x1024xf32>
    %ge3A_303 = arith.cmpi sge, %add3A_296, %iota3A_297 : vector<256x1024xi32>
    %jit3A_304 = arith.constant 0xFF800000 : f32
    %broadcast_in_dim3A_305 = vector.broadcast %jit3A_304 : f32 to vector<256x1024xf32>
    %select_n3A_306 = arith.select %ge3A_303, %sub3A_292, %broadcast_in_dim3A_305 : vector<256x1024xi1>, vector<256x1024xf32>
    %exp3A_307 = math.exp %select_n3A_306 : vector<256x1024xf32>
    %mul3A_308 = vector.broadcast %get3A_302 : vector<1x1024xf32> to vector<256x1024xf32>
    %mul3A_309 = arith.mulf %mul3A_308, %exp3A_307 : vector<256x1024xf32>
    %get3A_310 = arith.constant 0 : index
    %get3A_311 = arith.constant 0 : index
    %get3A_312 = vector.load %arg10[%get3A_310, %get3A_311] : memref<2048x512xf32, #tpu.memory_space<vmem>>, vector<1024x512xf32>
    %dot_general3A_313 = arith.constant dense<0.000000e+00> : vector<256x512xf32>
    %dot_general3A_314 = tpu.matmul %mul3A_309, %get3A_312, %dot_general3A_313 {dimension_numbers = #tpu.dot_dimension_numbers<[1], [0], [0], [1], [0, 0, 1, 1], [], []>, transpose_lhs_hint = false} : vector<256x1024xf32>, vector<1024x512xf32>, vector<256x512xf32> -> vector<256x512xf32>
    %slice3A_315 = vector.extract_strided_slice %dot_general3A_314 {offsets = [0, 0], sizes = [256, 256], strides = [1, 1]} : vector<256x512xf32> to vector<256x256xf32>
    %get3A_316 = arith.constant 0 : index
    %get3A_317 = arith.constant 0 : index
    %get3A_318 = vector.load %arg8[%get3A_316, %get3A_317] : memref<1x1xf32, #tpu.memory_space<vmem>>, vector<1x1xf32>
    %slice3A_319 = vector.extract_strided_slice %dot_general3A_314 {offsets = [0, 256], sizes = [256, 256], strides = [1, 1]} : vector<256x512xf32> to vector<256x256xf32>
    %mul3A_320 = vector.broadcast %get3A_318 : vector<1x1xf32> to vector<256x256xf32>
    %mul3A_321 = arith.mulf %mul3A_320, %slice3A_319 : vector<256x256xf32>
    %add3A_322 = arith.addf %slice3A_315, %mul3A_321 : vector<256x256xf32>
    %swap3A_323 = arith.constant 0 : index
    %swap3A_324 = arith.constant 768 : index
    %swap3A_325 = arith.constant 0 : index
    %swap3A_326 = vector.load %arg9[%swap3A_323, %swap3A_324, %swap3A_325] : memref<1x2048x256xf32, #tpu.memory_space<vmem>>, vector<1x256x256xf32>
    %swap3A_327 = vector.shape_cast %swap3A_326 : vector<1x256x256xf32> to vector<256x256xf32>
    %swap3A_328 = vector.shape_cast %add3A_322 : vector<256x256xf32> to vector<1x256x256xf32>
    tpu.vector_store %arg9[%swap3A_323, %swap3A_324, %swap3A_325], %swap3A_328 {strides = array<i32>} : memref<1x2048x256xf32, #tpu.memory_space<vmem>>, vector<1x256x256xf32>,
    %get3A_329 = arith.constant 0 : index
    %get3A_330 = arith.constant 1024 : index
    %get3A_331 = arith.constant 0 : index
    %get3A_332 = vector.load %arg4[%get3A_329, %get3A_330, %get3A_331] : memref<1x2048x1xi32, #tpu.memory_space<vmem>>, vector<1x256x1xi32>
    %get3A_333 = vector.shape_cast %get3A_332 : vector<1x256x1xi32> to vector<256x1xi32>
    %mul3A_334 = arith.constant 2048 : i32
    %mul3A_335 = arith.muli %arg0, %mul3A_334 : i32
    %sub3A_336 = vector.broadcast %mul3A_335 : i32 to vector<256x1xi32>
    %sub3A_337 = arith.subi %get3A_333, %sub3A_336 : vector<256x1xi32>
    %iota3A_338 = tpu.iota {dimensions = array<i32: 1>} : vector<256x1280xi32>
    %eq3A_339 = vector.broadcast %sub3A_337 : vector<256x1xi32> to vector<256x1280xi32>
    %eq3A_340 = arith.cmpi eq, %iota3A_338, %eq3A_339 : vector<256x1280xi32>
    %jit3A_341 = arith.constant 1.000000e+00 : f32
    %jit3A_342 = arith.constant 0.000000e+00 : f32
    %broadcast_in_dim3A_343 = vector.broadcast %jit3A_341 : f32 to vector<256x1280xf32>
    %broadcast_in_dim3A_344 = vector.broadcast %jit3A_342 : f32 to vector<256x1280xf32>
    %select_n3A_345 = arith.select %eq3A_340, %broadcast_in_dim3A_343, %broadcast_in_dim3A_344 : vector<256x1280xi1>, vector<256x1280xf32>
    %slice3A_346 = vector.extract_strided_slice %mul3A_11 {offsets = [0, 0], sizes = [1280, 256], strides = [1, 1]} : vector<2048x256xf32> to vector<1280x256xf32>
    %dot_general3A_347 = arith.constant dense<0.000000e+00> : vector<256x256xf32>
    %dot_general3A_348 = tpu.matmul %select_n3A_345, %slice3A_346, %dot_general3A_347 {dimension_numbers = #tpu.dot_dimension_numbers<[1], [0], [0], [1], [0, 0, 1, 1], [], []>, transpose_lhs_hint = false} : vector<256x1280xf32>, vector<1280x256xf32>, vector<256x256xf32> -> vector<256x256xf32>
    %swap3A_349 = arith.constant 1024 : index
    %swap3A_350 = arith.constant 0 : index
    %swap3A_351 = vector.load %arg10[%swap3A_349, %swap3A_350] : memref<2048x512xf32, #tpu.memory_space<vmem>>, vector<256x256xf32>
    tpu.vector_store %arg10[%swap3A_349, %swap3A_350], %dot_general3A_348 {strides = array<i32>} : memref<2048x512xf32, #tpu.memory_space<vmem>>, vector<256x256xf32>,
    %get3A_352 = arith.constant 0 : index
    %get3A_353 = arith.constant 0 : index
    %get3A_354 = arith.constant 0 : index
    %get3A_355 = vector.load %arg3[%get3A_352, %get3A_353, %get3A_354] : memref<1x2048x256xf32, #tpu.memory_space<vmem>>, vector<1x1280x256xf32>
    %get3A_356 = vector.shape_cast %get3A_355 : vector<1x1280x256xf32> to vector<1280x256xf32>
    %dot_general3A_357 = arith.constant dense<0.000000e+00> : vector<256x256xf32>
    %dot_general3A_358 = tpu.matmul %select_n3A_345, %get3A_356, %dot_general3A_357 {dimension_numbers = #tpu.dot_dimension_numbers<[1], [0], [0], [1], [0, 0, 1, 1], [], []>, transpose_lhs_hint = false} : vector<256x1280xf32>, vector<1280x256xf32>, vector<256x256xf32> -> vector<256x256xf32>
    %swap3A_359 = arith.constant 1024 : index
    %swap3A_360 = arith.constant 256 : index
    %swap3A_361 = vector.load %arg10[%swap3A_359, %swap3A_360] : memref<2048x512xf32, #tpu.memory_space<vmem>>, vector<256x256xf32>
    tpu.vector_store %arg10[%swap3A_359, %swap3A_360], %dot_general3A_358 {strides = array<i32>} : memref<2048x512xf32, #tpu.memory_space<vmem>>, vector<256x256xf32>,
    %get3A_362 = arith.constant 0 : index
    %get3A_363 = arith.constant 1024 : index
    %get3A_364 = arith.constant 0 : index
    %get3A_365 = vector.load %arg6[%get3A_362, %get3A_363, %get3A_364] : memref<1x2048x1xf32, #tpu.memory_space<vmem>>, vector<1x256x1xf32>
    %get3A_366 = vector.shape_cast %get3A_365 : vector<1x256x1xf32> to vector<256x1xf32>
    %get3A_367 = arith.constant 0 : index
    %get3A_368 = arith.constant 0 : index
    %get3A_369 = arith.constant 0 : index
    %get3A_370 = vector.load %arg7[%get3A_367, %get3A_368, %get3A_369] : memref<1x1x2048xf32, #tpu.memory_space<vmem>>, vector<1x1x1280xf32>
    %get3A_371 = vector.shape_cast %get3A_370 : vector<1x1x1280xf32> to vector<1x1280xf32>
    %sub3A_372 = vector.broadcast %get3A_366 : vector<256x1xf32> to vector<256x1280xf32>
    %sub3A_373 = vector.broadcast %get3A_371 : vector<1x1280xf32> to vector<256x1280xf32>
    %sub3A_374 = arith.subf %sub3A_372, %sub3A_373 : vector<256x1280xf32>
    %iota3A_375 = tpu.iota {dimensions = array<i32: 0>} : vector<256x1280xi32>
    %add3A_376 = arith.constant 1024 : i32
    %add3A_377 = vector.broadcast %add3A_376 : i32 to vector<256x1280xi32>
    %add3A_378 = arith.addi %iota3A_375, %add3A_377 : vector<256x1280xi32>
    %iota3A_379 = tpu.iota {dimensions = array<i32: 1>} : vector<256x1280xi32>
    %get3A_380 = arith.constant 0 : index
    %get3A_381 = arith.constant 0 : index
    %get3A_382 = arith.constant 0 : index
    %get3A_383 = vector.load %arg5[%get3A_380, %get3A_381, %get3A_382] : memref<1x1x2048xf32, #tpu.memory_space<vmem>>, vector<1x1x1280xf32>
    %get3A_384 = vector.shape_cast %get3A_383 : vector<1x1x1280xf32> to vector<1x1280xf32>
    %ge3A_385 = arith.cmpi sge, %add3A_378, %iota3A_379 : vector<256x1280xi32>
    %jit3A_386 = arith.constant 0xFF800000 : f32
    %broadcast_in_dim3A_387 = vector.broadcast %jit3A_386 : f32 to vector<256x1280xf32>
    %select_n3A_388 = arith.select %ge3A_385, %sub3A_374, %broadcast_in_dim3A_387 : vector<256x1280xi1>, vector<256x1280xf32>
    %exp3A_389 = math.exp %select_n3A_388 : vector<256x1280xf32>
    %mul3A_390 = vector.broadcast %get3A_384 : vector<1x1280xf32> to vector<256x1280xf32>
    %mul3A_391 = arith.mulf %mul3A_390, %exp3A_389 : vector<256x1280xf32>
    %get3A_392 = arith.constant 0 : index
    %get3A_393 = arith.constant 0 : index
    %get3A_394 = vector.load %arg10[%get3A_392, %get3A_393] : memref<2048x512xf32, #tpu.memory_space<vmem>>, vector<1280x512xf32>
    %dot_general3A_395 = arith.constant dense<0.000000e+00> : vector<256x512xf32>
    %dot_general3A_396 = tpu.matmul %mul3A_391, %get3A_394, %dot_general3A_395 {dimension_numbers = #tpu.dot_dimension_numbers<[1], [0], [0], [1], [0, 0, 1, 1], [], []>, transpose_lhs_hint = false} : vector<256x1280xf32>, vector<1280x512xf32>, vector<256x512xf32> -> vector<256x512xf32>
    %slice3A_397 = vector.extract_strided_slice %dot_general3A_396 {offsets = [0, 0], sizes = [256, 256], strides = [1, 1]} : vector<256x512xf32> to vector<256x256xf32>
    %get3A_398 = arith.constant 0 : index
    %get3A_399 = arith.constant 0 : index
    %get3A_400 = vector.load %arg8[%get3A_398, %get3A_399] : memref<1x1xf32, #tpu.memory_space<vmem>>, vector<1x1xf32>
    %slice3A_401 = vector.extract_strided_slice %dot_general3A_396 {offsets = [0, 256], sizes = [256, 256], strides = [1, 1]} : vector<256x512xf32> to vector<256x256xf32>
    %mul3A_402 = vector.broadcast %get3A_400 : vector<1x1xf32> to vector<256x256xf32>
    %mul3A_403 = arith.mulf %mul3A_402, %slice3A_401 : vector<256x256xf32>
    %add3A_404 = arith.addf %slice3A_397, %mul3A_403 : vector<256x256xf32>
    %swap3A_405 = arith.constant 0 : index
    %swap3A_406 = arith.constant 1024 : index
    %swap3A_407 = arith.constant 0 : index
    %swap3A_408 = vector.load %arg9[%swap3A_405, %swap3A_406, %swap3A_407] : memref<1x2048x256xf32, #tpu.memory_space<vmem>>, vector<1x256x256xf32>
    %swap3A_409 = vector.shape_cast %swap3A_408 : vector<1x256x256xf32> to vector<256x256xf32>
    %swap3A_410 = vector.shape_cast %add3A_404 : vector<256x256xf32> to vector<1x256x256xf32>
    tpu.vector_store %arg9[%swap3A_405, %swap3A_406, %swap3A_407], %swap3A_410 {strides = array<i32>} : memref<1x2048x256xf32, #tpu.memory_space<vmem>>, vector<1x256x256xf32>,
    %get3A_411 = arith.constant 0 : index
    %get3A_412 = arith.constant 1280 : index
    %get3A_413 = arith.constant 0 : index
    %get3A_414 = vector.load %arg4[%get3A_411, %get3A_412, %get3A_413] : memref<1x2048x1xi32, #tpu.memory_space<vmem>>, vector<1x256x1xi32>
    %get3A_415 = vector.shape_cast %get3A_414 : vector<1x256x1xi32> to vector<256x1xi32>
    %mul3A_416 = arith.constant 2048 : i32
    %mul3A_417 = arith.muli %arg0, %mul3A_416 : i32
    %sub3A_418 = vector.broadcast %mul3A_417 : i32 to vector<256x1xi32>
    %sub3A_419 = arith.subi %get3A_415, %sub3A_418 : vector<256x1xi32>
    %iota3A_420 = tpu.iota {dimensions = array<i32: 1>} : vector<256x1536xi32>
    %eq3A_421 = vector.broadcast %sub3A_419 : vector<256x1xi32> to vector<256x1536xi32>
    %eq3A_422 = arith.cmpi eq, %iota3A_420, %eq3A_421 : vector<256x1536xi32>
    %jit3A_423 = arith.constant 1.000000e+00 : f32
    %jit3A_424 = arith.constant 0.000000e+00 : f32
    %broadcast_in_dim3A_425 = vector.broadcast %jit3A_423 : f32 to vector<256x1536xf32>
    %broadcast_in_dim3A_426 = vector.broadcast %jit3A_424 : f32 to vector<256x1536xf32>
    %select_n3A_427 = arith.select %eq3A_422, %broadcast_in_dim3A_425, %broadcast_in_dim3A_426 : vector<256x1536xi1>, vector<256x1536xf32>
    %slice3A_428 = vector.extract_strided_slice %mul3A_11 {offsets = [0, 0], sizes = [1536, 256], strides = [1, 1]} : vector<2048x256xf32> to vector<1536x256xf32>
    %dot_general3A_429 = arith.constant dense<0.000000e+00> : vector<256x256xf32>
    %dot_general3A_430 = tpu.matmul %select_n3A_427, %slice3A_428, %dot_general3A_429 {dimension_numbers = #tpu.dot_dimension_numbers<[1], [0], [0], [1], [0, 0, 1, 1], [], []>, transpose_lhs_hint = false} : vector<256x1536xf32>, vector<1536x256xf32>, vector<256x256xf32> -> vector<256x256xf32>
    %swap3A_431 = arith.constant 1280 : index
    %swap3A_432 = arith.constant 0 : index
    %swap3A_433 = vector.load %arg10[%swap3A_431, %swap3A_432] : memref<2048x512xf32, #tpu.memory_space<vmem>>, vector<256x256xf32>
    tpu.vector_store %arg10[%swap3A_431, %swap3A_432], %dot_general3A_430 {strides = array<i32>} : memref<2048x512xf32, #tpu.memory_space<vmem>>, vector<256x256xf32>,
    %get3A_434 = arith.constant 0 : index
    %get3A_435 = arith.constant 0 : index
    %get3A_436 = arith.constant 0 : index
    %get3A_437 = vector.load %arg3[%get3A_434, %get3A_435, %get3A_436] : memref<1x2048x256xf32, #tpu.memory_space<vmem>>, vector<1x1536x256xf32>
    %get3A_438 = vector.shape_cast %get3A_437 : vector<1x1536x256xf32> to vector<1536x256xf32>
    %dot_general3A_439 = arith.constant dense<0.000000e+00> : vector<256x256xf32>
    %dot_general3A_440 = tpu.matmul %select_n3A_427, %get3A_438, %dot_general3A_439 {dimension_numbers = #tpu.dot_dimension_numbers<[1], [0], [0], [1], [0, 0, 1, 1], [], []>, transpose_lhs_hint = false} : vector<256x1536xf32>, vector<1536x256xf32>, vector<256x256xf32> -> vector<256x256xf32>
    %swap3A_441 = arith.constant 1280 : index
    %swap3A_442 = arith.constant 256 : index
    %swap3A_443 = vector.load %arg10[%swap3A_441, %swap3A_442] : memref<2048x512xf32, #tpu.memory_space<vmem>>, vector<256x256xf32>
    tpu.vector_store %arg10[%swap3A_441, %swap3A_442], %dot_general3A_440 {strides = array<i32>} : memref<2048x512xf32, #tpu.memory_space<vmem>>, vector<256x256xf32>,
    %get3A_444 = arith.constant 0 : index
    %get3A_445 = arith.constant 1280 : index
    %get3A_446 = arith.constant 0 : index
    %get3A_447 = vector.load %arg6[%get3A_444, %get3A_445, %get3A_446] : memref<1x2048x1xf32, #tpu.memory_space<vmem>>, vector<1x256x1xf32>
    %get3A_448 = vector.shape_cast %get3A_447 : vector<1x256x1xf32> to vector<256x1xf32>
    %get3A_449 = arith.constant 0 : index
    %get3A_450 = arith.constant 0 : index
    %get3A_451 = arith.constant 0 : index
    %get3A_452 = vector.load %arg7[%get3A_449, %get3A_450, %get3A_451] : memref<1x1x2048xf32, #tpu.memory_space<vmem>>, vector<1x1x1536xf32>
    %get3A_453 = vector.shape_cast %get3A_452 : vector<1x1x1536xf32> to vector<1x1536xf32>
    %sub3A_454 = vector.broadcast %get3A_448 : vector<256x1xf32> to vector<256x1536xf32>
    %sub3A_455 = vector.broadcast %get3A_453 : vector<1x1536xf32> to vector<256x1536xf32>
    %sub3A_456 = arith.subf %sub3A_454, %sub3A_455 : vector<256x1536xf32>
    %iota3A_457 = tpu.iota {dimensions = array<i32: 0>} : vector<256x1536xi32>
    %add3A_458 = arith.constant 1280 : i32
    %add3A_459 = vector.broadcast %add3A_458 : i32 to vector<256x1536xi32>
    %add3A_460 = arith.addi %iota3A_457, %add3A_459 : vector<256x1536xi32>
    %iota3A_461 = tpu.iota {dimensions = array<i32: 1>} : vector<256x1536xi32>
    %get3A_462 = arith.constant 0 : index
    %get3A_463 = arith.constant 0 : index
    %get3A_464 = arith.constant 0 : index
    %get3A_465 = vector.load %arg5[%get3A_462, %get3A_463, %get3A_464] : memref<1x1x2048xf32, #tpu.memory_space<vmem>>, vector<1x1x1536xf32>
    %get3A_466 = vector.shape_cast %get3A_465 : vector<1x1x1536xf32> to vector<1x1536xf32>
    %ge3A_467 = arith.cmpi sge, %add3A_460, %iota3A_461 : vector<256x1536xi32>
    %jit3A_468 = arith.constant 0xFF800000 : f32
    %broadcast_in_dim3A_469 = vector.broadcast %jit3A_468 : f32 to vector<256x1536xf32>
    %select_n3A_470 = arith.select %ge3A_467, %sub3A_456, %broadcast_in_dim3A_469 : vector<256x1536xi1>, vector<256x1536xf32>
    %exp3A_471 = math.exp %select_n3A_470 : vector<256x1536xf32>
    %mul3A_472 = vector.broadcast %get3A_466 : vector<1x1536xf32> to vector<256x1536xf32>
    %mul3A_473 = arith.mulf %mul3A_472, %exp3A_471 : vector<256x1536xf32>
    %get3A_474 = arith.constant 0 : index
    %get3A_475 = arith.constant 0 : index
    %get3A_476 = vector.load %arg10[%get3A_474, %get3A_475] : memref<2048x512xf32, #tpu.memory_space<vmem>>, vector<1536x512xf32>
    %dot_general3A_477 = arith.constant dense<0.000000e+00> : vector<256x512xf32>
    %dot_general3A_478 = tpu.matmul %mul3A_473, %get3A_476, %dot_general3A_477 {dimension_numbers = #tpu.dot_dimension_numbers<[1], [0], [0], [1], [0, 0, 1, 1], [], []>, transpose_lhs_hint = false} : vector<256x1536xf32>, vector<1536x512xf32>, vector<256x512xf32> -> vector<256x512xf32>
    %slice3A_479 = vector.extract_strided_slice %dot_general3A_478 {offsets = [0, 0], sizes = [256, 256], strides = [1, 1]} : vector<256x512xf32> to vector<256x256xf32>
    %get3A_480 = arith.constant 0 : index
    %get3A_481 = arith.constant 0 : index
    %get3A_482 = vector.load %arg8[%get3A_480, %get3A_481] : memref<1x1xf32, #tpu.memory_space<vmem>>, vector<1x1xf32>
    %slice3A_483 = vector.extract_strided_slice %dot_general3A_478 {offsets = [0, 256], sizes = [256, 256], strides = [1, 1]} : vector<256x512xf32> to vector<256x256xf32>
    %mul3A_484 = vector.broadcast %get3A_482 : vector<1x1xf32> to vector<256x256xf32>
    %mul3A_485 = arith.mulf %mul3A_484, %slice3A_483 : vector<256x256xf32>
    %add3A_486 = arith.addf %slice3A_479, %mul3A_485 : vector<256x256xf32>
    %swap3A_487 = arith.constant 0 : index
    %swap3A_488 = arith.constant 1280 : index
    %swap3A_489 = arith.constant 0 : index
    %swap3A_490 = vector.load %arg9[%swap3A_487, %swap3A_488, %swap3A_489] : memref<1x2048x256xf32, #tpu.memory_space<vmem>>, vector<1x256x256xf32>
    %swap3A_491 = vector.shape_cast %swap3A_490 : vector<1x256x256xf32> to vector<256x256xf32>
    %swap3A_492 = vector.shape_cast %add3A_486 : vector<256x256xf32> to vector<1x256x256xf32>
    tpu.vector_store %arg9[%swap3A_487, %swap3A_488, %swap3A_489], %swap3A_492 {strides = array<i32>} : memref<1x2048x256xf32, #tpu.memory_space<vmem>>, vector<1x256x256xf32>,
    %get3A_493 = arith.constant 0 : index
    %get3A_494 = arith.constant 1536 : index
    %get3A_495 = arith.constant 0 : index
    %get3A_496 = vector.load %arg4[%get3A_493, %get3A_494, %get3A_495] : memref<1x2048x1xi32, #tpu.memory_space<vmem>>, vector<1x256x1xi32>
    %get3A_497 = vector.shape_cast %get3A_496 : vector<1x256x1xi32> to vector<256x1xi32>
    %mul3A_498 = arith.constant 2048 : i32
    %mul3A_499 = arith.muli %arg0, %mul3A_498 : i32
    %sub3A_500 = vector.broadcast %mul3A_499 : i32 to vector<256x1xi32>
    %sub3A_501 = arith.subi %get3A_497, %sub3A_500 : vector<256x1xi32>
    %iota3A_502 = tpu.iota {dimensions = array<i32: 1>} : vector<256x1792xi32>
    %eq3A_503 = vector.broadcast %sub3A_501 : vector<256x1xi32> to vector<256x1792xi32>
    %eq3A_504 = arith.cmpi eq, %iota3A_502, %eq3A_503 : vector<256x1792xi32>
    %jit3A_505 = arith.constant 1.000000e+00 : f32
    %jit3A_506 = arith.constant 0.000000e+00 : f32
    %broadcast_in_dim3A_507 = vector.broadcast %jit3A_505 : f32 to vector<256x1792xf32>
    %broadcast_in_dim3A_508 = vector.broadcast %jit3A_506 : f32 to vector<256x1792xf32>
    %select_n3A_509 = arith.select %eq3A_504, %broadcast_in_dim3A_507, %broadcast_in_dim3A_508 : vector<256x1792xi1>, vector<256x1792xf32>
    %slice3A_510 = vector.extract_strided_slice %mul3A_11 {offsets = [0, 0], sizes = [1792, 256], strides = [1, 1]} : vector<2048x256xf32> to vector<1792x256xf32>
    %dot_general3A_511 = arith.constant dense<0.000000e+00> : vector<256x256xf32>
    %dot_general3A_512 = tpu.matmul %select_n3A_509, %slice3A_510, %dot_general3A_511 {dimension_numbers = #tpu.dot_dimension_numbers<[1], [0], [0], [1], [0, 0, 1, 1], [], []>, transpose_lhs_hint = false} : vector<256x1792xf32>, vector<1792x256xf32>, vector<256x256xf32> -> vector<256x256xf32>
    %swap3A_513 = arith.constant 1536 : index
    %swap3A_514 = arith.constant 0 : index
    %swap3A_515 = vector.load %arg10[%swap3A_513, %swap3A_514] : memref<2048x512xf32, #tpu.memory_space<vmem>>, vector<256x256xf32>
    tpu.vector_store %arg10[%swap3A_513, %swap3A_514], %dot_general3A_512 {strides = array<i32>} : memref<2048x512xf32, #tpu.memory_space<vmem>>, vector<256x256xf32>,
    %get3A_516 = arith.constant 0 : index
    %get3A_517 = arith.constant 0 : index
    %get3A_518 = arith.constant 0 : index
    %get3A_519 = vector.load %arg3[%get3A_516, %get3A_517, %get3A_518] : memref<1x2048x256xf32, #tpu.memory_space<vmem>>, vector<1x1792x256xf32>
    %get3A_520 = vector.shape_cast %get3A_519 : vector<1x1792x256xf32> to vector<1792x256xf32>
    %dot_general3A_521 = arith.constant dense<0.000000e+00> : vector<256x256xf32>
    %dot_general3A_522 = tpu.matmul %select_n3A_509, %get3A_520, %dot_general3A_521 {dimension_numbers = #tpu.dot_dimension_numbers<[1], [0], [0], [1], [0, 0, 1, 1], [], []>, transpose_lhs_hint = false} : vector<256x1792xf32>, vector<1792x256xf32>, vector<256x256xf32> -> vector<256x256xf32>
    %swap3A_523 = arith.constant 1536 : index
    %swap3A_524 = arith.constant 256 : index
    %swap3A_525 = vector.load %arg10[%swap3A_523, %swap3A_524] : memref<2048x512xf32, #tpu.memory_space<vmem>>, vector<256x256xf32>
    tpu.vector_store %arg10[%swap3A_523, %swap3A_524], %dot_general3A_522 {strides = array<i32>} : memref<2048x512xf32, #tpu.memory_space<vmem>>, vector<256x256xf32>,
    %get3A_526 = arith.constant 0 : index
    %get3A_527 = arith.constant 1536 : index
    %get3A_528 = arith.constant 0 : index
    %get3A_529 = vector.load %arg6[%get3A_526, %get3A_527, %get3A_528] : memref<1x2048x1xf32, #tpu.memory_space<vmem>>, vector<1x256x1xf32>
    %get3A_530 = vector.shape_cast %get3A_529 : vector<1x256x1xf32> to vector<256x1xf32>
    %get3A_531 = arith.constant 0 : index
    %get3A_532 = arith.constant 0 : index
    %get3A_533 = arith.constant 0 : index
    %get3A_534 = vector.load %arg7[%get3A_531, %get3A_532, %get3A_533] : memref<1x1x2048xf32, #tpu.memory_space<vmem>>, vector<1x1x1792xf32>
    %get3A_535 = vector.shape_cast %get3A_534 : vector<1x1x1792xf32> to vector<1x1792xf32>
    %sub3A_536 = vector.broadcast %get3A_530 : vector<256x1xf32> to vector<256x1792xf32>
    %sub3A_537 = vector.broadcast %get3A_535 : vector<1x1792xf32> to vector<256x1792xf32>
    %sub3A_538 = arith.subf %sub3A_536, %sub3A_537 : vector<256x1792xf32>
    %iota3A_539 = tpu.iota {dimensions = array<i32: 0>} : vector<256x1792xi32>
    %add3A_540 = arith.constant 1536 : i32
    %add3A_541 = vector.broadcast %add3A_540 : i32 to vector<256x1792xi32>
    %add3A_542 = arith.addi %iota3A_539, %add3A_541 : vector<256x1792xi32>
    %iota3A_543 = tpu.iota {dimensions = array<i32: 1>} : vector<256x1792xi32>
    %get3A_544 = arith.constant 0 : index
    %get3A_545 = arith.constant 0 : index
    %get3A_546 = arith.constant 0 : index
    %get3A_547 = vector.load %arg5[%get3A_544, %get3A_545, %get3A_546] : memref<1x1x2048xf32, #tpu.memory_space<vmem>>, vector<1x1x1792xf32>
    %get3A_548 = vector.shape_cast %get3A_547 : vector<1x1x1792xf32> to vector<1x1792xf32>
    %ge3A_549 = arith.cmpi sge, %add3A_542, %iota3A_543 : vector<256x1792xi32>
    %jit3A_550 = arith.constant 0xFF800000 : f32
    %broadcast_in_dim3A_551 = vector.broadcast %jit3A_550 : f32 to vector<256x1792xf32>
    %select_n3A_552 = arith.select %ge3A_549, %sub3A_538, %broadcast_in_dim3A_551 : vector<256x1792xi1>, vector<256x1792xf32>
    %exp3A_553 = math.exp %select_n3A_552 : vector<256x1792xf32>
    %mul3A_554 = vector.broadcast %get3A_548 : vector<1x1792xf32> to vector<256x1792xf32>
    %mul3A_555 = arith.mulf %mul3A_554, %exp3A_553 : vector<256x1792xf32>
    %get3A_556 = arith.constant 0 : index
    %get3A_557 = arith.constant 0 : index
    %get3A_558 = vector.load %arg10[%get3A_556, %get3A_557] : memref<2048x512xf32, #tpu.memory_space<vmem>>, vector<1792x512xf32>
    %dot_general3A_559 = arith.constant dense<0.000000e+00> : vector<256x512xf32>
    %dot_general3A_560 = tpu.matmul %mul3A_555, %get3A_558, %dot_general3A_559 {dimension_numbers = #tpu.dot_dimension_numbers<[1], [0], [0], [1], [0, 0, 1, 1], [], []>, transpose_lhs_hint = false} : vector<256x1792xf32>, vector<1792x512xf32>, vector<256x512xf32> -> vector<256x512xf32>
    %slice3A_561 = vector.extract_strided_slice %dot_general3A_560 {offsets = [0, 0], sizes = [256, 256], strides = [1, 1]} : vector<256x512xf32> to vector<256x256xf32>
    %get3A_562 = arith.constant 0 : index
    %get3A_563 = arith.constant 0 : index
    %get3A_564 = vector.load %arg8[%get3A_562, %get3A_563] : memref<1x1xf32, #tpu.memory_space<vmem>>, vector<1x1xf32>
    %slice3A_565 = vector.extract_strided_slice %dot_general3A_560 {offsets = [0, 256], sizes = [256, 256], strides = [1, 1]} : vector<256x512xf32> to vector<256x256xf32>
    %mul3A_566 = vector.broadcast %get3A_564 : vector<1x1xf32> to vector<256x256xf32>
    %mul3A_567 = arith.mulf %mul3A_566, %slice3A_565 : vector<256x256xf32>
    %add3A_568 = arith.addf %slice3A_561, %mul3A_567 : vector<256x256xf32>
    %swap3A_569 = arith.constant 0 : index
    %swap3A_570 = arith.constant 1536 : index
    %swap3A_571 = arith.constant 0 : index
    %swap3A_572 = vector.load %arg9[%swap3A_569, %swap3A_570, %swap3A_571] : memref<1x2048x256xf32, #tpu.memory_space<vmem>>, vector<1x256x256xf32>
    %swap3A_573 = vector.shape_cast %swap3A_572 : vector<1x256x256xf32> to vector<256x256xf32>
    %swap3A_574 = vector.shape_cast %add3A_568 : vector<256x256xf32> to vector<1x256x256xf32>
    tpu.vector_store %arg9[%swap3A_569, %swap3A_570, %swap3A_571], %swap3A_574 {strides = array<i32>} : memref<1x2048x256xf32, #tpu.memory_space<vmem>>, vector<1x256x256xf32>,
    %get3A_575 = arith.constant 0 : index
    %get3A_576 = arith.constant 1792 : index
    %get3A_577 = arith.constant 0 : index
    %get3A_578 = vector.load %arg4[%get3A_575, %get3A_576, %get3A_577] : memref<1x2048x1xi32, #tpu.memory_space<vmem>>, vector<1x256x1xi32>
    %get3A_579 = vector.shape_cast %get3A_578 : vector<1x256x1xi32> to vector<256x1xi32>
    %mul3A_580 = arith.constant 2048 : i32
    %mul3A_581 = arith.muli %arg0, %mul3A_580 : i32
    %sub3A_582 = vector.broadcast %mul3A_581 : i32 to vector<256x1xi32>
    %sub3A_583 = arith.subi %get3A_579, %sub3A_582 : vector<256x1xi32>
    %iota3A_584 = tpu.iota {dimensions = array<i32: 1>} : vector<256x2048xi32>
    %eq3A_585 = vector.broadcast %sub3A_583 : vector<256x1xi32> to vector<256x2048xi32>
    %eq3A_586 = arith.cmpi eq, %iota3A_584, %eq3A_585 : vector<256x2048xi32>
    %jit3A_587 = arith.constant 1.000000e+00 : f32
    %jit3A_588 = arith.constant 0.000000e+00 : f32
    %broadcast_in_dim3A_589 = vector.broadcast %jit3A_587 : f32 to vector<256x2048xf32>
    %broadcast_in_dim3A_590 = vector.broadcast %jit3A_588 : f32 to vector<256x2048xf32>
    %select_n3A_591 = arith.select %eq3A_586, %broadcast_in_dim3A_589, %broadcast_in_dim3A_590 : vector<256x2048xi1>, vector<256x2048xf32>
    %dot_general3A_592 = arith.constant dense<0.000000e+00> : vector<256x256xf32>
    %dot_general3A_593 = tpu.matmul %select_n3A_591, %mul3A_11, %dot_general3A_592 {dimension_numbers = #tpu.dot_dimension_numbers<[1], [0], [0], [1], [0, 0, 1, 1], [], []>, transpose_lhs_hint = false} : vector<256x2048xf32>, vector<2048x256xf32>, vector<256x256xf32> -> vector<256x256xf32>
    %swap3A_594 = arith.constant 1792 : index
    %swap3A_595 = arith.constant 0 : index
    %swap3A_596 = vector.load %arg10[%swap3A_594, %swap3A_595] : memref<2048x512xf32, #tpu.memory_space<vmem>>, vector<256x256xf32>
    tpu.vector_store %arg10[%swap3A_594, %swap3A_595], %dot_general3A_593 {strides = array<i32>} : memref<2048x512xf32, #tpu.memory_space<vmem>>, vector<256x256xf32>,
    %get3A_597 = arith.constant 0 : index
    %get3A_598 = arith.constant 0 : index
    %get3A_599 = arith.constant 0 : index
    %get3A_600 = vector.load %arg3[%get3A_597, %get3A_598, %get3A_599] : memref<1x2048x256xf32, #tpu.memory_space<vmem>>, vector<1x2048x256xf32>
    %get3A_601 = vector.shape_cast %get3A_600 : vector<1x2048x256xf32> to vector<2048x256xf32>
    %dot_general3A_602 = arith.constant dense<0.000000e+00> : vector<256x256xf32>
    %dot_general3A_603 = tpu.matmul %select_n3A_591, %get3A_601, %dot_general3A_602 {dimension_numbers = #tpu.dot_dimension_numbers<[1], [0], [0], [1], [0, 0, 1, 1], [], []>, transpose_lhs_hint = false} : vector<256x2048xf32>, vector<2048x256xf32>, vector<256x256xf32> -> vector<256x256xf32>
    %swap3A_604 = arith.constant 1792 : index
    %swap3A_605 = arith.constant 256 : index
    %swap3A_606 = vector.load %arg10[%swap3A_604, %swap3A_605] : memref<2048x512xf32, #tpu.memory_space<vmem>>, vector<256x256xf32>
    tpu.vector_store %arg10[%swap3A_604, %swap3A_605], %dot_general3A_603 {strides = array<i32>} : memref<2048x512xf32, #tpu.memory_space<vmem>>, vector<256x256xf32>,
    %get3A_607 = arith.constant 0 : index
    %get3A_608 = arith.constant 1792 : index
    %get3A_609 = arith.constant 0 : index
    %get3A_610 = vector.load %arg6[%get3A_607, %get3A_608, %get3A_609] : memref<1x2048x1xf32, #tpu.memory_space<vmem>>, vector<1x256x1xf32>
    %get3A_611 = vector.shape_cast %get3A_610 : vector<1x256x1xf32> to vector<256x1xf32>
    %get3A_612 = arith.constant 0 : index
    %get3A_613 = arith.constant 0 : index
    %get3A_614 = arith.constant 0 : index
    %get3A_615 = vector.load %arg7[%get3A_612, %get3A_613, %get3A_614] : memref<1x1x2048xf32, #tpu.memory_space<vmem>>, vector<1x1x2048xf32>
    %get3A_616 = vector.shape_cast %get3A_615 : vector<1x1x2048xf32> to vector<1x2048xf32>
    %sub3A_617 = vector.broadcast %get3A_611 : vector<256x1xf32> to vector<256x2048xf32>
    %sub3A_618 = vector.broadcast %get3A_616 : vector<1x2048xf32> to vector<256x2048xf32>
    %sub3A_619 = arith.subf %sub3A_617, %sub3A_618 : vector<256x2048xf32>
    %iota3A_620 = tpu.iota {dimensions = array<i32: 0>} : vector<256x2048xi32>
    %add3A_621 = arith.constant 1792 : i32
    %add3A_622 = vector.broadcast %add3A_621 : i32 to vector<256x2048xi32>
    %add3A_623 = arith.addi %iota3A_620, %add3A_622 : vector<256x2048xi32>
    %iota3A_624 = tpu.iota {dimensions = array<i32: 1>} : vector<256x2048xi32>
    %get3A_625 = arith.constant 0 : index
    %get3A_626 = arith.constant 0 : index
    %get3A_627 = arith.constant 0 : index
    %get3A_628 = vector.load %arg5[%get3A_625, %get3A_626, %get3A_627] : memref<1x1x2048xf32, #tpu.memory_space<vmem>>, vector<1x1x2048xf32>
    %get3A_629 = vector.shape_cast %get3A_628 : vector<1x1x2048xf32> to vector<1x2048xf32>
    %ge3A_630 = arith.cmpi sge, %add3A_623, %iota3A_624 : vector<256x2048xi32>
    %jit3A_631 = arith.constant 0xFF800000 : f32
    %broadcast_in_dim3A_632 = vector.broadcast %jit3A_631 : f32 to vector<256x2048xf32>
    %select_n3A_633 = arith.select %ge3A_630, %sub3A_619, %broadcast_in_dim3A_632 : vector<256x2048xi1>, vector<256x2048xf32>
    %exp3A_634 = math.exp %select_n3A_633 : vector<256x2048xf32>
    %mul3A_635 = vector.broadcast %get3A_629 : vector<1x2048xf32> to vector<256x2048xf32>
    %mul3A_636 = arith.mulf %mul3A_635, %exp3A_634 : vector<256x2048xf32>
    %get3A_637 = arith.constant 0 : index
    %get3A_638 = arith.constant 0 : index
    %get3A_639 = vector.load %arg10[%get3A_637, %get3A_638] : memref<2048x512xf32, #tpu.memory_space<vmem>>, vector<2048x512xf32>
    %dot_general3A_640 = arith.constant dense<0.000000e+00> : vector<256x512xf32>
    %dot_general3A_641 = tpu.matmul %mul3A_636, %get3A_639, %dot_general3A_640 {dimension_numbers = #tpu.dot_dimension_numbers<[1], [0], [0], [1], [0, 0, 1, 1], [], []>, transpose_lhs_hint = false} : vector<256x2048xf32>, vector<2048x512xf32>, vector<256x512xf32> -> vector<256x512xf32>
    %slice3A_642 = vector.extract_strided_slice %dot_general3A_641 {offsets = [0, 0], sizes = [256, 256], strides = [1, 1]} : vector<256x512xf32> to vector<256x256xf32>
    %get3A_643 = arith.constant 0 : index
    %get3A_644 = arith.constant 0 : index
    %get3A_645 = vector.load %arg8[%get3A_643, %get3A_644] : memref<1x1xf32, #tpu.memory_space<vmem>>, vector<1x1xf32>
    %slice3A_646 = vector.extract_strided_slice %dot_general3A_641 {offsets = [0, 256], sizes = [256, 256], strides = [1, 1]} : vector<256x512xf32> to vector<256x256xf32>
    %mul3A_647 = vector.broadcast %get3A_645 : vector<1x1xf32> to vector<256x256xf32>
    %mul3A_648 = arith.mulf %mul3A_647, %slice3A_646 : vector<256x256xf32>
    %add3A_649 = arith.addf %slice3A_642, %mul3A_648 : vector<256x256xf32>
    %swap3A_650 = arith.constant 0 : index
    %swap3A_651 = arith.constant 1792 : index
    %swap3A_652 = arith.constant 0 : index
    %swap3A_653 = vector.load %arg9[%swap3A_650, %swap3A_651, %swap3A_652] : memref<1x2048x256xf32, #tpu.memory_space<vmem>>, vector<1x256x256xf32>
    %swap3A_654 = vector.shape_cast %swap3A_653 : vector<1x256x256xf32> to vector<256x256xf32>
    %swap3A_655 = vector.shape_cast %add3A_649 : vector<256x256xf32> to vector<1x256x256xf32>
    tpu.vector_store %arg9[%swap3A_650, %swap3A_651, %swap3A_652], %swap3A_655 {strides = array<i32>} : memref<1x2048x256xf32, #tpu.memory_space<vmem>>, vector<1x256x256xf32>,
    return
  }
  func.func @transform_0(%arg0: i32) -> (i32, i32, i32) {
    %c0_i32 = arith.constant 0 : i32
    %c0_i32_0 = arith.constant 0 : i32
    %c0_i32_1 = arith.constant 0 : i32
    return %arg0, %c0_i32, %c0_i32_0 : i32, i32, i32
  }
  func.func @transform_1(%arg0: i32) -> (i32, i32, i32) {
    %c0_i32 = arith.constant 0 : i32
    %c0_i32_0 = arith.constant 0 : i32
    %c0_i32_1 = arith.constant 0 : i32
    return %arg0, %c0_i32, %c0_i32_0 : i32, i32, i32
  }
  func.func @transform_2(%arg0: i32) -> (i32, i32, i32) {
    %c0_i32 = arith.constant 0 : i32
    %c0_i32_0 = arith.constant 0 : i32
    %c0_i32_1 = arith.constant 0 : i32
    return %arg0, %c0_i32, %c0_i32_0 : i32, i32, i32
  }
  func.func @transform_3(%arg0: i32) -> (i32, i32, i32) {
    %c0_i32 = arith.constant 0 : i32
    %c0_i32_0 = arith.constant 0 : i32
    %c0_i32_1 = arith.constant 0 : i32
    return %arg0, %c0_i32, %c0_i32_0 : i32, i32, i32
  }
  func.func @transform_4(%arg0: i32) -> (i32, i32, i32) {
    %c0_i32 = arith.constant 0 : i32
    %c0_i32_0 = arith.constant 0 : i32
    %c0_i32_1 = arith.constant 0 : i32
    return %arg0, %c0_i32, %c0_i32_0 : i32, i32, i32
  }
  func.func @transform_5(%arg0: i32) -> (i32, i32, i32) {
    %c0_i32 = arith.constant 0 : i32
    %c0_i32_0 = arith.constant 0 : i32
    %c0_i32_1 = arith.constant 0 : i32
    return %arg0, %c0_i32, %c0_i32_0 : i32, i32, i32
  }
  func.func @transform_6(%arg0: i32) -> (i32, i32, i32) {
    %c0_i32 = arith.constant 0 : i32
    %c0_i32_0 = arith.constant 0 : i32
    %c0_i32_1 = arith.constant 0 : i32
    return %arg0, %c0_i32, %c0_i32_0 : i32, i32, i32
  }
  func.func @transform_7(%arg0: i32) -> (i32, i32) {
    %c0_i32 = arith.constant 0 : i32
    %c0_i32_0 = arith.constant 0 : i32
    %c0_i32_1 = arith.constant 0 : i32
    return %c0_i32, %c0_i32_0 : i32, i32
  }
  func.func @transform_8(%arg0: i32) -> (i32, i32, i32) {
    %c0_i32 = arith.constant 0 : i32
    %c0_i32_0 = arith.constant 0 : i32
    %c0_i32_1 = arith.constant 0 : i32
    return %arg0, %c0_i32, %c0_i32_0 : i32, i32, i32
  }
}

module attributes {stable_mosaic.version = 14 : i64} {
  func.func @_ema_fast_body(%arg0: i32, %arg1: memref<1x2048x256xf32, #tpu.memory_space<vmem>>, %arg2: memref<1x2048x1xf32, #tpu.memory_space<vmem>>, %arg3: memref<1x2048x256xf32, #tpu.memory_space<vmem>>, %arg4: memref<1x2048x1xi32, #tpu.memory_space<vmem>>, %arg5: memref<1x1x2048xf32, #tpu.memory_space<vmem>>, %arg6: memref<1x2048x1xf32, #tpu.memory_space<vmem>>, %arg7: memref<1x1x2048xf32, #tpu.memory_space<vmem>>, %arg8: memref<1x1xf32, #tpu.memory_space<vmem>>, %arg9: memref<1x2048x256xf32, #tpu.memory_space<vmem>>) attributes {dimension_semantics = [#tpu.dimension_semantics<arbitrary>], iteration_bounds = array<i64: 4>, scalar_prefetch = 0 : i64, scratch_operands = 0 : i64, tpu.core_type = #tpu.core_type<tc>, window_params = [{transform_indices = @transform_0, window_bounds = array<i64: 1, 2048, 256>}, {transform_indices = @transform_1, window_bounds = array<i64: 1, 2048, 1>}, {transform_indices = @transform_2, window_bounds = array<i64: 1, 2048, 256>}, {transform_indices = @transform_3, window_bounds = array<i64: 1, 2048, 1>}, {transform_indices = @transform_4, window_bounds = array<i64: 1, 1, 2048>}, {transform_indices = @transform_5, window_bounds = array<i64: 1, 2048, 1>}, {transform_indices = @transform_6, window_bounds = array<i64: 1, 1, 2048>}, {pipeline_mode = #tpu.pipeline_mode<synchronous>, transform_indices = @transform_7, window_bounds = array<i64: 1, 1>}, {transform_indices = @transform_8, window_bounds = array<i64: 1, 2048, 256>}]} {
    %iota3A = tpu.iota {dimensions = array<i32: 0>} : vector<256x256xi32>
    %iota3A_0 = tpu.iota {dimensions = array<i32: 1>} : vector<256x256xi32>
    %ge3A = arith.cmpi sge, %iota3A, %iota3A_0 : vector<256x256xi32>
    %get3A = arith.constant 0 : index
    %get3A_1 = arith.constant 0 : index
    %get3A_2 = arith.constant 0 : index
    %get3A_3 = vector.load %arg1[%get3A, %get3A_1, %get3A_2] : memref<1x2048x256xf32, #tpu.memory_space<vmem>>, vector<1x2048x256xf32>
    %get3A_4 = vector.shape_cast %get3A_3 : vector<1x2048x256xf32> to vector<2048x256xf32>
    %get3A_5 = arith.constant 0 : index
    %get3A_6 = arith.constant 0 : index
    %get3A_7 = arith.constant 0 : index
    %get3A_8 = vector.load %arg2[%get3A_5, %get3A_6, %get3A_7] : memref<1x2048x1xf32, #tpu.memory_space<vmem>>, vector<1x2048x1xf32>
    %get3A_9 = vector.shape_cast %get3A_8 : vector<1x2048x1xf32> to vector<2048x1xf32>
    %add3A = arith.constant 9.99999997E-7 : f32
    %add3A_10 = vector.broadcast %add3A : f32 to vector<2048x1xf32>
    %add3A_11 = arith.addf %get3A_9, %add3A_10 : vector<2048x1xf32>
    %rsqrt3A = math.rsqrt %add3A_11 : vector<2048x1xf32>
    %mul3A = vector.broadcast %rsqrt3A : vector<2048x1xf32> to vector<2048x256xf32>
    %mul3A_12 = arith.mulf %get3A_4, %mul3A : vector<2048x256xf32>
    %broadcast_in_dim3A = arith.constant 0.000000e+00 : f32
    %broadcast_in_dim3A_13 = vector.broadcast %broadcast_in_dim3A : f32 to vector<1x512xf32>
    %broadcast_in_dim3A_14 = arith.constant 0.000000e+00 : f32
    %broadcast_in_dim3A_15 = vector.broadcast %broadcast_in_dim3A_14 : f32 to vector<1x1xf32>
    %get3A_16 = arith.constant 0 : index
    %get3A_17 = arith.constant 0 : index
    %get3A_18 = arith.constant 0 : index
    %get3A_19 = vector.load %arg6[%get3A_16, %get3A_17, %get3A_18] : memref<1x2048x1xf32, #tpu.memory_space<vmem>>, vector<1x256x1xf32>
    %get3A_20 = vector.shape_cast %get3A_19 : vector<1x256x1xf32> to vector<256x1xf32>
    %get3A_21 = arith.constant 0 : index
    %get3A_22 = arith.constant 0 : index
    %get3A_23 = arith.constant 0 : index
    %get3A_24 = vector.load %arg7[%get3A_21, %get3A_22, %get3A_23] : memref<1x1x2048xf32, #tpu.memory_space<vmem>>, vector<1x1x256xf32>
    %get3A_25 = vector.shape_cast %get3A_24 : vector<1x1x256xf32> to vector<1x256xf32>
    %get3A_26 = arith.constant 0 : index
    %get3A_27 = arith.constant 0 : index
    %get3A_28 = arith.constant 0 : index
    %get3A_29 = vector.load %arg5[%get3A_26, %get3A_27, %get3A_28] : memref<1x1x2048xf32, #tpu.memory_space<vmem>>, vector<1x1x256xf32>
    %get3A_30 = vector.shape_cast %get3A_29 : vector<1x1x256xf32> to vector<1x256xf32>
    %get3A_31 = arith.constant 0 : index
    %get3A_32 = arith.constant 0 : index
    %get3A_33 = arith.constant 0 : index
    %get3A_34 = vector.load %arg4[%get3A_31, %get3A_32, %get3A_33] : memref<1x2048x1xi32, #tpu.memory_space<vmem>>, vector<1x256x1xi32>
    %get3A_35 = vector.shape_cast %get3A_34 : vector<1x256x1xi32> to vector<256x1xi32>
    %mul3A_36 = arith.constant 2048 : i32
    %mul3A_37 = arith.muli %arg0, %mul3A_36 : i32
    %sub3A = vector.broadcast %mul3A_37 : i32 to vector<256x1xi32>
    %sub3A_38 = arith.subi %get3A_35, %sub3A : vector<256x1xi32>
    %iota3A_39 = tpu.iota {dimensions = array<i32: 1>} : vector<256x256xi32>
    %eq3A = vector.broadcast %sub3A_38 : vector<256x1xi32> to vector<256x256xi32>
    %eq3A_40 = arith.cmpi eq, %iota3A_39, %eq3A : vector<256x256xi32>
    %jit3A = arith.constant 1.000000e+00 : f32
    %jit3A_41 = arith.constant 0.000000e+00 : f32
    %broadcast_in_dim3A_42 = vector.broadcast %jit3A : f32 to vector<256x256xf32>
    %broadcast_in_dim3A_43 = vector.broadcast %jit3A_41 : f32 to vector<256x256xf32>
    %select_n3A = arith.select %eq3A_40, %broadcast_in_dim3A_42, %broadcast_in_dim3A_43 : vector<256x256xi1>, vector<256x256xf32>
    %slice3A = vector.extract_strided_slice %mul3A_12 {offsets = [0, 0], sizes = [256, 256], strides = [1, 1]} : vector<2048x256xf32> to vector<256x256xf32>
    %dot_general3A = arith.constant dense<0.000000e+00> : vector<256x256xf32>
    %dot_general3A_44 = tpu.matmul %select_n3A, %slice3A, %dot_general3A {dimension_numbers = #tpu.dot_dimension_numbers<[1], [0], [0], [1], [0, 0, 1, 1], [], []>, transpose_lhs_hint = false} : vector<256x256xf32>, vector<256x256xf32>, vector<256x256xf32> -> vector<256x256xf32>
    %get3A_45 = arith.constant 0 : index
    %get3A_46 = arith.constant 0 : index
    %get3A_47 = arith.constant 0 : index
    %get3A_48 = vector.load %arg3[%get3A_45, %get3A_46, %get3A_47] : memref<1x2048x256xf32, #tpu.memory_space<vmem>>, vector<1x256x256xf32>
    %get3A_49 = vector.shape_cast %get3A_48 : vector<1x256x256xf32> to vector<256x256xf32>
    %dot_general3A_50 = arith.constant dense<0.000000e+00> : vector<256x256xf32>
    %dot_general3A_51 = tpu.matmul %select_n3A, %get3A_49, %dot_general3A_50 {dimension_numbers = #tpu.dot_dimension_numbers<[1], [0], [0], [1], [0, 0, 1, 1], [], []>, transpose_lhs_hint = false} : vector<256x256xf32>, vector<256x256xf32>, vector<256x256xf32> -> vector<256x256xf32>
    %concatenate3A = tpu.concatenate %dot_general3A_44, %dot_general3A_51 in 1 : vector<256x256xf32>, vector<256x256xf32> -> vector<256x512xf32>
    %sub3A_52 = vector.broadcast %get3A_20 : vector<256x1xf32> to vector<256x256xf32>
    %sub3A_53 = vector.broadcast %get3A_25 : vector<1x256xf32> to vector<256x256xf32>
    %sub3A_54 = arith.subf %sub3A_52, %sub3A_53 : vector<256x256xf32>
    %exp3A = math.exp %sub3A_54 : vector<256x256xf32>
    %mul3A_55 = vector.broadcast %get3A_30 : vector<1x256xf32> to vector<256x256xf32>
    %mul3A_56 = arith.mulf %mul3A_55, %exp3A : vector<256x256xf32>
    %jit3A_57 = arith.constant 0.000000e+00 : f32
    %broadcast_in_dim3A_58 = vector.broadcast %jit3A_57 : f32 to vector<256x256xf32>
    %select_n3A_59 = arith.select %ge3A, %mul3A_56, %broadcast_in_dim3A_58 : vector<256x256xi1>, vector<256x256xf32>
    %dot_general3A_60 = arith.constant dense<0.000000e+00> : vector<256x512xf32>
    %dot_general3A_61 = tpu.matmul %select_n3A_59, %concatenate3A, %dot_general3A_60 {dimension_numbers = #tpu.dot_dimension_numbers<[1], [0], [0], [1], [0, 0, 1, 1], [], []>, transpose_lhs_hint = false} : vector<256x256xf32>, vector<256x512xf32>, vector<256x512xf32> -> vector<256x512xf32>
    %sub3A_62 = vector.broadcast %broadcast_in_dim3A_15 : vector<1x1xf32> to vector<256x1xf32>
    %sub3A_63 = arith.subf %get3A_20, %sub3A_62 : vector<256x1xf32>
    %exp3A_64 = math.exp %sub3A_63 : vector<256x1xf32>
    %mul3A_65 = vector.broadcast %exp3A_64 : vector<256x1xf32> to vector<256x512xf32>
    %mul3A_66 = vector.broadcast %broadcast_in_dim3A_13 : vector<1x512xf32> to vector<256x512xf32>
    %mul3A_67 = arith.mulf %mul3A_65, %mul3A_66 : vector<256x512xf32>
    %add3A_68 = arith.addf %dot_general3A_61, %mul3A_67 : vector<256x512xf32>
    %slice3A_69 = vector.extract_strided_slice %add3A_68 {offsets = [0, 0], sizes = [256, 256], strides = [1, 1]} : vector<256x512xf32> to vector<256x256xf32>
    %get3A_70 = arith.constant 0 : index
    %get3A_71 = arith.constant 0 : index
    %get3A_72 = vector.load %arg8[%get3A_70, %get3A_71] : memref<1x1xf32, #tpu.memory_space<vmem>>, vector<1x1xf32>
    %slice3A_73 = vector.extract_strided_slice %add3A_68 {offsets = [0, 256], sizes = [256, 256], strides = [1, 1]} : vector<256x512xf32> to vector<256x256xf32>
    %mul3A_74 = vector.broadcast %get3A_72 : vector<1x1xf32> to vector<256x256xf32>
    %mul3A_75 = arith.mulf %mul3A_74, %slice3A_73 : vector<256x256xf32>
    %add3A_76 = arith.addf %slice3A_69, %mul3A_75 : vector<256x256xf32>
    %swap3A = arith.constant 0 : index
    %swap3A_77 = arith.constant 0 : index
    %swap3A_78 = arith.constant 0 : index
    %swap3A_79 = vector.load %arg9[%swap3A, %swap3A_77, %swap3A_78] : memref<1x2048x256xf32, #tpu.memory_space<vmem>>, vector<1x256x256xf32>
    %swap3A_80 = vector.shape_cast %swap3A_79 : vector<1x256x256xf32> to vector<256x256xf32>
    %swap3A_81 = vector.shape_cast %add3A_76 : vector<256x256xf32> to vector<1x256x256xf32>
    tpu.vector_store %arg9[%swap3A, %swap3A_77, %swap3A_78], %swap3A_81 {strides = array<i32>} : memref<1x2048x256xf32, #tpu.memory_space<vmem>>, vector<1x256x256xf32>,
    %slice3A_82 = vector.extract_strided_slice %add3A_68 {offsets = [255, 0], sizes = [1, 512], strides = [1, 1]} : vector<256x512xf32> to vector<1x512xf32>
    %slice3A_83 = vector.extract_strided_slice %get3A_20 {offsets = [255, 0], sizes = [1, 1], strides = [1, 1]} : vector<256x1xf32> to vector<1x1xf32>
    %get3A_84 = arith.constant 0 : index
    %get3A_85 = arith.constant 256 : index
    %get3A_86 = arith.constant 0 : index
    %get3A_87 = vector.load %arg6[%get3A_84, %get3A_85, %get3A_86] : memref<1x2048x1xf32, #tpu.memory_space<vmem>>, vector<1x256x1xf32>
    %get3A_88 = vector.shape_cast %get3A_87 : vector<1x256x1xf32> to vector<256x1xf32>
    %get3A_89 = arith.constant 0 : index
    %get3A_90 = arith.constant 0 : index
    %get3A_91 = arith.constant 256 : index
    %get3A_92 = vector.load %arg7[%get3A_89, %get3A_90, %get3A_91] : memref<1x1x2048xf32, #tpu.memory_space<vmem>>, vector<1x1x256xf32>
    %get3A_93 = vector.shape_cast %get3A_92 : vector<1x1x256xf32> to vector<1x256xf32>
    %get3A_94 = arith.constant 0 : index
    %get3A_95 = arith.constant 0 : index
    %get3A_96 = arith.constant 256 : index
    %get3A_97 = vector.load %arg5[%get3A_94, %get3A_95, %get3A_96] : memref<1x1x2048xf32, #tpu.memory_space<vmem>>, vector<1x1x256xf32>
    %get3A_98 = vector.shape_cast %get3A_97 : vector<1x1x256xf32> to vector<1x256xf32>
    %get3A_99 = arith.constant 0 : index
    %get3A_100 = arith.constant 256 : index
    %get3A_101 = arith.constant 0 : index
    %get3A_102 = vector.load %arg4[%get3A_99, %get3A_100, %get3A_101] : memref<1x2048x1xi32, #tpu.memory_space<vmem>>, vector<1x256x1xi32>
    %get3A_103 = vector.shape_cast %get3A_102 : vector<1x256x1xi32> to vector<256x1xi32>
    %mul3A_104 = arith.constant 2048 : i32
    %mul3A_105 = arith.muli %arg0, %mul3A_104 : i32
    %sub3A_106 = vector.broadcast %mul3A_105 : i32 to vector<256x1xi32>
    %sub3A_107 = arith.subi %get3A_103, %sub3A_106 : vector<256x1xi32>
    %iota3A_108 = tpu.iota {dimensions = array<i32: 1>} : vector<256x512xi32>
    %eq3A_109 = vector.broadcast %sub3A_107 : vector<256x1xi32> to vector<256x512xi32>
    %eq3A_110 = arith.cmpi eq, %iota3A_108, %eq3A_109 : vector<256x512xi32>
    %jit3A_111 = arith.constant 1.000000e+00 : f32
    %jit3A_112 = arith.constant 0.000000e+00 : f32
    %broadcast_in_dim3A_113 = vector.broadcast %jit3A_111 : f32 to vector<256x512xf32>
    %broadcast_in_dim3A_114 = vector.broadcast %jit3A_112 : f32 to vector<256x512xf32>
    %select_n3A_115 = arith.select %eq3A_110, %broadcast_in_dim3A_113, %broadcast_in_dim3A_114 : vector<256x512xi1>, vector<256x512xf32>
    %slice3A_116 = vector.extract_strided_slice %mul3A_12 {offsets = [0, 0], sizes = [512, 256], strides = [1, 1]} : vector<2048x256xf32> to vector<512x256xf32>
    %dot_general3A_117 = arith.constant dense<0.000000e+00> : vector<256x256xf32>
    %dot_general3A_118 = tpu.matmul %select_n3A_115, %slice3A_116, %dot_general3A_117 {dimension_numbers = #tpu.dot_dimension_numbers<[1], [0], [0], [1], [0, 0, 1, 1], [], []>, transpose_lhs_hint = false} : vector<256x512xf32>, vector<512x256xf32>, vector<256x256xf32> -> vector<256x256xf32>
    %get3A_119 = arith.constant 0 : index
    %get3A_120 = arith.constant 0 : index
    %get3A_121 = arith.constant 0 : index
    %get3A_122 = vector.load %arg3[%get3A_119, %get3A_120, %get3A_121] : memref<1x2048x256xf32, #tpu.memory_space<vmem>>, vector<1x512x256xf32>
    %get3A_123 = vector.shape_cast %get3A_122 : vector<1x512x256xf32> to vector<512x256xf32>
    %dot_general3A_124 = arith.constant dense<0.000000e+00> : vector<256x256xf32>
    %dot_general3A_125 = tpu.matmul %select_n3A_115, %get3A_123, %dot_general3A_124 {dimension_numbers = #tpu.dot_dimension_numbers<[1], [0], [0], [1], [0, 0, 1, 1], [], []>, transpose_lhs_hint = false} : vector<256x512xf32>, vector<512x256xf32>, vector<256x256xf32> -> vector<256x256xf32>
    %concatenate3A_126 = tpu.concatenate %dot_general3A_118, %dot_general3A_125 in 1 : vector<256x256xf32>, vector<256x256xf32> -> vector<256x512xf32>
    %sub3A_127 = vector.broadcast %get3A_88 : vector<256x1xf32> to vector<256x256xf32>
    %sub3A_128 = vector.broadcast %get3A_93 : vector<1x256xf32> to vector<256x256xf32>
    %sub3A_129 = arith.subf %sub3A_127, %sub3A_128 : vector<256x256xf32>
    %exp3A_130 = math.exp %sub3A_129 : vector<256x256xf32>
    %mul3A_131 = vector.broadcast %get3A_98 : vector<1x256xf32> to vector<256x256xf32>
    %mul3A_132 = arith.mulf %mul3A_131, %exp3A_130 : vector<256x256xf32>
    %jit3A_133 = arith.constant 0.000000e+00 : f32
    %broadcast_in_dim3A_134 = vector.broadcast %jit3A_133 : f32 to vector<256x256xf32>
    %select_n3A_135 = arith.select %ge3A, %mul3A_132, %broadcast_in_dim3A_134 : vector<256x256xi1>, vector<256x256xf32>
    %dot_general3A_136 = arith.constant dense<0.000000e+00> : vector<256x512xf32>
    %dot_general3A_137 = tpu.matmul %select_n3A_135, %concatenate3A_126, %dot_general3A_136 {dimension_numbers = #tpu.dot_dimension_numbers<[1], [0], [0], [1], [0, 0, 1, 1], [], []>, transpose_lhs_hint = false} : vector<256x256xf32>, vector<256x512xf32>, vector<256x512xf32> -> vector<256x512xf32>
    %sub3A_138 = vector.broadcast %slice3A_83 : vector<1x1xf32> to vector<256x1xf32>
    %sub3A_139 = arith.subf %get3A_88, %sub3A_138 : vector<256x1xf32>
    %exp3A_140 = math.exp %sub3A_139 : vector<256x1xf32>
    %mul3A_141 = vector.broadcast %exp3A_140 : vector<256x1xf32> to vector<256x512xf32>
    %mul3A_142 = vector.broadcast %slice3A_82 : vector<1x512xf32> to vector<256x512xf32>
    %mul3A_143 = arith.mulf %mul3A_141, %mul3A_142 : vector<256x512xf32>
    %add3A_144 = arith.addf %dot_general3A_137, %mul3A_143 : vector<256x512xf32>
    %slice3A_145 = vector.extract_strided_slice %add3A_144 {offsets = [0, 0], sizes = [256, 256], strides = [1, 1]} : vector<256x512xf32> to vector<256x256xf32>
    %get3A_146 = arith.constant 0 : index
    %get3A_147 = arith.constant 0 : index
    %get3A_148 = vector.load %arg8[%get3A_146, %get3A_147] : memref<1x1xf32, #tpu.memory_space<vmem>>, vector<1x1xf32>
    %slice3A_149 = vector.extract_strided_slice %add3A_144 {offsets = [0, 256], sizes = [256, 256], strides = [1, 1]} : vector<256x512xf32> to vector<256x256xf32>
    %mul3A_150 = vector.broadcast %get3A_148 : vector<1x1xf32> to vector<256x256xf32>
    %mul3A_151 = arith.mulf %mul3A_150, %slice3A_149 : vector<256x256xf32>
    %add3A_152 = arith.addf %slice3A_145, %mul3A_151 : vector<256x256xf32>
    %swap3A_153 = arith.constant 0 : index
    %swap3A_154 = arith.constant 256 : index
    %swap3A_155 = arith.constant 0 : index
    %swap3A_156 = vector.load %arg9[%swap3A_153, %swap3A_154, %swap3A_155] : memref<1x2048x256xf32, #tpu.memory_space<vmem>>, vector<1x256x256xf32>
    %swap3A_157 = vector.shape_cast %swap3A_156 : vector<1x256x256xf32> to vector<256x256xf32>
    %swap3A_158 = vector.shape_cast %add3A_152 : vector<256x256xf32> to vector<1x256x256xf32>
    tpu.vector_store %arg9[%swap3A_153, %swap3A_154, %swap3A_155], %swap3A_158 {strides = array<i32>} : memref<1x2048x256xf32, #tpu.memory_space<vmem>>, vector<1x256x256xf32>,
    %slice3A_159 = vector.extract_strided_slice %add3A_144 {offsets = [255, 0], sizes = [1, 512], strides = [1, 1]} : vector<256x512xf32> to vector<1x512xf32>
    %slice3A_160 = vector.extract_strided_slice %get3A_88 {offsets = [255, 0], sizes = [1, 1], strides = [1, 1]} : vector<256x1xf32> to vector<1x1xf32>
    %get3A_161 = arith.constant 0 : index
    %get3A_162 = arith.constant 512 : index
    %get3A_163 = arith.constant 0 : index
    %get3A_164 = vector.load %arg6[%get3A_161, %get3A_162, %get3A_163] : memref<1x2048x1xf32, #tpu.memory_space<vmem>>, vector<1x256x1xf32>
    %get3A_165 = vector.shape_cast %get3A_164 : vector<1x256x1xf32> to vector<256x1xf32>
    %get3A_166 = arith.constant 0 : index
    %get3A_167 = arith.constant 0 : index
    %get3A_168 = arith.constant 512 : index
    %get3A_169 = vector.load %arg7[%get3A_166, %get3A_167, %get3A_168] : memref<1x1x2048xf32, #tpu.memory_space<vmem>>, vector<1x1x256xf32>
    %get3A_170 = vector.shape_cast %get3A_169 : vector<1x1x256xf32> to vector<1x256xf32>
    %get3A_171 = arith.constant 0 : index
    %get3A_172 = arith.constant 0 : index
    %get3A_173 = arith.constant 512 : index
    %get3A_174 = vector.load %arg5[%get3A_171, %get3A_172, %get3A_173] : memref<1x1x2048xf32, #tpu.memory_space<vmem>>, vector<1x1x256xf32>
    %get3A_175 = vector.shape_cast %get3A_174 : vector<1x1x256xf32> to vector<1x256xf32>
    %get3A_176 = arith.constant 0 : index
    %get3A_177 = arith.constant 512 : index
    %get3A_178 = arith.constant 0 : index
    %get3A_179 = vector.load %arg4[%get3A_176, %get3A_177, %get3A_178] : memref<1x2048x1xi32, #tpu.memory_space<vmem>>, vector<1x256x1xi32>
    %get3A_180 = vector.shape_cast %get3A_179 : vector<1x256x1xi32> to vector<256x1xi32>
    %mul3A_181 = arith.constant 2048 : i32
    %mul3A_182 = arith.muli %arg0, %mul3A_181 : i32
    %sub3A_183 = vector.broadcast %mul3A_182 : i32 to vector<256x1xi32>
    %sub3A_184 = arith.subi %get3A_180, %sub3A_183 : vector<256x1xi32>
    %iota3A_185 = tpu.iota {dimensions = array<i32: 1>} : vector<256x768xi32>
    %eq3A_186 = vector.broadcast %sub3A_184 : vector<256x1xi32> to vector<256x768xi32>
    %eq3A_187 = arith.cmpi eq, %iota3A_185, %eq3A_186 : vector<256x768xi32>
    %jit3A_188 = arith.constant 1.000000e+00 : f32
    %jit3A_189 = arith.constant 0.000000e+00 : f32
    %broadcast_in_dim3A_190 = vector.broadcast %jit3A_188 : f32 to vector<256x768xf32>
    %broadcast_in_dim3A_191 = vector.broadcast %jit3A_189 : f32 to vector<256x768xf32>
    %select_n3A_192 = arith.select %eq3A_187, %broadcast_in_dim3A_190, %broadcast_in_dim3A_191 : vector<256x768xi1>, vector<256x768xf32>
    %slice3A_193 = vector.extract_strided_slice %mul3A_12 {offsets = [0, 0], sizes = [768, 256], strides = [1, 1]} : vector<2048x256xf32> to vector<768x256xf32>
    %dot_general3A_194 = arith.constant dense<0.000000e+00> : vector<256x256xf32>
    %dot_general3A_195 = tpu.matmul %select_n3A_192, %slice3A_193, %dot_general3A_194 {dimension_numbers = #tpu.dot_dimension_numbers<[1], [0], [0], [1], [0, 0, 1, 1], [], []>, transpose_lhs_hint = false} : vector<256x768xf32>, vector<768x256xf32>, vector<256x256xf32> -> vector<256x256xf32>
    %get3A_196 = arith.constant 0 : index
    %get3A_197 = arith.constant 0 : index
    %get3A_198 = arith.constant 0 : index
    %get3A_199 = vector.load %arg3[%get3A_196, %get3A_197, %get3A_198] : memref<1x2048x256xf32, #tpu.memory_space<vmem>>, vector<1x768x256xf32>
    %get3A_200 = vector.shape_cast %get3A_199 : vector<1x768x256xf32> to vector<768x256xf32>
    %dot_general3A_201 = arith.constant dense<0.000000e+00> : vector<256x256xf32>
    %dot_general3A_202 = tpu.matmul %select_n3A_192, %get3A_200, %dot_general3A_201 {dimension_numbers = #tpu.dot_dimension_numbers<[1], [0], [0], [1], [0, 0, 1, 1], [], []>, transpose_lhs_hint = false} : vector<256x768xf32>, vector<768x256xf32>, vector<256x256xf32> -> vector<256x256xf32>
    %concatenate3A_203 = tpu.concatenate %dot_general3A_195, %dot_general3A_202 in 1 : vector<256x256xf32>, vector<256x256xf32> -> vector<256x512xf32>
    %sub3A_204 = vector.broadcast %get3A_165 : vector<256x1xf32> to vector<256x256xf32>
    %sub3A_205 = vector.broadcast %get3A_170 : vector<1x256xf32> to vector<256x256xf32>
    %sub3A_206 = arith.subf %sub3A_204, %sub3A_205 : vector<256x256xf32>
    %exp3A_207 = math.exp %sub3A_206 : vector<256x256xf32>
    %mul3A_208 = vector.broadcast %get3A_175 : vector<1x256xf32> to vector<256x256xf32>
    %mul3A_209 = arith.mulf %mul3A_208, %exp3A_207 : vector<256x256xf32>
    %jit3A_210 = arith.constant 0.000000e+00 : f32
    %broadcast_in_dim3A_211 = vector.broadcast %jit3A_210 : f32 to vector<256x256xf32>
    %select_n3A_212 = arith.select %ge3A, %mul3A_209, %broadcast_in_dim3A_211 : vector<256x256xi1>, vector<256x256xf32>
    %dot_general3A_213 = arith.constant dense<0.000000e+00> : vector<256x512xf32>
    %dot_general3A_214 = tpu.matmul %select_n3A_212, %concatenate3A_203, %dot_general3A_213 {dimension_numbers = #tpu.dot_dimension_numbers<[1], [0], [0], [1], [0, 0, 1, 1], [], []>, transpose_lhs_hint = false} : vector<256x256xf32>, vector<256x512xf32>, vector<256x512xf32> -> vector<256x512xf32>
    %sub3A_215 = vector.broadcast %slice3A_160 : vector<1x1xf32> to vector<256x1xf32>
    %sub3A_216 = arith.subf %get3A_165, %sub3A_215 : vector<256x1xf32>
    %exp3A_217 = math.exp %sub3A_216 : vector<256x1xf32>
    %mul3A_218 = vector.broadcast %exp3A_217 : vector<256x1xf32> to vector<256x512xf32>
    %mul3A_219 = vector.broadcast %slice3A_159 : vector<1x512xf32> to vector<256x512xf32>
    %mul3A_220 = arith.mulf %mul3A_218, %mul3A_219 : vector<256x512xf32>
    %add3A_221 = arith.addf %dot_general3A_214, %mul3A_220 : vector<256x512xf32>
    %slice3A_222 = vector.extract_strided_slice %add3A_221 {offsets = [0, 0], sizes = [256, 256], strides = [1, 1]} : vector<256x512xf32> to vector<256x256xf32>
    %get3A_223 = arith.constant 0 : index
    %get3A_224 = arith.constant 0 : index
    %get3A_225 = vector.load %arg8[%get3A_223, %get3A_224] : memref<1x1xf32, #tpu.memory_space<vmem>>, vector<1x1xf32>
    %slice3A_226 = vector.extract_strided_slice %add3A_221 {offsets = [0, 256], sizes = [256, 256], strides = [1, 1]} : vector<256x512xf32> to vector<256x256xf32>
    %mul3A_227 = vector.broadcast %get3A_225 : vector<1x1xf32> to vector<256x256xf32>
    %mul3A_228 = arith.mulf %mul3A_227, %slice3A_226 : vector<256x256xf32>
    %add3A_229 = arith.addf %slice3A_222, %mul3A_228 : vector<256x256xf32>
    %swap3A_230 = arith.constant 0 : index
    %swap3A_231 = arith.constant 512 : index
    %swap3A_232 = arith.constant 0 : index
    %swap3A_233 = vector.load %arg9[%swap3A_230, %swap3A_231, %swap3A_232] : memref<1x2048x256xf32, #tpu.memory_space<vmem>>, vector<1x256x256xf32>
    %swap3A_234 = vector.shape_cast %swap3A_233 : vector<1x256x256xf32> to vector<256x256xf32>
    %swap3A_235 = vector.shape_cast %add3A_229 : vector<256x256xf32> to vector<1x256x256xf32>
    tpu.vector_store %arg9[%swap3A_230, %swap3A_231, %swap3A_232], %swap3A_235 {strides = array<i32>} : memref<1x2048x256xf32, #tpu.memory_space<vmem>>, vector<1x256x256xf32>,
    %slice3A_236 = vector.extract_strided_slice %add3A_221 {offsets = [255, 0], sizes = [1, 512], strides = [1, 1]} : vector<256x512xf32> to vector<1x512xf32>
    %slice3A_237 = vector.extract_strided_slice %get3A_165 {offsets = [255, 0], sizes = [1, 1], strides = [1, 1]} : vector<256x1xf32> to vector<1x1xf32>
    %get3A_238 = arith.constant 0 : index
    %get3A_239 = arith.constant 768 : index
    %get3A_240 = arith.constant 0 : index
    %get3A_241 = vector.load %arg6[%get3A_238, %get3A_239, %get3A_240] : memref<1x2048x1xf32, #tpu.memory_space<vmem>>, vector<1x256x1xf32>
    %get3A_242 = vector.shape_cast %get3A_241 : vector<1x256x1xf32> to vector<256x1xf32>
    %get3A_243 = arith.constant 0 : index
    %get3A_244 = arith.constant 0 : index
    %get3A_245 = arith.constant 768 : index
    %get3A_246 = vector.load %arg7[%get3A_243, %get3A_244, %get3A_245] : memref<1x1x2048xf32, #tpu.memory_space<vmem>>, vector<1x1x256xf32>
    %get3A_247 = vector.shape_cast %get3A_246 : vector<1x1x256xf32> to vector<1x256xf32>
    %get3A_248 = arith.constant 0 : index
    %get3A_249 = arith.constant 0 : index
    %get3A_250 = arith.constant 768 : index
    %get3A_251 = vector.load %arg5[%get3A_248, %get3A_249, %get3A_250] : memref<1x1x2048xf32, #tpu.memory_space<vmem>>, vector<1x1x256xf32>
    %get3A_252 = vector.shape_cast %get3A_251 : vector<1x1x256xf32> to vector<1x256xf32>
    %get3A_253 = arith.constant 0 : index
    %get3A_254 = arith.constant 768 : index
    %get3A_255 = arith.constant 0 : index
    %get3A_256 = vector.load %arg4[%get3A_253, %get3A_254, %get3A_255] : memref<1x2048x1xi32, #tpu.memory_space<vmem>>, vector<1x256x1xi32>
    %get3A_257 = vector.shape_cast %get3A_256 : vector<1x256x1xi32> to vector<256x1xi32>
    %mul3A_258 = arith.constant 2048 : i32
    %mul3A_259 = arith.muli %arg0, %mul3A_258 : i32
    %sub3A_260 = vector.broadcast %mul3A_259 : i32 to vector<256x1xi32>
    %sub3A_261 = arith.subi %get3A_257, %sub3A_260 : vector<256x1xi32>
    %iota3A_262 = tpu.iota {dimensions = array<i32: 1>} : vector<256x1024xi32>
    %eq3A_263 = vector.broadcast %sub3A_261 : vector<256x1xi32> to vector<256x1024xi32>
    %eq3A_264 = arith.cmpi eq, %iota3A_262, %eq3A_263 : vector<256x1024xi32>
    %jit3A_265 = arith.constant 1.000000e+00 : f32
    %jit3A_266 = arith.constant 0.000000e+00 : f32
    %broadcast_in_dim3A_267 = vector.broadcast %jit3A_265 : f32 to vector<256x1024xf32>
    %broadcast_in_dim3A_268 = vector.broadcast %jit3A_266 : f32 to vector<256x1024xf32>
    %select_n3A_269 = arith.select %eq3A_264, %broadcast_in_dim3A_267, %broadcast_in_dim3A_268 : vector<256x1024xi1>, vector<256x1024xf32>
    %slice3A_270 = vector.extract_strided_slice %mul3A_12 {offsets = [0, 0], sizes = [1024, 256], strides = [1, 1]} : vector<2048x256xf32> to vector<1024x256xf32>
    %dot_general3A_271 = arith.constant dense<0.000000e+00> : vector<256x256xf32>
    %dot_general3A_272 = tpu.matmul %select_n3A_269, %slice3A_270, %dot_general3A_271 {dimension_numbers = #tpu.dot_dimension_numbers<[1], [0], [0], [1], [0, 0, 1, 1], [], []>, transpose_lhs_hint = false} : vector<256x1024xf32>, vector<1024x256xf32>, vector<256x256xf32> -> vector<256x256xf32>
    %get3A_273 = arith.constant 0 : index
    %get3A_274 = arith.constant 0 : index
    %get3A_275 = arith.constant 0 : index
    %get3A_276 = vector.load %arg3[%get3A_273, %get3A_274, %get3A_275] : memref<1x2048x256xf32, #tpu.memory_space<vmem>>, vector<1x1024x256xf32>
    %get3A_277 = vector.shape_cast %get3A_276 : vector<1x1024x256xf32> to vector<1024x256xf32>
    %dot_general3A_278 = arith.constant dense<0.000000e+00> : vector<256x256xf32>
    %dot_general3A_279 = tpu.matmul %select_n3A_269, %get3A_277, %dot_general3A_278 {dimension_numbers = #tpu.dot_dimension_numbers<[1], [0], [0], [1], [0, 0, 1, 1], [], []>, transpose_lhs_hint = false} : vector<256x1024xf32>, vector<1024x256xf32>, vector<256x256xf32> -> vector<256x256xf32>
    %concatenate3A_280 = tpu.concatenate %dot_general3A_272, %dot_general3A_279 in 1 : vector<256x256xf32>, vector<256x256xf32> -> vector<256x512xf32>
    %sub3A_281 = vector.broadcast %get3A_242 : vector<256x1xf32> to vector<256x256xf32>
    %sub3A_282 = vector.broadcast %get3A_247 : vector<1x256xf32> to vector<256x256xf32>
    %sub3A_283 = arith.subf %sub3A_281, %sub3A_282 : vector<256x256xf32>
    %exp3A_284 = math.exp %sub3A_283 : vector<256x256xf32>
    %mul3A_285 = vector.broadcast %get3A_252 : vector<1x256xf32> to vector<256x256xf32>
    %mul3A_286 = arith.mulf %mul3A_285, %exp3A_284 : vector<256x256xf32>
    %jit3A_287 = arith.constant 0.000000e+00 : f32
    %broadcast_in_dim3A_288 = vector.broadcast %jit3A_287 : f32 to vector<256x256xf32>
    %select_n3A_289 = arith.select %ge3A, %mul3A_286, %broadcast_in_dim3A_288 : vector<256x256xi1>, vector<256x256xf32>
    %dot_general3A_290 = arith.constant dense<0.000000e+00> : vector<256x512xf32>
    %dot_general3A_291 = tpu.matmul %select_n3A_289, %concatenate3A_280, %dot_general3A_290 {dimension_numbers = #tpu.dot_dimension_numbers<[1], [0], [0], [1], [0, 0, 1, 1], [], []>, transpose_lhs_hint = false} : vector<256x256xf32>, vector<256x512xf32>, vector<256x512xf32> -> vector<256x512xf32>
    %sub3A_292 = vector.broadcast %slice3A_237 : vector<1x1xf32> to vector<256x1xf32>
    %sub3A_293 = arith.subf %get3A_242, %sub3A_292 : vector<256x1xf32>
    %exp3A_294 = math.exp %sub3A_293 : vector<256x1xf32>
    %mul3A_295 = vector.broadcast %exp3A_294 : vector<256x1xf32> to vector<256x512xf32>
    %mul3A_296 = vector.broadcast %slice3A_236 : vector<1x512xf32> to vector<256x512xf32>
    %mul3A_297 = arith.mulf %mul3A_295, %mul3A_296 : vector<256x512xf32>
    %add3A_298 = arith.addf %dot_general3A_291, %mul3A_297 : vector<256x512xf32>
    %slice3A_299 = vector.extract_strided_slice %add3A_298 {offsets = [0, 0], sizes = [256, 256], strides = [1, 1]} : vector<256x512xf32> to vector<256x256xf32>
    %get3A_300 = arith.constant 0 : index
    %get3A_301 = arith.constant 0 : index
    %get3A_302 = vector.load %arg8[%get3A_300, %get3A_301] : memref<1x1xf32, #tpu.memory_space<vmem>>, vector<1x1xf32>
    %slice3A_303 = vector.extract_strided_slice %add3A_298 {offsets = [0, 256], sizes = [256, 256], strides = [1, 1]} : vector<256x512xf32> to vector<256x256xf32>
    %mul3A_304 = vector.broadcast %get3A_302 : vector<1x1xf32> to vector<256x256xf32>
    %mul3A_305 = arith.mulf %mul3A_304, %slice3A_303 : vector<256x256xf32>
    %add3A_306 = arith.addf %slice3A_299, %mul3A_305 : vector<256x256xf32>
    %swap3A_307 = arith.constant 0 : index
    %swap3A_308 = arith.constant 768 : index
    %swap3A_309 = arith.constant 0 : index
    %swap3A_310 = vector.load %arg9[%swap3A_307, %swap3A_308, %swap3A_309] : memref<1x2048x256xf32, #tpu.memory_space<vmem>>, vector<1x256x256xf32>
    %swap3A_311 = vector.shape_cast %swap3A_310 : vector<1x256x256xf32> to vector<256x256xf32>
    %swap3A_312 = vector.shape_cast %add3A_306 : vector<256x256xf32> to vector<1x256x256xf32>
    tpu.vector_store %arg9[%swap3A_307, %swap3A_308, %swap3A_309], %swap3A_312 {strides = array<i32>} : memref<1x2048x256xf32, #tpu.memory_space<vmem>>, vector<1x256x256xf32>,
    %slice3A_313 = vector.extract_strided_slice %add3A_298 {offsets = [255, 0], sizes = [1, 512], strides = [1, 1]} : vector<256x512xf32> to vector<1x512xf32>
    %slice3A_314 = vector.extract_strided_slice %get3A_242 {offsets = [255, 0], sizes = [1, 1], strides = [1, 1]} : vector<256x1xf32> to vector<1x1xf32>
    %get3A_315 = arith.constant 0 : index
    %get3A_316 = arith.constant 1024 : index
    %get3A_317 = arith.constant 0 : index
    %get3A_318 = vector.load %arg6[%get3A_315, %get3A_316, %get3A_317] : memref<1x2048x1xf32, #tpu.memory_space<vmem>>, vector<1x256x1xf32>
    %get3A_319 = vector.shape_cast %get3A_318 : vector<1x256x1xf32> to vector<256x1xf32>
    %get3A_320 = arith.constant 0 : index
    %get3A_321 = arith.constant 0 : index
    %get3A_322 = arith.constant 1024 : index
    %get3A_323 = vector.load %arg7[%get3A_320, %get3A_321, %get3A_322] : memref<1x1x2048xf32, #tpu.memory_space<vmem>>, vector<1x1x256xf32>
    %get3A_324 = vector.shape_cast %get3A_323 : vector<1x1x256xf32> to vector<1x256xf32>
    %get3A_325 = arith.constant 0 : index
    %get3A_326 = arith.constant 0 : index
    %get3A_327 = arith.constant 1024 : index
    %get3A_328 = vector.load %arg5[%get3A_325, %get3A_326, %get3A_327] : memref<1x1x2048xf32, #tpu.memory_space<vmem>>, vector<1x1x256xf32>
    %get3A_329 = vector.shape_cast %get3A_328 : vector<1x1x256xf32> to vector<1x256xf32>
    %get3A_330 = arith.constant 0 : index
    %get3A_331 = arith.constant 1024 : index
    %get3A_332 = arith.constant 0 : index
    %get3A_333 = vector.load %arg4[%get3A_330, %get3A_331, %get3A_332] : memref<1x2048x1xi32, #tpu.memory_space<vmem>>, vector<1x256x1xi32>
    %get3A_334 = vector.shape_cast %get3A_333 : vector<1x256x1xi32> to vector<256x1xi32>
    %mul3A_335 = arith.constant 2048 : i32
    %mul3A_336 = arith.muli %arg0, %mul3A_335 : i32
    %sub3A_337 = vector.broadcast %mul3A_336 : i32 to vector<256x1xi32>
    %sub3A_338 = arith.subi %get3A_334, %sub3A_337 : vector<256x1xi32>
    %iota3A_339 = tpu.iota {dimensions = array<i32: 1>} : vector<256x1280xi32>
    %eq3A_340 = vector.broadcast %sub3A_338 : vector<256x1xi32> to vector<256x1280xi32>
    %eq3A_341 = arith.cmpi eq, %iota3A_339, %eq3A_340 : vector<256x1280xi32>
    %jit3A_342 = arith.constant 1.000000e+00 : f32
    %jit3A_343 = arith.constant 0.000000e+00 : f32
    %broadcast_in_dim3A_344 = vector.broadcast %jit3A_342 : f32 to vector<256x1280xf32>
    %broadcast_in_dim3A_345 = vector.broadcast %jit3A_343 : f32 to vector<256x1280xf32>
    %select_n3A_346 = arith.select %eq3A_341, %broadcast_in_dim3A_344, %broadcast_in_dim3A_345 : vector<256x1280xi1>, vector<256x1280xf32>
    %slice3A_347 = vector.extract_strided_slice %mul3A_12 {offsets = [0, 0], sizes = [1280, 256], strides = [1, 1]} : vector<2048x256xf32> to vector<1280x256xf32>
    %dot_general3A_348 = arith.constant dense<0.000000e+00> : vector<256x256xf32>
    %dot_general3A_349 = tpu.matmul %select_n3A_346, %slice3A_347, %dot_general3A_348 {dimension_numbers = #tpu.dot_dimension_numbers<[1], [0], [0], [1], [0, 0, 1, 1], [], []>, transpose_lhs_hint = false} : vector<256x1280xf32>, vector<1280x256xf32>, vector<256x256xf32> -> vector<256x256xf32>
    %get3A_350 = arith.constant 0 : index
    %get3A_351 = arith.constant 0 : index
    %get3A_352 = arith.constant 0 : index
    %get3A_353 = vector.load %arg3[%get3A_350, %get3A_351, %get3A_352] : memref<1x2048x256xf32, #tpu.memory_space<vmem>>, vector<1x1280x256xf32>
    %get3A_354 = vector.shape_cast %get3A_353 : vector<1x1280x256xf32> to vector<1280x256xf32>
    %dot_general3A_355 = arith.constant dense<0.000000e+00> : vector<256x256xf32>
    %dot_general3A_356 = tpu.matmul %select_n3A_346, %get3A_354, %dot_general3A_355 {dimension_numbers = #tpu.dot_dimension_numbers<[1], [0], [0], [1], [0, 0, 1, 1], [], []>, transpose_lhs_hint = false} : vector<256x1280xf32>, vector<1280x256xf32>, vector<256x256xf32> -> vector<256x256xf32>
    %concatenate3A_357 = tpu.concatenate %dot_general3A_349, %dot_general3A_356 in 1 : vector<256x256xf32>, vector<256x256xf32> -> vector<256x512xf32>
    %sub3A_358 = vector.broadcast %get3A_319 : vector<256x1xf32> to vector<256x256xf32>
    %sub3A_359 = vector.broadcast %get3A_324 : vector<1x256xf32> to vector<256x256xf32>
    %sub3A_360 = arith.subf %sub3A_358, %sub3A_359 : vector<256x256xf32>
    %exp3A_361 = math.exp %sub3A_360 : vector<256x256xf32>
    %mul3A_362 = vector.broadcast %get3A_329 : vector<1x256xf32> to vector<256x256xf32>
    %mul3A_363 = arith.mulf %mul3A_362, %exp3A_361 : vector<256x256xf32>
    %jit3A_364 = arith.constant 0.000000e+00 : f32
    %broadcast_in_dim3A_365 = vector.broadcast %jit3A_364 : f32 to vector<256x256xf32>
    %select_n3A_366 = arith.select %ge3A, %mul3A_363, %broadcast_in_dim3A_365 : vector<256x256xi1>, vector<256x256xf32>
    %dot_general3A_367 = arith.constant dense<0.000000e+00> : vector<256x512xf32>
    %dot_general3A_368 = tpu.matmul %select_n3A_366, %concatenate3A_357, %dot_general3A_367 {dimension_numbers = #tpu.dot_dimension_numbers<[1], [0], [0], [1], [0, 0, 1, 1], [], []>, transpose_lhs_hint = false} : vector<256x256xf32>, vector<256x512xf32>, vector<256x512xf32> -> vector<256x512xf32>
    %sub3A_369 = vector.broadcast %slice3A_314 : vector<1x1xf32> to vector<256x1xf32>
    %sub3A_370 = arith.subf %get3A_319, %sub3A_369 : vector<256x1xf32>
    %exp3A_371 = math.exp %sub3A_370 : vector<256x1xf32>
    %mul3A_372 = vector.broadcast %exp3A_371 : vector<256x1xf32> to vector<256x512xf32>
    %mul3A_373 = vector.broadcast %slice3A_313 : vector<1x512xf32> to vector<256x512xf32>
    %mul3A_374 = arith.mulf %mul3A_372, %mul3A_373 : vector<256x512xf32>
    %add3A_375 = arith.addf %dot_general3A_368, %mul3A_374 : vector<256x512xf32>
    %slice3A_376 = vector.extract_strided_slice %add3A_375 {offsets = [0, 0], sizes = [256, 256], strides = [1, 1]} : vector<256x512xf32> to vector<256x256xf32>
    %get3A_377 = arith.constant 0 : index
    %get3A_378 = arith.constant 0 : index
    %get3A_379 = vector.load %arg8[%get3A_377, %get3A_378] : memref<1x1xf32, #tpu.memory_space<vmem>>, vector<1x1xf32>
    %slice3A_380 = vector.extract_strided_slice %add3A_375 {offsets = [0, 256], sizes = [256, 256], strides = [1, 1]} : vector<256x512xf32> to vector<256x256xf32>
    %mul3A_381 = vector.broadcast %get3A_379 : vector<1x1xf32> to vector<256x256xf32>
    %mul3A_382 = arith.mulf %mul3A_381, %slice3A_380 : vector<256x256xf32>
    %add3A_383 = arith.addf %slice3A_376, %mul3A_382 : vector<256x256xf32>
    %swap3A_384 = arith.constant 0 : index
    %swap3A_385 = arith.constant 1024 : index
    %swap3A_386 = arith.constant 0 : index
    %swap3A_387 = vector.load %arg9[%swap3A_384, %swap3A_385, %swap3A_386] : memref<1x2048x256xf32, #tpu.memory_space<vmem>>, vector<1x256x256xf32>
    %swap3A_388 = vector.shape_cast %swap3A_387 : vector<1x256x256xf32> to vector<256x256xf32>
    %swap3A_389 = vector.shape_cast %add3A_383 : vector<256x256xf32> to vector<1x256x256xf32>
    tpu.vector_store %arg9[%swap3A_384, %swap3A_385, %swap3A_386], %swap3A_389 {strides = array<i32>} : memref<1x2048x256xf32, #tpu.memory_space<vmem>>, vector<1x256x256xf32>,
    %slice3A_390 = vector.extract_strided_slice %add3A_375 {offsets = [255, 0], sizes = [1, 512], strides = [1, 1]} : vector<256x512xf32> to vector<1x512xf32>
    %slice3A_391 = vector.extract_strided_slice %get3A_319 {offsets = [255, 0], sizes = [1, 1], strides = [1, 1]} : vector<256x1xf32> to vector<1x1xf32>
    %get3A_392 = arith.constant 0 : index
    %get3A_393 = arith.constant 1280 : index
    %get3A_394 = arith.constant 0 : index
    %get3A_395 = vector.load %arg6[%get3A_392, %get3A_393, %get3A_394] : memref<1x2048x1xf32, #tpu.memory_space<vmem>>, vector<1x256x1xf32>
    %get3A_396 = vector.shape_cast %get3A_395 : vector<1x256x1xf32> to vector<256x1xf32>
    %get3A_397 = arith.constant 0 : index
    %get3A_398 = arith.constant 0 : index
    %get3A_399 = arith.constant 1280 : index
    %get3A_400 = vector.load %arg7[%get3A_397, %get3A_398, %get3A_399] : memref<1x1x2048xf32, #tpu.memory_space<vmem>>, vector<1x1x256xf32>
    %get3A_401 = vector.shape_cast %get3A_400 : vector<1x1x256xf32> to vector<1x256xf32>
    %get3A_402 = arith.constant 0 : index
    %get3A_403 = arith.constant 0 : index
    %get3A_404 = arith.constant 1280 : index
    %get3A_405 = vector.load %arg5[%get3A_402, %get3A_403, %get3A_404] : memref<1x1x2048xf32, #tpu.memory_space<vmem>>, vector<1x1x256xf32>
    %get3A_406 = vector.shape_cast %get3A_405 : vector<1x1x256xf32> to vector<1x256xf32>
    %get3A_407 = arith.constant 0 : index
    %get3A_408 = arith.constant 1280 : index
    %get3A_409 = arith.constant 0 : index
    %get3A_410 = vector.load %arg4[%get3A_407, %get3A_408, %get3A_409] : memref<1x2048x1xi32, #tpu.memory_space<vmem>>, vector<1x256x1xi32>
    %get3A_411 = vector.shape_cast %get3A_410 : vector<1x256x1xi32> to vector<256x1xi32>
    %mul3A_412 = arith.constant 2048 : i32
    %mul3A_413 = arith.muli %arg0, %mul3A_412 : i32
    %sub3A_414 = vector.broadcast %mul3A_413 : i32 to vector<256x1xi32>
    %sub3A_415 = arith.subi %get3A_411, %sub3A_414 : vector<256x1xi32>
    %iota3A_416 = tpu.iota {dimensions = array<i32: 1>} : vector<256x1536xi32>
    %eq3A_417 = vector.broadcast %sub3A_415 : vector<256x1xi32> to vector<256x1536xi32>
    %eq3A_418 = arith.cmpi eq, %iota3A_416, %eq3A_417 : vector<256x1536xi32>
    %jit3A_419 = arith.constant 1.000000e+00 : f32
    %jit3A_420 = arith.constant 0.000000e+00 : f32
    %broadcast_in_dim3A_421 = vector.broadcast %jit3A_419 : f32 to vector<256x1536xf32>
    %broadcast_in_dim3A_422 = vector.broadcast %jit3A_420 : f32 to vector<256x1536xf32>
    %select_n3A_423 = arith.select %eq3A_418, %broadcast_in_dim3A_421, %broadcast_in_dim3A_422 : vector<256x1536xi1>, vector<256x1536xf32>
    %slice3A_424 = vector.extract_strided_slice %mul3A_12 {offsets = [0, 0], sizes = [1536, 256], strides = [1, 1]} : vector<2048x256xf32> to vector<1536x256xf32>
    %dot_general3A_425 = arith.constant dense<0.000000e+00> : vector<256x256xf32>
    %dot_general3A_426 = tpu.matmul %select_n3A_423, %slice3A_424, %dot_general3A_425 {dimension_numbers = #tpu.dot_dimension_numbers<[1], [0], [0], [1], [0, 0, 1, 1], [], []>, transpose_lhs_hint = false} : vector<256x1536xf32>, vector<1536x256xf32>, vector<256x256xf32> -> vector<256x256xf32>
    %get3A_427 = arith.constant 0 : index
    %get3A_428 = arith.constant 0 : index
    %get3A_429 = arith.constant 0 : index
    %get3A_430 = vector.load %arg3[%get3A_427, %get3A_428, %get3A_429] : memref<1x2048x256xf32, #tpu.memory_space<vmem>>, vector<1x1536x256xf32>
    %get3A_431 = vector.shape_cast %get3A_430 : vector<1x1536x256xf32> to vector<1536x256xf32>
    %dot_general3A_432 = arith.constant dense<0.000000e+00> : vector<256x256xf32>
    %dot_general3A_433 = tpu.matmul %select_n3A_423, %get3A_431, %dot_general3A_432 {dimension_numbers = #tpu.dot_dimension_numbers<[1], [0], [0], [1], [0, 0, 1, 1], [], []>, transpose_lhs_hint = false} : vector<256x1536xf32>, vector<1536x256xf32>, vector<256x256xf32> -> vector<256x256xf32>
    %concatenate3A_434 = tpu.concatenate %dot_general3A_426, %dot_general3A_433 in 1 : vector<256x256xf32>, vector<256x256xf32> -> vector<256x512xf32>
    %sub3A_435 = vector.broadcast %get3A_396 : vector<256x1xf32> to vector<256x256xf32>
    %sub3A_436 = vector.broadcast %get3A_401 : vector<1x256xf32> to vector<256x256xf32>
    %sub3A_437 = arith.subf %sub3A_435, %sub3A_436 : vector<256x256xf32>
    %exp3A_438 = math.exp %sub3A_437 : vector<256x256xf32>
    %mul3A_439 = vector.broadcast %get3A_406 : vector<1x256xf32> to vector<256x256xf32>
    %mul3A_440 = arith.mulf %mul3A_439, %exp3A_438 : vector<256x256xf32>
    %jit3A_441 = arith.constant 0.000000e+00 : f32
    %broadcast_in_dim3A_442 = vector.broadcast %jit3A_441 : f32 to vector<256x256xf32>
    %select_n3A_443 = arith.select %ge3A, %mul3A_440, %broadcast_in_dim3A_442 : vector<256x256xi1>, vector<256x256xf32>
    %dot_general3A_444 = arith.constant dense<0.000000e+00> : vector<256x512xf32>
    %dot_general3A_445 = tpu.matmul %select_n3A_443, %concatenate3A_434, %dot_general3A_444 {dimension_numbers = #tpu.dot_dimension_numbers<[1], [0], [0], [1], [0, 0, 1, 1], [], []>, transpose_lhs_hint = false} : vector<256x256xf32>, vector<256x512xf32>, vector<256x512xf32> -> vector<256x512xf32>
    %sub3A_446 = vector.broadcast %slice3A_391 : vector<1x1xf32> to vector<256x1xf32>
    %sub3A_447 = arith.subf %get3A_396, %sub3A_446 : vector<256x1xf32>
    %exp3A_448 = math.exp %sub3A_447 : vector<256x1xf32>
    %mul3A_449 = vector.broadcast %exp3A_448 : vector<256x1xf32> to vector<256x512xf32>
    %mul3A_450 = vector.broadcast %slice3A_390 : vector<1x512xf32> to vector<256x512xf32>
    %mul3A_451 = arith.mulf %mul3A_449, %mul3A_450 : vector<256x512xf32>
    %add3A_452 = arith.addf %dot_general3A_445, %mul3A_451 : vector<256x512xf32>
    %slice3A_453 = vector.extract_strided_slice %add3A_452 {offsets = [0, 0], sizes = [256, 256], strides = [1, 1]} : vector<256x512xf32> to vector<256x256xf32>
    %get3A_454 = arith.constant 0 : index
    %get3A_455 = arith.constant 0 : index
    %get3A_456 = vector.load %arg8[%get3A_454, %get3A_455] : memref<1x1xf32, #tpu.memory_space<vmem>>, vector<1x1xf32>
    %slice3A_457 = vector.extract_strided_slice %add3A_452 {offsets = [0, 256], sizes = [256, 256], strides = [1, 1]} : vector<256x512xf32> to vector<256x256xf32>
    %mul3A_458 = vector.broadcast %get3A_456 : vector<1x1xf32> to vector<256x256xf32>
    %mul3A_459 = arith.mulf %mul3A_458, %slice3A_457 : vector<256x256xf32>
    %add3A_460 = arith.addf %slice3A_453, %mul3A_459 : vector<256x256xf32>
    %swap3A_461 = arith.constant 0 : index
    %swap3A_462 = arith.constant 1280 : index
    %swap3A_463 = arith.constant 0 : index
    %swap3A_464 = vector.load %arg9[%swap3A_461, %swap3A_462, %swap3A_463] : memref<1x2048x256xf32, #tpu.memory_space<vmem>>, vector<1x256x256xf32>
    %swap3A_465 = vector.shape_cast %swap3A_464 : vector<1x256x256xf32> to vector<256x256xf32>
    %swap3A_466 = vector.shape_cast %add3A_460 : vector<256x256xf32> to vector<1x256x256xf32>
    tpu.vector_store %arg9[%swap3A_461, %swap3A_462, %swap3A_463], %swap3A_466 {strides = array<i32>} : memref<1x2048x256xf32, #tpu.memory_space<vmem>>, vector<1x256x256xf32>,
    %slice3A_467 = vector.extract_strided_slice %add3A_452 {offsets = [255, 0], sizes = [1, 512], strides = [1, 1]} : vector<256x512xf32> to vector<1x512xf32>
    %slice3A_468 = vector.extract_strided_slice %get3A_396 {offsets = [255, 0], sizes = [1, 1], strides = [1, 1]} : vector<256x1xf32> to vector<1x1xf32>
    %get3A_469 = arith.constant 0 : index
    %get3A_470 = arith.constant 1536 : index
    %get3A_471 = arith.constant 0 : index
    %get3A_472 = vector.load %arg6[%get3A_469, %get3A_470, %get3A_471] : memref<1x2048x1xf32, #tpu.memory_space<vmem>>, vector<1x256x1xf32>
    %get3A_473 = vector.shape_cast %get3A_472 : vector<1x256x1xf32> to vector<256x1xf32>
    %get3A_474 = arith.constant 0 : index
    %get3A_475 = arith.constant 0 : index
    %get3A_476 = arith.constant 1536 : index
    %get3A_477 = vector.load %arg7[%get3A_474, %get3A_475, %get3A_476] : memref<1x1x2048xf32, #tpu.memory_space<vmem>>, vector<1x1x256xf32>
    %get3A_478 = vector.shape_cast %get3A_477 : vector<1x1x256xf32> to vector<1x256xf32>
    %get3A_479 = arith.constant 0 : index
    %get3A_480 = arith.constant 0 : index
    %get3A_481 = arith.constant 1536 : index
    %get3A_482 = vector.load %arg5[%get3A_479, %get3A_480, %get3A_481] : memref<1x1x2048xf32, #tpu.memory_space<vmem>>, vector<1x1x256xf32>
    %get3A_483 = vector.shape_cast %get3A_482 : vector<1x1x256xf32> to vector<1x256xf32>
    %get3A_484 = arith.constant 0 : index
    %get3A_485 = arith.constant 1536 : index
    %get3A_486 = arith.constant 0 : index
    %get3A_487 = vector.load %arg4[%get3A_484, %get3A_485, %get3A_486] : memref<1x2048x1xi32, #tpu.memory_space<vmem>>, vector<1x256x1xi32>
    %get3A_488 = vector.shape_cast %get3A_487 : vector<1x256x1xi32> to vector<256x1xi32>
    %mul3A_489 = arith.constant 2048 : i32
    %mul3A_490 = arith.muli %arg0, %mul3A_489 : i32
    %sub3A_491 = vector.broadcast %mul3A_490 : i32 to vector<256x1xi32>
    %sub3A_492 = arith.subi %get3A_488, %sub3A_491 : vector<256x1xi32>
    %iota3A_493 = tpu.iota {dimensions = array<i32: 1>} : vector<256x1792xi32>
    %eq3A_494 = vector.broadcast %sub3A_492 : vector<256x1xi32> to vector<256x1792xi32>
    %eq3A_495 = arith.cmpi eq, %iota3A_493, %eq3A_494 : vector<256x1792xi32>
    %jit3A_496 = arith.constant 1.000000e+00 : f32
    %jit3A_497 = arith.constant 0.000000e+00 : f32
    %broadcast_in_dim3A_498 = vector.broadcast %jit3A_496 : f32 to vector<256x1792xf32>
    %broadcast_in_dim3A_499 = vector.broadcast %jit3A_497 : f32 to vector<256x1792xf32>
    %select_n3A_500 = arith.select %eq3A_495, %broadcast_in_dim3A_498, %broadcast_in_dim3A_499 : vector<256x1792xi1>, vector<256x1792xf32>
    %slice3A_501 = vector.extract_strided_slice %mul3A_12 {offsets = [0, 0], sizes = [1792, 256], strides = [1, 1]} : vector<2048x256xf32> to vector<1792x256xf32>
    %dot_general3A_502 = arith.constant dense<0.000000e+00> : vector<256x256xf32>
    %dot_general3A_503 = tpu.matmul %select_n3A_500, %slice3A_501, %dot_general3A_502 {dimension_numbers = #tpu.dot_dimension_numbers<[1], [0], [0], [1], [0, 0, 1, 1], [], []>, transpose_lhs_hint = false} : vector<256x1792xf32>, vector<1792x256xf32>, vector<256x256xf32> -> vector<256x256xf32>
    %get3A_504 = arith.constant 0 : index
    %get3A_505 = arith.constant 0 : index
    %get3A_506 = arith.constant 0 : index
    %get3A_507 = vector.load %arg3[%get3A_504, %get3A_505, %get3A_506] : memref<1x2048x256xf32, #tpu.memory_space<vmem>>, vector<1x1792x256xf32>
    %get3A_508 = vector.shape_cast %get3A_507 : vector<1x1792x256xf32> to vector<1792x256xf32>
    %dot_general3A_509 = arith.constant dense<0.000000e+00> : vector<256x256xf32>
    %dot_general3A_510 = tpu.matmul %select_n3A_500, %get3A_508, %dot_general3A_509 {dimension_numbers = #tpu.dot_dimension_numbers<[1], [0], [0], [1], [0, 0, 1, 1], [], []>, transpose_lhs_hint = false} : vector<256x1792xf32>, vector<1792x256xf32>, vector<256x256xf32> -> vector<256x256xf32>
    %concatenate3A_511 = tpu.concatenate %dot_general3A_503, %dot_general3A_510 in 1 : vector<256x256xf32>, vector<256x256xf32> -> vector<256x512xf32>
    %sub3A_512 = vector.broadcast %get3A_473 : vector<256x1xf32> to vector<256x256xf32>
    %sub3A_513 = vector.broadcast %get3A_478 : vector<1x256xf32> to vector<256x256xf32>
    %sub3A_514 = arith.subf %sub3A_512, %sub3A_513 : vector<256x256xf32>
    %exp3A_515 = math.exp %sub3A_514 : vector<256x256xf32>
    %mul3A_516 = vector.broadcast %get3A_483 : vector<1x256xf32> to vector<256x256xf32>
    %mul3A_517 = arith.mulf %mul3A_516, %exp3A_515 : vector<256x256xf32>
    %jit3A_518 = arith.constant 0.000000e+00 : f32
    %broadcast_in_dim3A_519 = vector.broadcast %jit3A_518 : f32 to vector<256x256xf32>
    %select_n3A_520 = arith.select %ge3A, %mul3A_517, %broadcast_in_dim3A_519 : vector<256x256xi1>, vector<256x256xf32>
    %dot_general3A_521 = arith.constant dense<0.000000e+00> : vector<256x512xf32>
    %dot_general3A_522 = tpu.matmul %select_n3A_520, %concatenate3A_511, %dot_general3A_521 {dimension_numbers = #tpu.dot_dimension_numbers<[1], [0], [0], [1], [0, 0, 1, 1], [], []>, transpose_lhs_hint = false} : vector<256x256xf32>, vector<256x512xf32>, vector<256x512xf32> -> vector<256x512xf32>
    %sub3A_523 = vector.broadcast %slice3A_468 : vector<1x1xf32> to vector<256x1xf32>
    %sub3A_524 = arith.subf %get3A_473, %sub3A_523 : vector<256x1xf32>
    %exp3A_525 = math.exp %sub3A_524 : vector<256x1xf32>
    %mul3A_526 = vector.broadcast %exp3A_525 : vector<256x1xf32> to vector<256x512xf32>
    %mul3A_527 = vector.broadcast %slice3A_467 : vector<1x512xf32> to vector<256x512xf32>
    %mul3A_528 = arith.mulf %mul3A_526, %mul3A_527 : vector<256x512xf32>
    %add3A_529 = arith.addf %dot_general3A_522, %mul3A_528 : vector<256x512xf32>
    %slice3A_530 = vector.extract_strided_slice %add3A_529 {offsets = [0, 0], sizes = [256, 256], strides = [1, 1]} : vector<256x512xf32> to vector<256x256xf32>
    %get3A_531 = arith.constant 0 : index
    %get3A_532 = arith.constant 0 : index
    %get3A_533 = vector.load %arg8[%get3A_531, %get3A_532] : memref<1x1xf32, #tpu.memory_space<vmem>>, vector<1x1xf32>
    %slice3A_534 = vector.extract_strided_slice %add3A_529 {offsets = [0, 256], sizes = [256, 256], strides = [1, 1]} : vector<256x512xf32> to vector<256x256xf32>
    %mul3A_535 = vector.broadcast %get3A_533 : vector<1x1xf32> to vector<256x256xf32>
    %mul3A_536 = arith.mulf %mul3A_535, %slice3A_534 : vector<256x256xf32>
    %add3A_537 = arith.addf %slice3A_530, %mul3A_536 : vector<256x256xf32>
    %swap3A_538 = arith.constant 0 : index
    %swap3A_539 = arith.constant 1536 : index
    %swap3A_540 = arith.constant 0 : index
    %swap3A_541 = vector.load %arg9[%swap3A_538, %swap3A_539, %swap3A_540] : memref<1x2048x256xf32, #tpu.memory_space<vmem>>, vector<1x256x256xf32>
    %swap3A_542 = vector.shape_cast %swap3A_541 : vector<1x256x256xf32> to vector<256x256xf32>
    %swap3A_543 = vector.shape_cast %add3A_537 : vector<256x256xf32> to vector<1x256x256xf32>
    tpu.vector_store %arg9[%swap3A_538, %swap3A_539, %swap3A_540], %swap3A_543 {strides = array<i32>} : memref<1x2048x256xf32, #tpu.memory_space<vmem>>, vector<1x256x256xf32>,
    %slice3A_544 = vector.extract_strided_slice %add3A_529 {offsets = [255, 0], sizes = [1, 512], strides = [1, 1]} : vector<256x512xf32> to vector<1x512xf32>
    %slice3A_545 = vector.extract_strided_slice %get3A_473 {offsets = [255, 0], sizes = [1, 1], strides = [1, 1]} : vector<256x1xf32> to vector<1x1xf32>
    %get3A_546 = arith.constant 0 : index
    %get3A_547 = arith.constant 1792 : index
    %get3A_548 = arith.constant 0 : index
    %get3A_549 = vector.load %arg6[%get3A_546, %get3A_547, %get3A_548] : memref<1x2048x1xf32, #tpu.memory_space<vmem>>, vector<1x256x1xf32>
    %get3A_550 = vector.shape_cast %get3A_549 : vector<1x256x1xf32> to vector<256x1xf32>
    %get3A_551 = arith.constant 0 : index
    %get3A_552 = arith.constant 0 : index
    %get3A_553 = arith.constant 1792 : index
    %get3A_554 = vector.load %arg7[%get3A_551, %get3A_552, %get3A_553] : memref<1x1x2048xf32, #tpu.memory_space<vmem>>, vector<1x1x256xf32>
    %get3A_555 = vector.shape_cast %get3A_554 : vector<1x1x256xf32> to vector<1x256xf32>
    %get3A_556 = arith.constant 0 : index
    %get3A_557 = arith.constant 0 : index
    %get3A_558 = arith.constant 1792 : index
    %get3A_559 = vector.load %arg5[%get3A_556, %get3A_557, %get3A_558] : memref<1x1x2048xf32, #tpu.memory_space<vmem>>, vector<1x1x256xf32>
    %get3A_560 = vector.shape_cast %get3A_559 : vector<1x1x256xf32> to vector<1x256xf32>
    %get3A_561 = arith.constant 0 : index
    %get3A_562 = arith.constant 1792 : index
    %get3A_563 = arith.constant 0 : index
    %get3A_564 = vector.load %arg4[%get3A_561, %get3A_562, %get3A_563] : memref<1x2048x1xi32, #tpu.memory_space<vmem>>, vector<1x256x1xi32>
    %get3A_565 = vector.shape_cast %get3A_564 : vector<1x256x1xi32> to vector<256x1xi32>
    %mul3A_566 = arith.constant 2048 : i32
    %mul3A_567 = arith.muli %arg0, %mul3A_566 : i32
    %sub3A_568 = vector.broadcast %mul3A_567 : i32 to vector<256x1xi32>
    %sub3A_569 = arith.subi %get3A_565, %sub3A_568 : vector<256x1xi32>
    %iota3A_570 = tpu.iota {dimensions = array<i32: 1>} : vector<256x2048xi32>
    %eq3A_571 = vector.broadcast %sub3A_569 : vector<256x1xi32> to vector<256x2048xi32>
    %eq3A_572 = arith.cmpi eq, %iota3A_570, %eq3A_571 : vector<256x2048xi32>
    %jit3A_573 = arith.constant 1.000000e+00 : f32
    %jit3A_574 = arith.constant 0.000000e+00 : f32
    %broadcast_in_dim3A_575 = vector.broadcast %jit3A_573 : f32 to vector<256x2048xf32>
    %broadcast_in_dim3A_576 = vector.broadcast %jit3A_574 : f32 to vector<256x2048xf32>
    %select_n3A_577 = arith.select %eq3A_572, %broadcast_in_dim3A_575, %broadcast_in_dim3A_576 : vector<256x2048xi1>, vector<256x2048xf32>
    %dot_general3A_578 = arith.constant dense<0.000000e+00> : vector<256x256xf32>
    %dot_general3A_579 = tpu.matmul %select_n3A_577, %mul3A_12, %dot_general3A_578 {dimension_numbers = #tpu.dot_dimension_numbers<[1], [0], [0], [1], [0, 0, 1, 1], [], []>, transpose_lhs_hint = false} : vector<256x2048xf32>, vector<2048x256xf32>, vector<256x256xf32> -> vector<256x256xf32>
    %get3A_580 = arith.constant 0 : index
    %get3A_581 = arith.constant 0 : index
    %get3A_582 = arith.constant 0 : index
    %get3A_583 = vector.load %arg3[%get3A_580, %get3A_581, %get3A_582] : memref<1x2048x256xf32, #tpu.memory_space<vmem>>, vector<1x2048x256xf32>
    %get3A_584 = vector.shape_cast %get3A_583 : vector<1x2048x256xf32> to vector<2048x256xf32>
    %dot_general3A_585 = arith.constant dense<0.000000e+00> : vector<256x256xf32>
    %dot_general3A_586 = tpu.matmul %select_n3A_577, %get3A_584, %dot_general3A_585 {dimension_numbers = #tpu.dot_dimension_numbers<[1], [0], [0], [1], [0, 0, 1, 1], [], []>, transpose_lhs_hint = false} : vector<256x2048xf32>, vector<2048x256xf32>, vector<256x256xf32> -> vector<256x256xf32>
    %concatenate3A_587 = tpu.concatenate %dot_general3A_579, %dot_general3A_586 in 1 : vector<256x256xf32>, vector<256x256xf32> -> vector<256x512xf32>
    %sub3A_588 = vector.broadcast %get3A_550 : vector<256x1xf32> to vector<256x256xf32>
    %sub3A_589 = vector.broadcast %get3A_555 : vector<1x256xf32> to vector<256x256xf32>
    %sub3A_590 = arith.subf %sub3A_588, %sub3A_589 : vector<256x256xf32>
    %exp3A_591 = math.exp %sub3A_590 : vector<256x256xf32>
    %mul3A_592 = vector.broadcast %get3A_560 : vector<1x256xf32> to vector<256x256xf32>
    %mul3A_593 = arith.mulf %mul3A_592, %exp3A_591 : vector<256x256xf32>
    %jit3A_594 = arith.constant 0.000000e+00 : f32
    %broadcast_in_dim3A_595 = vector.broadcast %jit3A_594 : f32 to vector<256x256xf32>
    %select_n3A_596 = arith.select %ge3A, %mul3A_593, %broadcast_in_dim3A_595 : vector<256x256xi1>, vector<256x256xf32>
    %dot_general3A_597 = arith.constant dense<0.000000e+00> : vector<256x512xf32>
    %dot_general3A_598 = tpu.matmul %select_n3A_596, %concatenate3A_587, %dot_general3A_597 {dimension_numbers = #tpu.dot_dimension_numbers<[1], [0], [0], [1], [0, 0, 1, 1], [], []>, transpose_lhs_hint = false} : vector<256x256xf32>, vector<256x512xf32>, vector<256x512xf32> -> vector<256x512xf32>
    %sub3A_599 = vector.broadcast %slice3A_545 : vector<1x1xf32> to vector<256x1xf32>
    %sub3A_600 = arith.subf %get3A_550, %sub3A_599 : vector<256x1xf32>
    %exp3A_601 = math.exp %sub3A_600 : vector<256x1xf32>
    %mul3A_602 = vector.broadcast %exp3A_601 : vector<256x1xf32> to vector<256x512xf32>
    %mul3A_603 = vector.broadcast %slice3A_544 : vector<1x512xf32> to vector<256x512xf32>
    %mul3A_604 = arith.mulf %mul3A_602, %mul3A_603 : vector<256x512xf32>
    %add3A_605 = arith.addf %dot_general3A_598, %mul3A_604 : vector<256x512xf32>
    %slice3A_606 = vector.extract_strided_slice %add3A_605 {offsets = [0, 0], sizes = [256, 256], strides = [1, 1]} : vector<256x512xf32> to vector<256x256xf32>
    %get3A_607 = arith.constant 0 : index
    %get3A_608 = arith.constant 0 : index
    %get3A_609 = vector.load %arg8[%get3A_607, %get3A_608] : memref<1x1xf32, #tpu.memory_space<vmem>>, vector<1x1xf32>
    %slice3A_610 = vector.extract_strided_slice %add3A_605 {offsets = [0, 256], sizes = [256, 256], strides = [1, 1]} : vector<256x512xf32> to vector<256x256xf32>
    %mul3A_611 = vector.broadcast %get3A_609 : vector<1x1xf32> to vector<256x256xf32>
    %mul3A_612 = arith.mulf %mul3A_611, %slice3A_610 : vector<256x256xf32>
    %add3A_613 = arith.addf %slice3A_606, %mul3A_612 : vector<256x256xf32>
    %swap3A_614 = arith.constant 0 : index
    %swap3A_615 = arith.constant 1792 : index
    %swap3A_616 = arith.constant 0 : index
    %swap3A_617 = vector.load %arg9[%swap3A_614, %swap3A_615, %swap3A_616] : memref<1x2048x256xf32, #tpu.memory_space<vmem>>, vector<1x256x256xf32>
    %swap3A_618 = vector.shape_cast %swap3A_617 : vector<1x256x256xf32> to vector<256x256xf32>
    %swap3A_619 = vector.shape_cast %add3A_613 : vector<256x256xf32> to vector<1x256x256xf32>
    tpu.vector_store %arg9[%swap3A_614, %swap3A_615, %swap3A_616], %swap3A_619 {strides = array<i32>} : memref<1x2048x256xf32, #tpu.memory_space<vmem>>, vector<1x256x256xf32>,
    return
  }
  func.func @transform_0(%arg0: i32) -> (i32, i32, i32) {
    %c0_i32 = arith.constant 0 : i32
    %c0_i32_0 = arith.constant 0 : i32
    %c0_i32_1 = arith.constant 0 : i32
    return %arg0, %c0_i32, %c0_i32_0 : i32, i32, i32
  }
  func.func @transform_1(%arg0: i32) -> (i32, i32, i32) {
    %c0_i32 = arith.constant 0 : i32
    %c0_i32_0 = arith.constant 0 : i32
    %c0_i32_1 = arith.constant 0 : i32
    return %arg0, %c0_i32, %c0_i32_0 : i32, i32, i32
  }
  func.func @transform_2(%arg0: i32) -> (i32, i32, i32) {
    %c0_i32 = arith.constant 0 : i32
    %c0_i32_0 = arith.constant 0 : i32
    %c0_i32_1 = arith.constant 0 : i32
    return %arg0, %c0_i32, %c0_i32_0 : i32, i32, i32
  }
  func.func @transform_3(%arg0: i32) -> (i32, i32, i32) {
    %c0_i32 = arith.constant 0 : i32
    %c0_i32_0 = arith.constant 0 : i32
    %c0_i32_1 = arith.constant 0 : i32
    return %arg0, %c0_i32, %c0_i32_0 : i32, i32, i32
  }
  func.func @transform_4(%arg0: i32) -> (i32, i32, i32) {
    %c0_i32 = arith.constant 0 : i32
    %c0_i32_0 = arith.constant 0 : i32
    %c0_i32_1 = arith.constant 0 : i32
    return %arg0, %c0_i32, %c0_i32_0 : i32, i32, i32
  }
  func.func @transform_5(%arg0: i32) -> (i32, i32, i32) {
    %c0_i32 = arith.constant 0 : i32
    %c0_i32_0 = arith.constant 0 : i32
    %c0_i32_1 = arith.constant 0 : i32
    return %arg0, %c0_i32, %c0_i32_0 : i32, i32, i32
  }
  func.func @transform_6(%arg0: i32) -> (i32, i32, i32) {
    %c0_i32 = arith.constant 0 : i32
    %c0_i32_0 = arith.constant 0 : i32
    %c0_i32_1 = arith.constant 0 : i32
    return %arg0, %c0_i32, %c0_i32_0 : i32, i32, i32
  }
  func.func @transform_7(%arg0: i32) -> (i32, i32) {
    %c0_i32 = arith.constant 0 : i32
    %c0_i32_0 = arith.constant 0 : i32
    %c0_i32_1 = arith.constant 0 : i32
    return %c0_i32, %c0_i32_0 : i32, i32
  }
  func.func @transform_8(%arg0: i32) -> (i32, i32, i32) {
    %c0_i32 = arith.constant 0 : i32
    %c0_i32_0 = arith.constant 0 : i32
    %c0_i32_1 = arith.constant 0 : i32
    return %arg0, %c0_i32, %c0_i32_0 : i32, i32, i32
  }
}

</mosaic_0001>

<sc_bundles>
// kernel: kernel.10.cloned.1.call-start
scs
__scs_entry_jumppad:
0x0: {  	(pc) =	sbr.rel $0x88, $3  }
0x1: {  	(tag) =	ssettag $0x0;
	lr =	simm.s32 $0x1  }
0x2: {  	[smem:$0x3F96] =	sst lr;
	_ =	strace $0xD0000000  }
0x3: {  	_ = 	snop  }
0x4: {  	_ = 	snop  }
0x5: {  	_ = 	snop  }
0x6: {  	_ = 	snop  }
0x7: {  	_ = 	snop  }
__scs_overlays_trampoline_lowered:
0x8: {  	[smem:$0x3FA5] =	sst s0  }
0x9: {  	[smem:$0x3FA6] =	sst s1  }
0xa: {  	[smem:$0x3FA7] =	sst s2  }
0xb: {  	[smem:$0x3FA8] =	sst s3  }
0xc: {  	[smem:$0x3FA9] =	sst s4  }
0xd: {  	[smem:$0x3FAA] =	sst s5  }
0xe: {  	[smem:$0x3FAB] =	sst s6  }
0xf: {  	[smem:$0x3FAC] =	sst s7  }
0x10: {  	[smem:$0x3FAD] =	sst s8  }
0x11: {  	[smem:$0x3FAE] =	sst s9;
	s0 =	simm.s32 @!p0 $0x0  }
0x12: {  	s1 =	sld [smem:$0x3F94];
	s0 =	simm.s32 @p0 $0x1  }
0x13: {  	[smem:$0x3FAF] =	sst s0;
	s0 =	simm.s32 @!p1 $0x0  }
0x14: {  	s2 =	sld [smem:$0x3F93];
	s0 =	simm.s32 @p1 $0x1  }
0x15: {  	[smem:$0x3FB0] =	sst s0;
	s0 =	simm.s32 @!p2 $0x0  }
0x16: {  	s3 =	sld [smem:$0x3FDB];
	s0 =	simm.s32 @p2 $0x1  }
0x17: {  	s4 =	simm.s32 $0x1BF5;
	[smem:$0x3FB2] =	sst s0  }
0x18: {  	s0 =	sld [smem:$0x3F95];
	_ =	swait.ge [sflag:s4], $0x0  }
0x19: {  	s7 =	sld [smem:$0x3F96]  }
0x1a: {  	s8 =	sadd.s32 $0xFFFFE003, lr  }
0x1b: {  	s9 =	sadd.s32 $0xFFFFFEF7, lr;
	s5 =	simm.s32 $0xFFFFFFFF;
	p2 =	slt.u32 s8, $0xFFFFF086  }
0x1c: {  	p1 =	slt.u32 s9, $0xF7A;
	s5 =	simm.s32 @!p2 $0x0  }
0x1d: {  	s5 =	simm.s32 @p1 $0x1;
	p0 =	seq.s32 s7, s2  }
0x1e: {  	s7 =	smul.u32 @!p0 $0xF7A, s2;
	p2 =	seq.s32 @!p0 s5, $0x0  }
0x1f: {  	s9 =	smul.u32 $0xF7A, s1;
	s8 =	simm.s32 @!p0 $0x1BF5;
	p2 =	por !p2, p0  }
0x20: {  	[sflag:s8] =	ssyncset.s32 @!p0 $0xFFFFF086;
	s6 =	sadd.s32 @!p0 s3, s7;
	s7 =	simm.s32 @!p0 $0x108  }
0x21: {  	s3 =	sadd.s32 s3, s9;
	s6 =	sadd.s32 @!p0 $0x88, s6;
	s7 =	simm.s32 @p2 $0x1082  }
0x22: {  	[simem:s7], [sflag:s8] =	dma.local @!p0 [hbm:s6], $0xF7A  }
0x23: {  	s9 =	sor.u32 $0xD0000000, s2;
	s6 =	simm.s32 $0x108;
	_ =	swait.ge @!p0 [sflag:s8], $0x0  }
0x24: {  	s3 =	sadd.s32 $0x88, s3;
	s6 =	simm.s32 @!p1 $0x1082;
	[sflag:s4] =	ssyncset.s32 $0xFFFFF086  }
0x25: {  	[simem:s6], [sflag:s4] =	dma.local [hbm:s3], $0xF7A  }
0x26: {  	[smem:$0x3F96] =	sst s1;
	(tag) =	ssettag s2;
	_ =	strace s9  }
0x27: {  	s1 =	sld [smem:$0x3FA6]  }
0x28: {  	s2 =	sld [smem:$0x3FA7]  }
0x29: {  	s4 =	sld [smem:$0x3FA9]  }
0x2a: {  	p0 =	seq.s32 s5, $0x0;
	s5 =	sld [smem:$0x3FAA]  }
0x2b: {  	s6 =	sld [smem:$0x3FAB]  }
0x2c: {  	s7 =	sld [smem:$0x3FAC]  }
0x2d: {  	s3 =	simm.s32 $0x108;
	s8 =	sld [smem:$0x3FAD]  }
0x2e: {  	s3 =	simm.s32 @!p0 $0x1082;
	s9 =	sld [smem:$0x3FAE]  }
0x2f: {  	lr =	sadd.s32 s0, s3;
	s0 =	sld [smem:$0x3FA5]  }
0x30: {  	s3 =	sld [smem:$0x3FA8]  }
0x31: {  	[smem:$0x3FB1] =	sst s10  }
0x32: {  	s10 =	sld [smem:$0x3FAF];
	_ =	sdelay $0x3  }
0x33: {  	p0 =	seq.s32 s10, $0x1;
	s10 =	sld [smem:$0x3FB1];
	_ =	sdelay $0x3  }
0x34: {  	[smem:$0x3FB1] =	sst s10  }
0x35: {  	s10 =	sld [smem:$0x3FB0];
	_ =	sdelay $0x3  }
0x36: {  	p1 =	seq.s32 s10, $0x1;
	s10 =	sld [smem:$0x3FB1];
	_ =	sdelay $0x3  }
0x37: {  	[smem:$0x3FB1] =	sst s10  }
0x38: {  	s10 =	sld [smem:$0x3FB2]  }
0x39: {  	_ = 	snop;
	(pc) =	sbr.ind lr, $3  }
0x3a: {  	_ = 	snop  }
0x3b: {  	_ = 	snop  }
0x3c: {  	p2 =	seq.s32 s10, $0x1;
	s10 =	sld [smem:$0x3FB1]  }
0x3d: {  	_ =	shalt  }
0x3e: {  	_ =	shalt  }
0x3f: {  	_ =	shalt  }
0x40: {  	_ =	shalt  }
0x41: {  	_ =	shalt  }
0x42: {  	_ =	shalt  }
0x43: {  	_ =	shalt  }
0x44: {  	_ =	shalt  }
0x45: {  	_ =	shalt  }
0x46: {  	_ =	shalt  }
0x47: {  	_ =	shalt  }
0x48: {  	_ =	shalt  }
0x49: {  	_ =	shalt  }
0x4a: {  	_ =	shalt  }
0x4b: {  	_ =	shalt  }
0x4c: {  	_ =	shalt  }
0x4d: {  	_ =	shalt  }
0x4e: {  	_ =	shalt  }
0x4f: {  	_ =	shalt  }
0x50: {  	_ =	shalt  }
0x51: {  	_ =	shalt  }
0x52: {  	_ =	shalt  }
0x53: {  	_ =	shalt  }
0x54: {  	_ =	shalt  }
0x55: {  	_ =	shalt  }
0x56: {  	_ =	shalt  }
0x57: {  	_ =	shalt  }
0x58: {  	_ =	shalt  }
0x59: {  	_ =	shalt  }
0x5a: {  	_ =	shalt  }
0x5b: {  	_ =	shalt  }
0x5c: {  	_ =	shalt  }
0x5d: {  	_ =	shalt  }
0x5e: {  	_ =	shalt  }
0x5f: {  	_ =	shalt  }
0x60: {  	_ =	shalt  }
0x61: {  	_ =	shalt  }
0x62: {  	_ =	shalt  }
0x63: {  	_ =	shalt  }
0x64: {  	_ =	shalt  }
0x65: {  	_ =	shalt  }
0x66: {  	_ =	shalt  }
0x67: {  	_ =	shalt  }
0x68: {  	_ =	shalt  }
0x69: {  	_ =	shalt  }
0x6a: {  	_ =	shalt  }
0x6b: {  	_ =	shalt  }
0x6c: {  	_ =	shalt  }
0x6d: {  	_ =	shalt  }
0x6e: {  	_ =	shalt  }
0x6f: {  	_ =	shalt  }
0x70: {  	_ =	shalt  }
0x71: {  	_ =	shalt  }
0x72: {  	_ =	shalt  }
0x73: {  	_ =	shalt  }
0x74: {  	_ =	shalt  }
0x75: {  	_ =	shalt  }
0x76: {  	_ =	shalt  }
0x77: {  	_ =	shalt  }
0x78: {  	_ =	shalt  }
0x79: {  	_ =	shalt  }
0x7a: {  	_ =	shalt  }
0x7b: {  	_ =	shalt  }
0x7c: {  	_ =	shalt  }
0x7d: {  	_ =	shalt  }
0x7e: {  	_ =	shalt  }
0x7f: {  	_ =	shalt  }
0x80: {  	_ =	shalt  }
0x81: {  	_ =	shalt  }
0x82: {  	_ =	shalt  }
0x83: {  	_ =	shalt  }
0x84: {  	_ =	shalt  }
0x85: {  	_ =	shalt  }
0x86: {  	_ =	shalt  }
0x87: {  	_ =	shalt  }
.Lfunc_end0:
.L_simem_size_0:
called_computation_lowered:
.L_overlay_start_0:
0x88: {  	s2 =	sld [smem:$0x3FD9]  }
0x89: {  	s3 =	sld [smem:$0x3FFE];
	_ =	sdelay $0x1  }
0x8a: {  	s1 =	srdreg.scid  }
0x8b: {  	s0 =	sand.u32 $0x1, s1  }
0x8c: {  	s17 =	sshll.u32 s0, $0xA;
	s2 =	sadd.s32 s3, s2  }
0x8d: {  	s2 =	sadd.s32 s2, s17  }
0x8e: {  	[smem:$0x3FBD] =	sst s2  }
0x8f: {  	_ = 	snop  }
0x90: {  	s2 =	sld [smem:$0x3FD0];
	(tm) =	ssettm $0x1  }
0x91: {  	s18 =	sld [smem:$0x3FFB];
	_ =	sdelay $0x3  }
0x92: {  	_ =	strace s18  }
0x93: {  	s3 =	sld [smem:$0x3FFC];
	_ =	sdelay $0x3  }
0x94: {  	_ =	strace s3  }
0x95: {  	s3 =	sld [smem:$0x3FFD];
	_ =	sdelay $0x3  }
0x96: {  	_ =	strace s3  }
0x97: {  	_ =	strace $0x8FFFFFFF  }
0x98: {  	s19 =	sld [smem:$0x3FDB];
	_ =	sdelay $0x1  }
0x99: {  	s4 =	simm.s32 $_scs_section_size  }
0x9a: {  	s5 =	simm.s32 $_size__tile_overlayer_lowered;
	s6 =	simm.s32 $_tile_overlayer_lowered  }
0x9b: {  	s22 =	simm.s32 $0x1BFF;
	s21 =	sshll.u32 s6, $0x1;
	s3 =	sadd.s32 s4, s19  }
0x9c: {  	s7 =	simm.s32 $0x0;
	s20 =	sshll.u32 s5, $0x1;
	s5 =	sadd.s32 s21, s3  }
0x9d: {  	[timem:s7], [sflag:s22] =	dma.local [hbm:s5], s20  }
0x9e: {  	_ =	swait.ge [sflag:s22], s20  }
0x9f: {  	s4 =	ssub.s32 $0x0, s20;
	[sflag:s22] =	ssyncset.done $0x0  }
0xa0: {  	[sflag:s22] =	ssyncadd.s32 s4;
	_ =	sdelay $0x1  }
0xa1: {  	s23 =	simm.s32 $0x1B8B  }
0xa2: {  	_ =	swait.ge [sflag:s23], $0x1  }
0xa3: {  	[sflag:s23] =	ssyncset.done $0x0  }
0xa4: {  	s25 =	simm.s32 $0x1B8E;
	s24 =	sld [smem:$0x3FFE];
	[sflag:s23] =	ssyncadd.s32 $0xFFFFFFFF  }
0xa5: {  	s26 =	simm.s32 $execute0_lowered;
	[smem:$0x3FD2] =	sst s25  }
0xa6: {  	s5 =	sshll.u32 s26, $0x1;
	_ =	strace $0x80000046;
	[dreg:$0x1] =	wrdreg $0xFFFFFFFF  }
0xa7: {  	s28 =	simm.s32 $_size_execute0_lowered;
	s3 =	sadd.s32 s3, s5;
	[dreg:$0x0] =	wrdreg $0x0  }
0xa8: {  	s5 =	sshll.u32 s28, $0x1;
	[dreg:$0x2] =	wrdreg s3  }
0xa9: {  	[dreg:$0x3] =	wrdreg s5  }
0xaa: {  	[dreg:$0x4] =	wrdreg $0xC0  }
0xab: {  	_ =	task [dreg:s7], $0x5FFFF  }
0xac: {  	[dreg:$0x1] =	wrdreg $0xFFFFFFFF  }
0xad: {  	[dreg:$0x0] =	wrdreg $0x60  }
0xae: {  	[dreg:$0x2] =	wrdreg s24  }
0xaf: {  	[dreg:$0x3] =	wrdreg s2  }
0xb0: {  	[dreg:$0x4] =	wrdreg $0x9  }
0xb1: {  	_ =	task.clear_ibuf [dreg:s7], $0x5FFFF;
	_ =	strace $0x90000046  }
0xb2: {  	s29 =	simm.s32 $0x9;
	_ =	strace $0x80000048  }
0xb3: {  	_ =	swait.ge [sflag:s29], $0x1  }
0xb4: {  	[sflag:s29] =	ssyncadd.s32 $0xFFFFFFFF  }
0xb5: {  	_ =	strace $0x90000048  }
0xb6: {  	_ =	sfence  }
0xb7: {  	s30 =	sld [smem:$0x0];
	_ =	sdelay $0x2  }
0xb8: {  	s31 =	sshll.u32 s1, $0xD;
	s1 =	sshrl.u32 s1, $0x2  }
0xb9: {  	s3 =	sand.u32 $0x4000, s31;
	s1 =	sadd.s32 s1, s30  }
0xba: {  	s0 =	sor.u32 s3, s0;
	s1 =	sshll.u32 s1, $0x11  }
0xbb: {  	s0 =	sor.u32 s1, s0  }
0xbc: {  	s0 =	sadd.s32 $0x8F2B, s0  }
0xbd: {  	[sflag:s0] =	ssyncadd.remote.s32 $0x1  }
0xbe: {  	_ =	sfence.sel $0xFFFF  }
0xbf: {  	[dreg:$0x0] =	wrdreg $0xFFFFFFFF;
	(pc) =	sbr.abs _section_cstart, $3  }
0xc0: {  	[dreg:$0x1] =	wrdreg $0xFFFFFFFF  }
0xc1: {  	_ =	task.clear_ibuf [dreg:s7], $0x2FFFF;
	_ =	strace $0x9FFFFFFF  }
0xc2: {  	(tm) =	ssettm $0x7FFFFFFF  }
0xc3: {  	_ =	shalt  }
tec
execute0_lowered:
.L_overlay_start_1:
0x0: {  	(tag) =	ssettag $0x1  }
0x1: {  	s1 =	srdreg.scid;
	s3 =	rddreg [dreg:$0x0]  }
0x2: {  	s0 =	stileid.u32;
	s4 =	rddreg [dreg:$0x1];
	s2 =	simm.s32 $0x0  }
0x3: {  	s19 =	simm.s32 $0x900;
	s20 =	simm.s32 $0x1100;
	s21 =	simm.s32 $0x1900  }
0x4: {  	s23 =	simm.s32 $0x2100;
	s24 =	simm.s32 $0x2900;
	s25 =	simm.s32 $0x3100  }
0x5: {  	s26 =	simm.s32 $0x3900;
	s8 =	simm.s32 $0x4900;
	s9 =	simm.s32 $0x5100  }
0x6: {  	s10 =	simm.s32 $0x5900;
	s11 =	simm.s32 $0x6100;
	s12 =	simm.s32 $0x6900  }
0x7: {  	s13 =	simm.s32 $0x7100;
	s14 =	simm.s32 $0x7900;
	[smem:$0x7FF] =	sst s2  }
0x8: {  	s15 =	simm.s32 $0x1;
	_ =	strace $0x80000047;
	[dreg:$0x5] =	wrdreg s19  }
0x9: {  	s16 =	simm.s32 $0x8100;
	s17 =	simm.s32 $0x8900;
	[dreg:$0x6] =	wrdreg s20  }
0xa: {  	s28 =	simm.s32 $0xD900;
	s29 =	simm.s32 $0xE100;
	[dreg:$0x7] =	wrdreg s21  }
0xb: {  	s30 =	simm.s32 $0xE900;
	s31 =	simm.s32 $0xF100;
	[dreg:$0x8] =	wrdreg s23  }
0xc: {  	s1 =	sand.u32 $0x1, s1;
	s5 =	sshll.u32 s0, $0x9;
	[dreg:$0x9] =	wrdreg s24  }
0xd: {  	s6 =	sshll.u32 s1, $0x8;
	s1 =	ssub.s32 $0x2, s1;
	[dreg:$0xa] =	wrdreg s25  }
0xe: {  	[dreg:$0xb] =	wrdreg s26;
	s19 =	simm.s32 $0x9900;
	s20 =	simm.s32 $0xA100  }
0xf: {  	s21 =	simm.s32 $0xA900;
	s23 =	simm.s32 $0xB900;
	s24 =	simm.s32 $0xC100  }
0x10: {  	s25 =	simm.s32 $0xC900;
	s26 =	simm.s32 $0xD100;
	s5 =	sor.u32 s6, s5  }
0x11: {  	s22 =	sshrl.u32 s1, $0x1;
	s6 =	sshrl.u32 s5, $0x3;
	s5 =	sshll.u32 s5, $0x5  }
0x12: {  	s1 =	ssub.s32 s1, s22;
	s22 =	simm.s32 $0xB100;
	s4 =	sadd.s32 s4, s6  }
0x13: {  	v2 =	vlaneseq.u32;
	s18 =	sadd.s32 s3, s5;
	s3 =	sadd.s32 $0x40000, s3;
	[dreg:$0x3] =	wrdreg s4  }
0x14: {  	vm0 =	vmmov $0xffff;
	v1 =	vshrl.u32 v2, $0x3;
	s5 =	simm.s32 $0x2;
	s6 =	simm.s32 $0x100;
	[dreg:$0x4] =	wrdreg s18  }
0x15: {  	v0 =	vand.u32 $0x7, v2;
	v2 =	vor.u32 $0x8, v2;
	v1 =	vmul.u32 $0x8, v1;
	s4 =	smax.u32 s1, $0x1;
	s18 =	simm.s32 $0x9100;
	s1 =	simm.s32 $0xF900  }
.LBB2_1:
0x16: {  	s0 =	rddreg [dreg:$0x3]  }
0x17: {  	[tilespmem:s2], [sflag:$0x2] =	stream.linear.gather [hbm4b:s0+s2], $0x100, $0x38;
	[tilespmem:$0x10100] =	vst v63  }
0x18: {  	_ =	swait.ge [sflag:s5], $0x100  }
0x19: {  	[sflag:s5] =	ssyncset.done $0x0  }
0x1a: {  	s7 =	rddreg [dreg:$0x4];
	[sflag:s5] =	ssyncadd.s32 $0xFFFFFF00  }
0x1b: {  	[tilespmem:s6], [sflag:$0x2] =	stream.linear.gather [hbm4b:s7+s2], $0x10000, $0x38;
	[tilespmem:$0x10100] =	vst v63  }
0x1c: {  	_ =	swait.ge [sflag:s5], $0x10000  }
0x1d: {  	[sflag:s5] =	ssyncset.done $0x0  }
0x1e: {  	[sflag:s5] =	ssyncadd.s32 $0xFFFF0000  }
0x1f: {  	v3 =	vld [tilespmem:$0x0];
	_ =	sdelay $0x4  }
0x20: {  	v4 =	vshll.u32 v3, $0x1  }
0x21: {  	v3 =	vand.u32 $0x7, v3;
	v4 =	vand.u32 $0xFFFFFFF0, v4  }
0x22: {  	v3 =	vor.u32 v3, v4  }
0x23: {  	v4 =	vperm.xlane v3, v0;
	_ =	sdelay $0x1  }
0x24: {  	v3 =	vperm.xlane v3, v2;
	v4 =	vadd.s32 v1, v4;
	_ =	sdelay $0x1  }
0x25: {  	v3 =	vadd.s32 v1, v3;
	_ =	sdelay $0x2  }
0x26: {  	[hbm4b:s3+s2] =	stream.indirect_vreg.scatter [tilespmem:s6], [sflag:$0x1], $0x80, v4, vm0, $0xb8;
	[tilespmem:$0x10100] =	vst v63  }
0x27: {  	s7 =	rddreg [dreg:$0x5]  }
0x28: {  	[hbm4b:s3+s2] =	stream.indirect_vreg.scatter [tilespmem:s7], [sflag:$0x1], $0x80, v3, vm0, $0xb8;
	[tilespmem:$0x10100] =	vst v63  }
0x29: {  	v3 =	vld [tilespmem:$0x10];
	_ =	sdelay $0x4  }
0x2a: {  	v49 =	vshll.u32 v3, $0x1  }
0x2b: {  	v3 =	vand.u32 $0x7, v3;
	v4 =	vand.u32 $0xFFFFFFF0, v49  }
0x2c: {  	v3 =	vor.u32 v3, v4  }
0x2d: {  	v4 =	vperm.xlane v3, v0;
	_ =	sdelay $0x1  }
0x2e: {  	v3 =	vperm.xlane v3, v2;
	v4 =	vadd.s32 v1, v4;
	_ =	sdelay $0x1  }
0x2f: {  	v3 =	vadd.s32 v1, v3;
	_ =	sdelay $0x1  }
0x30: {  	s0 =	rddreg [dreg:$0x6]  }
0x31: {  	[hbm4b:s3+s2] =	stream.indirect_vreg.scatter [tilespmem:s0], [sflag:$0x1], $0x80, v4, vm0, $0xb8;
	[tilespmem:$0x10100] =	vst v63  }
0x32: {  	s7 =	rddreg [dreg:$0x7]  }
0x33: {  	[hbm4b:s3+s2] =	stream.indirect_vreg.scatter [tilespmem:s7], [sflag:$0x1], $0x80, v3, vm0, $0xb8;
	[tilespmem:$0x10100] =	vst v63  }
0x34: {  	v3 =	vld [tilespmem:$0x20];
	_ =	sdelay $0x4  }
0x35: {  	v50 =	vshll.u32 v3, $0x1  }
0x36: {  	v3 =	vand.u32 $0x7, v3;
	v4 =	vand.u32 $0xFFFFFFF0, v50  }
0x37: {  	v3 =	vor.u32 v3, v4  }
0x38: {  	v4 =	vperm.xlane v3, v0;
	_ =	sdelay $0x1  }
0x39: {  	v3 =	vperm.xlane v3, v2;
	v4 =	vadd.s32 v1, v4;
	_ =	sdelay $0x1  }
0x3a: {  	v3 =	vadd.s32 v1, v3;
	_ =	sdelay $0x1  }
0x3b: {  	s0 =	rddreg [dreg:$0x8]  }
0x3c: {  	[hbm4b:s3+s2] =	stream.indirect_vreg.scatter [tilespmem:s0], [sflag:$0x1], $0x80, v4, vm0, $0xb8;
	[tilespmem:$0x10100] =	vst v63  }
0x3d: {  	s7 =	rddreg [dreg:$0x9]  }
0x3e: {  	[hbm4b:s3+s2] =	stream.indirect_vreg.scatter [tilespmem:s7], [sflag:$0x1], $0x80, v3, vm0, $0xb8;
	[tilespmem:$0x10100] =	vst v63  }
0x3f: {  	v3 =	vld [tilespmem:$0x30];
	_ =	sdelay $0x4  }
0x40: {  	v51 =	vshll.u32 v3, $0x1  }
0x41: {  	v3 =	vand.u32 $0x7, v3;
	v4 =	vand.u32 $0xFFFFFFF0, v51  }
0x42: {  	v3 =	vor.u32 v3, v4  }
0x43: {  	v4 =	vperm.xlane v3, v0;
	_ =	sdelay $0x1  }
0x44: {  	v3 =	vperm.xlane v3, v2;
	v4 =	vadd.s32 v1, v4;
	_ =	sdelay $0x1  }
0x45: {  	v3 =	vadd.s32 v1, v3;
	_ =	sdelay $0x1  }
0x46: {  	s0 =	rddreg [dreg:$0xa]  }
0x47: {  	[hbm4b:s3+s2] =	stream.indirect_vreg.scatter [tilespmem:s0], [sflag:$0x1], $0x80, v4, vm0, $0xb8;
	[tilespmem:$0x10100] =	vst v63  }
0x48: {  	s7 =	rddreg [dreg:$0xb]  }
0x49: {  	[hbm4b:s3+s2] =	stream.indirect_vreg.scatter [tilespmem:s7], [sflag:$0x1], $0x80, v3, vm0, $0xb8;
	[tilespmem:$0x10100] =	vst v63  }
0x4a: {  	v3 =	vld [tilespmem:$0x40];
	_ =	sdelay $0x4  }
0x4b: {  	v52 =	vshll.u32 v3, $0x1  }
0x4c: {  	v3 =	vand.u32 $0x7, v3;
	v4 =	vand.u32 $0xFFFFFFF0, v52  }
0x4d: {  	v3 =	vor.u32 v3, v4  }
0x4e: {  	v4 =	vperm.xlane v3, v0;
	_ =	sdelay $0x1  }
0x4f: {  	v3 =	vperm.xlane v3, v2;
	v4 =	vadd.s32 v1, v4;
	_ =	sdelay $0x1  }
0x50: {  	v3 =	vadd.s32 v1, v3;
	_ =	sdelay $0x1  }
0x51: {  	s7 =	simm.s32 $0x4100  }
0x52: {  	[hbm4b:s3+s2] =	stream.indirect_vreg.scatter [tilespmem:s7], [sflag:$0x1], $0x80, v4, vm0, $0xb8;
	[tilespmem:$0x10100] =	vst v63  }
0x53: {  	_ = 	snop  }
0x54: {  	[hbm4b:s3+s2] =	stream.indirect_vreg.scatter [tilespmem:s8], [sflag:$0x1], $0x80, v3, vm0, $0xb8;
	[tilespmem:$0x10100] =	vst v63  }
0x55: {  	v3 =	vld [tilespmem:$0x50];
	_ =	sdelay $0x4  }
0x56: {  	v53 =	vshll.u32 v3, $0x1  }
0x57: {  	v3 =	vand.u32 $0x7, v3;
	v4 =	vand.u32 $0xFFFFFFF0, v53  }
0x58: {  	v3 =	vor.u32 v3, v4  }
0x59: {  	v4 =	vperm.xlane v3, v0;
	_ =	sdelay $0x1  }
0x5a: {  	v3 =	vperm.xlane v3, v2;
	v4 =	vadd.s32 v1, v4;
	_ =	sdelay $0x1  }
0x5b: {  	v3 =	vadd.s32 v1, v3;
	_ =	sdelay $0x2  }
0x5c: {  	[hbm4b:s3+s2] =	stream.indirect_vreg.scatter [tilespmem:s9], [sflag:$0x1], $0x80, v4, vm0, $0xb8;
	[tilespmem:$0x10100] =	vst v63  }
0x5d: {  	_ = 	snop  }
0x5e: {  	[hbm4b:s3+s2] =	stream.indirect_vreg.scatter [tilespmem:s10], [sflag:$0x1], $0x80, v3, vm0, $0xb8;
	[tilespmem:$0x10100] =	vst v63  }
0x5f: {  	v3 =	vld [tilespmem:$0x60];
	_ =	sdelay $0x4  }
0x60: {  	v54 =	vshll.u32 v3, $0x1  }
0x61: {  	v3 =	vand.u32 $0x7, v3;
	v4 =	vand.u32 $0xFFFFFFF0, v54  }
0x62: {  	v3 =	vor.u32 v3, v4  }
0x63: {  	v4 =	vperm.xlane v3, v0;
	_ =	sdelay $0x1  }
0x64: {  	v3 =	vperm.xlane v3, v2;
	v4 =	vadd.s32 v1, v4;
	_ =	sdelay $0x1  }
0x65: {  	v3 =	vadd.s32 v1, v3;
	_ =	sdelay $0x2  }
0x66: {  	[hbm4b:s3+s2] =	stream.indirect_vreg.scatter [tilespmem:s11], [sflag:$0x1], $0x80, v4, vm0, $0xb8;
	[tilespmem:$0x10100] =	vst v63  }
0x67: {  	_ = 	snop  }
0x68: {  	[hbm4b:s3+s2] =	stream.indirect_vreg.scatter [tilespmem:s12], [sflag:$0x1], $0x80, v3, vm0, $0xb8;
	[tilespmem:$0x10100] =	vst v63  }
0x69: {  	v3 =	vld [tilespmem:$0x70];
	_ =	sdelay $0x4  }
0x6a: {  	v55 =	vshll.u32 v3, $0x1  }
0x6b: {  	v3 =	vand.u32 $0x7, v3;
	v4 =	vand.u32 $0xFFFFFFF0, v55  }
0x6c: {  	v3 =	vor.u32 v3, v4  }
0x6d: {  	v4 =	vperm.xlane v3, v0;
	_ =	sdelay $0x1  }
0x6e: {  	v3 =	vperm.xlane v3, v2;
	v4 =	vadd.s32 v1, v4;
	_ =	sdelay $0x1  }
0x6f: {  	v3 =	vadd.s32 v1, v3;
	_ =	sdelay $0x2  }
0x70: {  	[hbm4b:s3+s2] =	stream.indirect_vreg.scatter [tilespmem:s13], [sflag:$0x1], $0x80, v4, vm0, $0xb8;
	[tilespmem:$0x10100] =	vst v63  }
0x71: {  	_ = 	snop  }
0x72: {  	[hbm4b:s3+s2] =	stream.indirect_vreg.scatter [tilespmem:s14], [sflag:$0x1], $0x80, v3, vm0, $0xb8;
	[tilespmem:$0x10100] =	vst v63  }
0x73: {  	_ =	swait.ge [sflag:s15], $0x8000  }
0x74: {  	[sflag:s15] =	ssyncset.done $0x0  }
0x75: {  	[sflag:s15] =	ssyncadd.s32 $0xFFFF8000  }
0x76: {  	v3 =	vld [tilespmem:$0x80];
	_ =	sdelay $0x4  }
0x77: {  	v56 =	vshll.u32 v3, $0x1  }
0x78: {  	v3 =	vand.u32 $0x7, v3;
	v4 =	vand.u32 $0xFFFFFFF0, v56  }
0x79: {  	v3 =	vor.u32 v3, v4  }
0x7a: {  	v4 =	vperm.xlane v3, v0;
	_ =	sdelay $0x1  }
0x7b: {  	v3 =	vperm.xlane v3, v2;
	v4 =	vadd.s32 v1, v4;
	_ =	sdelay $0x1  }
0x7c: {  	v3 =	vadd.s32 v1, v3;
	_ =	sdelay $0x2  }
0x7d: {  	[hbm4b:s3+s2] =	stream.indirect_vreg.scatter [tilespmem:s16], [sflag:$0x1], $0x80, v4, vm0, $0xb8;
	[tilespmem:$0x10100] =	vst v63  }
0x7e: {  	_ = 	snop  }
0x7f: {  	[hbm4b:s3+s2] =	stream.indirect_vreg.scatter [tilespmem:s17], [sflag:$0x1], $0x80, v3, vm0, $0xb8;
	[tilespmem:$0x10100] =	vst v63  }
0x80: {  	v3 =	vld [tilespmem:$0x90];
	_ =	sdelay $0x4  }
0x81: {  	v57 =	vshll.u32 v3, $0x1  }
0x82: {  	v3 =	vand.u32 $0x7, v3;
	v4 =	vand.u32 $0xFFFFFFF0, v57  }
0x83: {  	v3 =	vor.u32 v3, v4  }
0x84: {  	v4 =	vperm.xlane v3, v0;
	_ =	sdelay $0x1  }
0x85: {  	v3 =	vperm.xlane v3, v2;
	v4 =	vadd.s32 v1, v4;
	_ =	sdelay $0x1  }
0x86: {  	v3 =	vadd.s32 v1, v3;
	_ =	sdelay $0x2  }
0x87: {  	[hbm4b:s3+s2] =	stream.indirect_vreg.scatter [tilespmem:s18], [sflag:$0x1], $0x80, v4, vm0, $0xb8;
	[tilespmem:$0x10100] =	vst v63  }
0x88: {  	_ = 	snop  }
0x89: {  	[hbm4b:s3+s2] =	stream.indirect_vreg.scatter [tilespmem:s19], [sflag:$0x1], $0x80, v3, vm0, $0xb8;
	[tilespmem:$0x10100] =	vst v63  }
0x8a: {  	v3 =	vld [tilespmem:$0xA0];
	_ =	sdelay $0x4  }
0x8b: {  	v58 =	vshll.u32 v3, $0x1  }
0x8c: {  	v3 =	vand.u32 $0x7, v3;
	v4 =	vand.u32 $0xFFFFFFF0, v58  }
0x8d: {  	v3 =	vor.u32 v3, v4  }
0x8e: {  	v4 =	vperm.xlane v3, v0;
	_ =	sdelay $0x1  }
0x8f: {  	v3 =	vperm.xlane v3, v2;
	v4 =	vadd.s32 v1, v4;
	_ =	sdelay $0x1  }
0x90: {  	v3 =	vadd.s32 v1, v3;
	_ =	sdelay $0x2  }
0x91: {  	[hbm4b:s3+s2] =	stream.indirect_vreg.scatter [tilespmem:s20], [sflag:$0x1], $0x80, v4, vm0, $0xb8;
	[tilespmem:$0x10100] =	vst v63  }
0x92: {  	_ = 	snop  }
0x93: {  	[hbm4b:s3+s2] =	stream.indirect_vreg.scatter [tilespmem:s21], [sflag:$0x1], $0x80, v3, vm0, $0xb8;
	[tilespmem:$0x10100] =	vst v63  }
0x94: {  	v3 =	vld [tilespmem:$0xB0];
	_ =	sdelay $0x4  }
0x95: {  	v59 =	vshll.u32 v3, $0x1  }
0x96: {  	v3 =	vand.u32 $0x7, v3;
	v4 =	vand.u32 $0xFFFFFFF0, v59  }
0x97: {  	v3 =	vor.u32 v3, v4  }
0x98: {  	v4 =	vperm.xlane v3, v0;
	_ =	sdelay $0x1  }
0x99: {  	v3 =	vperm.xlane v3, v2;
	v4 =	vadd.s32 v1, v4;
	_ =	sdelay $0x1  }
0x9a: {  	v3 =	vadd.s32 v1, v3;
	_ =	sdelay $0x2  }
0x9b: {  	[hbm4b:s3+s2] =	stream.indirect_vreg.scatter [tilespmem:s22], [sflag:$0x1], $0x80, v4, vm0, $0xb8;
	[tilespmem:$0x10100] =	vst v63  }
0x9c: {  	_ = 	snop  }
0x9d: {  	[hbm4b:s3+s2] =	stream.indirect_vreg.scatter [tilespmem:s23], [sflag:$0x1], $0x80, v3, vm0, $0xb8;
	[tilespmem:$0x10100] =	vst v63  }
0x9e: {  	v3 =	vld [tilespmem:$0xC0];
	_ =	sdelay $0x4  }
0x9f: {  	v60 =	vshll.u32 v3, $0x1  }
0xa0: {  	v3 =	vand.u32 $0x7, v3;
	v4 =	vand.u32 $0xFFFFFFF0, v60  }
0xa1: {  	v3 =	vor.u32 v3, v4  }
0xa2: {  	v4 =	vperm.xlane v3, v0;
	_ =	sdelay $0x1  }
0xa3: {  	v3 =	vperm.xlane v3, v2;
	v4 =	vadd.s32 v1, v4;
	_ =	sdelay $0x1  }
0xa4: {  	v3 =	vadd.s32 v1, v3;
	_ =	sdelay $0x2  }
0xa5: {  	[hbm4b:s3+s2] =	stream.indirect_vreg.scatter [tilespmem:s24], [sflag:$0x1], $0x80, v4, vm0, $0xb8;
	[tilespmem:$0x10100] =	vst v63  }
0xa6: {  	_ = 	snop  }
0xa7: {  	[hbm4b:s3+s2] =	stream.indirect_vreg.scatter [tilespmem:s25], [sflag:$0x1], $0x80, v3, vm0, $0xb8;
	[tilespmem:$0x10100] =	vst v63  }
0xa8: {  	v3 =	vld [tilespmem:$0xD0];
	_ =	sdelay $0x4  }
0xa9: {  	v61 =	vshll.u32 v3, $0x1  }
0xaa: {  	v3 =	vand.u32 $0x7, v3;
	v4 =	vand.u32 $0xFFFFFFF0, v61  }
0xab: {  	v3 =	vor.u32 v3, v4  }
0xac: {  	v4 =	vperm.xlane v3, v0;
	_ =	sdelay $0x1  }
0xad: {  	v3 =	vperm.xlane v3, v2;
	v4 =	vadd.s32 v1, v4;
	_ =	sdelay $0x1  }
0xae: {  	v3 =	vadd.s32 v1, v3;
	_ =	sdelay $0x2  }
0xaf: {  	[hbm4b:s3+s2] =	stream.indirect_vreg.scatter [tilespmem:s26], [sflag:$0x1], $0x80, v4, vm0, $0xb8;
	[tilespmem:$0x10100] =	vst v63  }
0xb0: {  	_ = 	snop  }
0xb1: {  	[hbm4b:s3+s2] =	stream.indirect_vreg.scatter [tilespmem:s28], [sflag:$0x1], $0x80, v3, vm0, $0xb8;
	[tilespmem:$0x10100] =	vst v63  }
0xb2: {  	v3 =	vld [tilespmem:$0xE0];
	_ =	sdelay $0x4  }
0xb3: {  	v62 =	vshll.u32 v3, $0x1  }
0xb4: {  	v3 =	vand.u32 $0x7, v3;
	v4 =	vand.u32 $0xFFFFFFF0, v62  }
0xb5: {  	v3 =	vor.u32 v3, v4  }
0xb6: {  	v4 =	vperm.xlane v3, v0;
	_ =	sdelay $0x1  }
0xb7: {  	v3 =	vperm.xlane v3, v2;
	v4 =	vadd.s32 v1, v4;
	_ =	sdelay $0x1  }
0xb8: {  	v3 =	vadd.s32 v1, v3;
	_ =	sdelay $0x2  }
0xb9: {  	[hbm4b:s3+s2] =	stream.indirect_vreg.scatter [tilespmem:s29], [sflag:$0x1], $0x80, v4, vm0, $0xb8;
	[tilespmem:$0x10100] =	vst v63  }
0xba: {  	_ = 	snop  }
0xbb: {  	[hbm4b:s3+s2] =	stream.indirect_vreg.scatter [tilespmem:s30], [sflag:$0x1], $0x80, v3, vm0, $0xb8;
	[tilespmem:$0x10100] =	vst v63  }
0xbc: {  	v3 =	vld [tilespmem:$0xF0];
	_ =	sdelay $0x4  }
0xbd: {  	v63 =	vshll.u32 v3, $0x1  }
0xbe: {  	v3 =	vand.u32 $0x7, v3;
	v4 =	vand.u32 $0xFFFFFFF0, v63  }
0xbf: {  	v3 =	vor.u32 v3, v4  }
0xc0: {  	v4 =	vperm.xlane v3, v0;
	_ =	sdelay $0x1  }
0xc1: {  	v3 =	vperm.xlane v3, v2;
	v4 =	vadd.s32 v1, v4;
	_ =	sdelay $0x1  }
0xc2: {  	v3 =	vadd.s32 v1, v3;
	_ =	sdelay $0x1  }
0xc3: {  	p0 =	sne.s32 s4, $0x1  }
0xc4: {  	[hbm4b:s3+s2] =	stream.indirect_vreg.scatter [tilespmem:s31], [sflag:$0x1], $0x80, v4, vm0, $0xb8;
	[tilespmem:$0x10100] =	vst v63  }
.Ltmp0:
0xc5: {  	_ = 	snop;
	(pc) =	sbr.rel @p0 .LBB2_1-.Ltmp0, $4  }
0xc6: {  	[hbm4b:s3+s2] =	stream.indirect_vreg.scatter [tilespmem:s1], [sflag:$0x1], $0x80, v3, vm0, $0xb8;
	[tilespmem:$0x10100] =	vst v63  }
0xc7: {  	_ =	swait.ge [sflag:s15], $0x8000  }
0xc8: {  	[sflag:s15] =	ssyncset.done $0x0  }
0xc9: {  	s4 =	sadd.s32 $0xFFFFFFFF, s4;
	[sflag:s15] =	ssyncadd.s32 $0xFFFF8000  }
0xca: {  	_ =	sfence.sel $0x180000  }
0xcb: {  	[bflag:$0x0] =	sbarrier.arrive $0xFFFF  }
0xcc: {  	_ =	strace $0x90000047  }
0xcd: {  	s0 =	stileid.u32;
	[bflag:$0x2] =	sbarrier.arrive $0xFFFF  }
0xce: {  	p0 =	sne.s32 s0, $0x0;
	s0 =	rddreg [dreg:$0x2]  }
0xcf: {  	s0 =	sadd.s32 @!p0 $0x100000, s0  }
0xd0: {  	[sflag:s0] =	ssyncadd.tile.s32 @!p0 $0x1;
	_ =	shalt  }
.Lfunc_end2:
_tile_overlayer_lowered:
.L_overlay_start_2:
0xd1: {  	(tag) =	ssettag $0x2  }
0xd2: {  	s0 =	rddreg [dreg:$0x0];
	s2 =	stileid.u32  }
0xd3: {  	s1 =	rddreg [dreg:$0x1];
	p0 =	sne.s32 s2, $0x0  }
0xd4: {  	s3 =	rddreg [dreg:$0x2];
	[bflag:$0x3] =	sbarrier.arrive $0xFFFF;
	s2 =	simm.s32 @!p0 $0x1C02  }
0xd5: {  	[timem:s3], [sflag:s2] =	dma.local @!p0 [hbm:s0], s1  }
0xd6: {  	s0 =	simm.s32 @!p0 $0x2  }
0xd7: {  	_ =	swait.ge @!p0 [sflag:s0], s1  }
0xd8: {  	s1 =	ssub.s32 @!p0 $0x0, s1;
	[sflag:s0] =	ssyncset.done @!p0 $0x0  }
0xd9: {  	[sflag:s0] =	ssyncadd.s32 @!p0 s1  }
0xda: {  	[bflag:$0x3] =	sbarrier.arrive $0xFFFF  }
0xdb: {  	_ =	shalt  }

// kernel: kernel.13.cloned.1.call-start
scs
__scs_entry_jumppad:
0x0: {  	(pc) =	sbr.rel $0x88, $3  }
0x1: {  	(tag) =	ssettag $0x0;
	lr =	simm.s32 $0x1  }
0x2: {  	[smem:$0x3F96] =	sst lr;
	_ =	strace $0xD0000000  }
0x3: {  	_ = 	snop  }
0x4: {  	_ = 	snop  }
0x5: {  	_ = 	snop  }
0x6: {  	_ = 	snop  }
0x7: {  	_ = 	snop  }
__scs_overlays_trampoline_lowered:
0x8: {  	[smem:$0x3FA5] =	sst s0  }
0x9: {  	[smem:$0x3FA6] =	sst s1  }
0xa: {  	[smem:$0x3FA7] =	sst s2  }
0xb: {  	[smem:$0x3FA8] =	sst s3  }
0xc: {  	[smem:$0x3FA9] =	sst s4  }
0xd: {  	[smem:$0x3FAA] =	sst s5  }
0xe: {  	[smem:$0x3FAB] =	sst s6  }
0xf: {  	[smem:$0x3FAC] =	sst s7  }
0x10: {  	[smem:$0x3FAD] =	sst s8  }
0x11: {  	[smem:$0x3FAE] =	sst s9;
	s0 =	simm.s32 @!p0 $0x0  }
0x12: {  	s1 =	sld [smem:$0x3F94];
	s0 =	simm.s32 @p0 $0x1  }
0x13: {  	[smem:$0x3FAF] =	sst s0;
	s0 =	simm.s32 @!p1 $0x0  }
0x14: {  	s2 =	sld [smem:$0x3F93];
	s0 =	simm.s32 @p1 $0x1  }
0x15: {  	[smem:$0x3FB0] =	sst s0;
	s0 =	simm.s32 @!p2 $0x0  }
0x16: {  	s3 =	sld [smem:$0x3FDB];
	s0 =	simm.s32 @p2 $0x1  }
0x17: {  	s4 =	simm.s32 $0x1BF5;
	[smem:$0x3FB2] =	sst s0  }
0x18: {  	s0 =	sld [smem:$0x3F95];
	_ =	swait.ge [sflag:s4], $0x0  }
0x19: {  	s7 =	sld [smem:$0x3F96]  }
0x1a: {  	s8 =	sadd.s32 $0xFFFFE003, lr  }
0x1b: {  	s9 =	sadd.s32 $0xFFFFFEF7, lr;
	s5 =	simm.s32 $0xFFFFFFFF;
	p2 =	slt.u32 s8, $0xFFFFF086  }
0x1c: {  	p1 =	slt.u32 s9, $0xF7A;
	s5 =	simm.s32 @!p2 $0x0  }
0x1d: {  	s5 =	simm.s32 @p1 $0x1;
	p0 =	seq.s32 s7, s2  }
0x1e: {  	s7 =	smul.u32 @!p0 $0xF7A, s2;
	p2 =	seq.s32 @!p0 s5, $0x0  }
0x1f: {  	s9 =	smul.u32 $0xF7A, s1;
	s8 =	simm.s32 @!p0 $0x1BF5;
	p2 =	por !p2, p0  }
0x20: {  	[sflag:s8] =	ssyncset.s32 @!p0 $0xFFFFF086;
	s6 =	sadd.s32 @!p0 s3, s7;
	s7 =	simm.s32 @!p0 $0x108  }
0x21: {  	s3 =	sadd.s32 s3, s9;
	s6 =	sadd.s32 @!p0 $0x88, s6;
	s7 =	simm.s32 @p2 $0x1082  }
0x22: {  	[simem:s7], [sflag:s8] =	dma.local @!p0 [hbm:s6], $0xF7A  }
0x23: {  	s9 =	sor.u32 $0xD0000000, s2;
	s6 =	simm.s32 $0x108;
	_ =	swait.ge @!p0 [sflag:s8], $0x0  }
0x24: {  	s3 =	sadd.s32 $0x88, s3;
	s6 =	simm.s32 @!p1 $0x1082;
	[sflag:s4] =	ssyncset.s32 $0xFFFFF086  }
0x25: {  	[simem:s6], [sflag:s4] =	dma.local [hbm:s3], $0xF7A  }
0x26: {  	[smem:$0x3F96] =	sst s1;
	(tag) =	ssettag s2;
	_ =	strace s9  }
0x27: {  	s1 =	sld [smem:$0x3FA6]  }
0x28: {  	s2 =	sld [smem:$0x3FA7]  }
0x29: {  	s4 =	sld [smem:$0x3FA9]  }
0x2a: {  	p0 =	seq.s32 s5, $0x0;
	s5 =	sld [smem:$0x3FAA]  }
0x2b: {  	s6 =	sld [smem:$0x3FAB]  }
0x2c: {  	s7 =	sld [smem:$0x3FAC]  }
0x2d: {  	s3 =	simm.s32 $0x108;
	s8 =	sld [smem:$0x3FAD]  }
0x2e: {  	s3 =	simm.s32 @!p0 $0x1082;
	s9 =	sld [smem:$0x3FAE]  }
0x2f: {  	lr =	sadd.s32 s0, s3;
	s0 =	sld [smem:$0x3FA5]  }
0x30: {  	s3 =	sld [smem:$0x3FA8]  }
0x31: {  	[smem:$0x3FB1] =	sst s10  }
0x32: {  	s10 =	sld [smem:$0x3FAF];
	_ =	sdelay $0x3  }
0x33: {  	p0 =	seq.s32 s10, $0x1;
	s10 =	sld [smem:$0x3FB1];
	_ =	sdelay $0x3  }
0x34: {  	[smem:$0x3FB1] =	sst s10  }
0x35: {  	s10 =	sld [smem:$0x3FB0];
	_ =	sdelay $0x3  }
0x36: {  	p1 =	seq.s32 s10, $0x1;
	s10 =	sld [smem:$0x3FB1];
	_ =	sdelay $0x3  }
0x37: {  	[smem:$0x3FB1] =	sst s10  }
0x38: {  	s10 =	sld [smem:$0x3FB2]  }
0x39: {  	_ = 	snop;
	(pc) =	sbr.ind lr, $3  }
0x3a: {  	_ = 	snop  }
0x3b: {  	_ = 	snop  }
0x3c: {  	p2 =	seq.s32 s10, $0x1;
	s10 =	sld [smem:$0x3FB1]  }
0x3d: {  	_ =	shalt  }
0x3e: {  	_ =	shalt  }
0x3f: {  	_ =	shalt  }
0x40: {  	_ =	shalt  }
0x41: {  	_ =	shalt  }
0x42: {  	_ =	shalt  }
0x43: {  	_ =	shalt  }
0x44: {  	_ =	shalt  }
0x45: {  	_ =	shalt  }
0x46: {  	_ =	shalt  }
0x47: {  	_ =	shalt  }
0x48: {  	_ =	shalt  }
0x49: {  	_ =	shalt  }
0x4a: {  	_ =	shalt  }
0x4b: {  	_ =	shalt  }
0x4c: {  	_ =	shalt  }
0x4d: {  	_ =	shalt  }
0x4e: {  	_ =	shalt  }
0x4f: {  	_ =	shalt  }
0x50: {  	_ =	shalt  }
0x51: {  	_ =	shalt  }
0x52: {  	_ =	shalt  }
0x53: {  	_ =	shalt  }
0x54: {  	_ =	shalt  }
0x55: {  	_ =	shalt  }
0x56: {  	_ =	shalt  }
0x57: {  	_ =	shalt  }
0x58: {  	_ =	shalt  }
0x59: {  	_ =	shalt  }
0x5a: {  	_ =	shalt  }
0x5b: {  	_ =	shalt  }
0x5c: {  	_ =	shalt  }
0x5d: {  	_ =	shalt  }
0x5e: {  	_ =	shalt  }
0x5f: {  	_ =	shalt  }
0x60: {  	_ =	shalt  }
0x61: {  	_ =	shalt  }
0x62: {  	_ =	shalt  }
0x63: {  	_ =	shalt  }
0x64: {  	_ =	shalt  }
0x65: {  	_ =	shalt  }
0x66: {  	_ =	shalt  }
0x67: {  	_ =	shalt  }
0x68: {  	_ =	shalt  }
0x69: {  	_ =	shalt  }
0x6a: {  	_ =	shalt  }
0x6b: {  	_ =	shalt  }
0x6c: {  	_ =	shalt  }
0x6d: {  	_ =	shalt  }
0x6e: {  	_ =	shalt  }
0x6f: {  	_ =	shalt  }
0x70: {  	_ =	shalt  }
0x71: {  	_ =	shalt  }
0x72: {  	_ =	shalt  }
0x73: {  	_ =	shalt  }
0x74: {  	_ =	shalt  }
0x75: {  	_ =	shalt  }
0x76: {  	_ =	shalt  }
0x77: {  	_ =	shalt  }
0x78: {  	_ =	shalt  }
0x79: {  	_ =	shalt  }
0x7a: {  	_ =	shalt  }
0x7b: {  	_ =	shalt  }
0x7c: {  	_ =	shalt  }
0x7d: {  	_ =	shalt  }
0x7e: {  	_ =	shalt  }
0x7f: {  	_ =	shalt  }
0x80: {  	_ =	shalt  }
0x81: {  	_ =	shalt  }
0x82: {  	_ =	shalt  }
0x83: {  	_ =	shalt  }
0x84: {  	_ =	shalt  }
0x85: {  	_ =	shalt  }
0x86: {  	_ =	shalt  }
0x87: {  	_ =	shalt  }
.Lfunc_end0:
.L_simem_size_0:
called_computation.1_lowered:
.L_overlay_start_0:
0x88: {  	s2 =	sld [smem:$0x3FD9]  }
0x89: {  	s3 =	sld [smem:$0x3FFE];
	_ =	sdelay $0x1  }
0x8a: {  	s1 =	srdreg.scid  }
0x8b: {  	s0 =	sand.u32 $0x1, s1  }
0x8c: {  	s17 =	sshll.u32 s0, $0xA;
	s2 =	sadd.s32 s3, s2  }
0x8d: {  	s2 =	sadd.s32 s2, s17  }
0x8e: {  	[smem:$0x3FBD] =	sst s2  }
0x8f: {  	_ = 	snop  }
0x90: {  	s2 =	sld [smem:$0x3FD0];
	(tm) =	ssettm $0x1  }
0x91: {  	s18 =	sld [smem:$0x3FFB];
	_ =	sdelay $0x3  }
0x92: {  	_ =	strace s18  }
0x93: {  	s3 =	sld [smem:$0x3FFC];
	_ =	sdelay $0x3  }
0x94: {  	_ =	strace s3  }
0x95: {  	s3 =	sld [smem:$0x3FFD];
	_ =	sdelay $0x3  }
0x96: {  	_ =	strace s3  }
0x97: {  	_ =	strace $0x8FFFFFFF  }
0x98: {  	s19 =	sld [smem:$0x3FDB];
	_ =	sdelay $0x1  }
0x99: {  	s4 =	simm.s32 $_scs_section_size  }
0x9a: {  	s5 =	simm.s32 $_size__tile_overlayer_lowered;
	s6 =	simm.s32 $_tile_overlayer_lowered  }
0x9b: {  	s22 =	simm.s32 $0x1BFF;
	s21 =	sshll.u32 s6, $0x1;
	s3 =	sadd.s32 s4, s19  }
0x9c: {  	s7 =	simm.s32 $0x0;
	s20 =	sshll.u32 s5, $0x1;
	s5 =	sadd.s32 s21, s3  }
0x9d: {  	[timem:s7], [sflag:s22] =	dma.local [hbm:s5], s20  }
0x9e: {  	_ =	swait.ge [sflag:s22], s20  }
0x9f: {  	s4 =	ssub.s32 $0x0, s20;
	[sflag:s22] =	ssyncset.done $0x0  }
0xa0: {  	[sflag:s22] =	ssyncadd.s32 s4;
	_ =	sdelay $0x1  }
0xa1: {  	s23 =	simm.s32 $0x1B8B  }
0xa2: {  	_ =	swait.ge [sflag:s23], $0x1  }
0xa3: {  	[sflag:s23] =	ssyncset.done $0x0  }
0xa4: {  	s25 =	simm.s32 $0x1B8E;
	s24 =	sld [smem:$0x3FFE];
	[sflag:s23] =	ssyncadd.s32 $0xFFFFFFFF  }
0xa5: {  	s26 =	simm.s32 $execute0_lowered;
	[smem:$0x3FD2] =	sst s25  }
0xa6: {  	s5 =	sshll.u32 s26, $0x1;
	_ =	strace $0x80000049;
	[dreg:$0x1] =	wrdreg $0xFFFFFFFF  }
0xa7: {  	s28 =	simm.s32 $_size_execute0_lowered;
	s3 =	sadd.s32 s3, s5;
	[dreg:$0x0] =	wrdreg $0x0  }
0xa8: {  	s5 =	sshll.u32 s28, $0x1;
	[dreg:$0x2] =	wrdreg s3  }
0xa9: {  	[dreg:$0x3] =	wrdreg s5  }
0xaa: {  	[dreg:$0x4] =	wrdreg $0xC0  }
0xab: {  	_ =	task [dreg:s7], $0x5FFFF  }
0xac: {  	[dreg:$0x1] =	wrdreg $0xFFFFFFFF  }
0xad: {  	[dreg:$0x0] =	wrdreg $0x60  }
0xae: {  	[dreg:$0x2] =	wrdreg s2  }
0xaf: {  	[dreg:$0x3] =	wrdreg s24  }
0xb0: {  	[dreg:$0x4] =	wrdreg $0x9  }
0xb1: {  	_ =	task.clear_ibuf [dreg:s7], $0x5FFFF;
	_ =	strace $0x90000049  }
0xb2: {  	s29 =	simm.s32 $0x9;
	_ =	strace $0x8000004B  }
0xb3: {  	_ =	swait.ge [sflag:s29], $0x1  }
0xb4: {  	[sflag:s29] =	ssyncadd.s32 $0xFFFFFFFF  }
0xb5: {  	_ =	strace $0x9000004B  }
0xb6: {  	_ =	sfence  }
0xb7: {  	s30 =	sld [smem:$0x0];
	_ =	sdelay $0x2  }
0xb8: {  	s31 =	sshll.u32 s1, $0xD;
	s1 =	sshrl.u32 s1, $0x2  }
0xb9: {  	s3 =	sand.u32 $0x4000, s31;
	s1 =	sadd.s32 s1, s30  }
0xba: {  	s0 =	sor.u32 s3, s0;
	s1 =	sshll.u32 s1, $0x11  }
0xbb: {  	s0 =	sor.u32 s1, s0  }
0xbc: {  	s0 =	sadd.s32 $0x8F2B, s0  }
0xbd: {  	[sflag:s0] =	ssyncadd.remote.s32 $0x1  }
0xbe: {  	_ =	sfence.sel $0xFFFF  }
0xbf: {  	[dreg:$0x0] =	wrdreg $0xFFFFFFFF;
	(pc) =	sbr.abs _section_cstart, $3  }
0xc0: {  	[dreg:$0x1] =	wrdreg $0xFFFFFFFF  }
0xc1: {  	_ =	task.clear_ibuf [dreg:s7], $0x2FFFF;
	_ =	strace $0x9FFFFFFF  }
0xc2: {  	(tm) =	ssettm $0x7FFFFFFF  }
0xc3: {  	_ =	shalt  }
tec
execute0_lowered:
.L_overlay_start_1:
0x0: {  	(tag) =	ssettag $0x1  }
0x1: {  	s1 =	srdreg.scid  }
0x2: {  	s0 =	stileid.u32;
	s3 =	rddreg [dreg:$0x0]  }
0x3: {  	s5 =	rddreg [dreg:$0x1];
	s19 =	simm.s32 $0x900;
	s20 =	simm.s32 $0x1100  }
0x4: {  	s21 =	simm.s32 $0x1900;
	s23 =	simm.s32 $0x2100;
	s24 =	simm.s32 $0x2900  }
0x5: {  	s25 =	simm.s32 $0x3100;
	s26 =	simm.s32 $0x3900;
	s8 =	simm.s32 $0x4900  }
0x6: {  	s9 =	simm.s32 $0x5100;
	s10 =	simm.s32 $0x5900;
	s11 =	simm.s32 $0x6100  }
0x7: {  	s12 =	simm.s32 $0x6900;
	s13 =	simm.s32 $0x7100;
	s14 =	simm.s32 $0x7900  }
0x8: {  	s15 =	simm.s32 $0x1;
	s16 =	simm.s32 $0x8100;
	s1 =	sand.u32 $0x1, s1  }
0x9: {  	s17 =	simm.s32 $0x8900;
	s2 =	sshll.u32 s0, $0x9;
	s4 =	sshll.u32 s1, $0x8  }
0xa: {  	s18 =	simm.s32 $0x9100;
	s4 =	sor.u32 s4, s2;
	s2 =	simm.s32 $0x0  }
0xb: {  	s28 =	simm.s32 $0xD900;
	s29 =	simm.s32 $0xE100;
	[smem:$0x7FF] =	sst s2  }
0xc: {  	s30 =	simm.s32 $0xE900;
	_ =	strace $0x8000004A;
	[dreg:$0x5] =	wrdreg s19  }
0xd: {  	s31 =	simm.s32 $0xF100;
	s1 =	ssub.s32 $0x2, s1;
	[dreg:$0x6] =	wrdreg s20  }
0xe: {  	s22 =	sshrl.u32 s1, $0x1;
	s6 =	sshrl.u32 s4, $0x3;
	[dreg:$0x7] =	wrdreg s21  }
0xf: {  	s4 =	sshll.u32 s4, $0x5;
	s1 =	ssub.s32 s1, s22;
	[dreg:$0x8] =	wrdreg s23  }
0x10: {  	s22 =	simm.s32 $0xB100;
	s6 =	sadd.s32 s6, s5;
	[dreg:$0x9] =	wrdreg s24  }
0x11: {  	s3 =	sadd.s32 s3, s4;
	s4 =	smax.u32 s1, $0x1;
	[dreg:$0xa] =	wrdreg s25  }
0x12: {  	[dreg:$0xb] =	wrdreg s26;
	s19 =	simm.s32 $0x9900;
	s20 =	simm.s32 $0xA100  }
0x13: {  	s21 =	simm.s32 $0xA900;
	s23 =	simm.s32 $0xB900;
	s24 =	simm.s32 $0xC100  }
0x14: {  	v2 =	vlaneseq.u32;
	s25 =	simm.s32 $0xC900;
	s26 =	simm.s32 $0xD100;
	s1 =	simm.s32 $0xF900  }
0x15: {  	vm0 =	vmmov $0xffff;
	v1 =	vshrl.u32 v2, $0x3;
	s6 =	sadd.s32 $0x60000, s6;
	[dreg:$0x4] =	wrdreg s3;
	s3 =	sadd.s32 $0x60400, s5  }
0x16: {  	v0 =	vand.u32 $0x7, v2;
	v2 =	vor.u32 $0x8, v2;
	v1 =	vmul.u32 $0x8, v1;
	s5 =	simm.s32 $0x2;
	[dreg:$0x3] =	wrdreg s6;
	s6 =	simm.s32 $0x100  }
.LBB2_1:
0x17: {  	s0 =	rddreg [dreg:$0x3]  }
0x18: {  	[tilespmem:s2], [sflag:$0x2] =	stream.linear.gather [hbm4b:s0+s2], $0x100, $0x38;
	[tilespmem:$0x10100] =	vst v63  }
0x19: {  	_ =	swait.ge [sflag:s5], $0x100  }
0x1a: {  	[sflag:s5] =	ssyncset.done $0x0  }
0x1b: {  	s7 =	rddreg [dreg:$0x4];
	[sflag:s5] =	ssyncadd.s32 $0xFFFFFF00  }
0x1c: {  	[tilespmem:s6], [sflag:$0x2] =	stream.linear.gather [hbm4b:s7+s2], $0x10000, $0x38;
	[tilespmem:$0x10100] =	vst v63  }
0x1d: {  	_ =	swait.ge [sflag:s5], $0x10000  }
0x1e: {  	[sflag:s5] =	ssyncset.done $0x0  }
0x1f: {  	[sflag:s5] =	ssyncadd.s32 $0xFFFF0000  }
0x20: {  	v3 =	vld [tilespmem:$0x0];
	_ =	sdelay $0x4  }
0x21: {  	v4 =	vshll.u32 v3, $0x1  }
0x22: {  	v3 =	vand.u32 $0x7, v3;
	v4 =	vand.u32 $0xFFFFFFF0, v4  }
0x23: {  	v3 =	vor.u32 v3, v4  }
0x24: {  	v4 =	vperm.xlane v3, v0;
	_ =	sdelay $0x1  }
0x25: {  	v3 =	vperm.xlane v3, v2;
	v4 =	vadd.s32 v1, v4;
	_ =	sdelay $0x1  }
0x26: {  	v3 =	vadd.s32 v1, v3;
	_ =	sdelay $0x2  }
0x27: {  	[hbm4b:s3+s2] =	stream.indirect_vreg.scatter [tilespmem:s6], [sflag:$0x1], $0x80, v4, vm0, $0xb8;
	[tilespmem:$0x10100] =	vst v63  }
0x28: {  	s7 =	rddreg [dreg:$0x5]  }
0x29: {  	[hbm4b:s3+s2] =	stream.indirect_vreg.scatter [tilespmem:s7], [sflag:$0x1], $0x80, v3, vm0, $0xb8;
	[tilespmem:$0x10100] =	vst v63  }
0x2a: {  	v3 =	vld [tilespmem:$0x10];
	_ =	sdelay $0x4  }
0x2b: {  	v49 =	vshll.u32 v3, $0x1  }
0x2c: {  	v3 =	vand.u32 $0x7, v3;
	v4 =	vand.u32 $0xFFFFFFF0, v49  }
0x2d: {  	v3 =	vor.u32 v3, v4  }
0x2e: {  	v4 =	vperm.xlane v3, v0;
	_ =	sdelay $0x1  }
0x2f: {  	v3 =	vperm.xlane v3, v2;
	v4 =	vadd.s32 v1, v4;
	_ =	sdelay $0x1  }
0x30: {  	v3 =	vadd.s32 v1, v3;
	_ =	sdelay $0x1  }
0x31: {  	s0 =	rddreg [dreg:$0x6]  }
0x32: {  	[hbm4b:s3+s2] =	stream.indirect_vreg.scatter [tilespmem:s0], [sflag:$0x1], $0x80, v4, vm0, $0xb8;
	[tilespmem:$0x10100] =	vst v63  }
0x33: {  	s7 =	rddreg [dreg:$0x7]  }
0x34: {  	[hbm4b:s3+s2] =	stream.indirect_vreg.scatter [tilespmem:s7], [sflag:$0x1], $0x80, v3, vm0, $0xb8;
	[tilespmem:$0x10100] =	vst v63  }
0x35: {  	v3 =	vld [tilespmem:$0x20];
	_ =	sdelay $0x4  }
0x36: {  	v50 =	vshll.u32 v3, $0x1  }
0x37: {  	v3 =	vand.u32 $0x7, v3;
	v4 =	vand.u32 $0xFFFFFFF0, v50  }
0x38: {  	v3 =	vor.u32 v3, v4  }
0x39: {  	v4 =	vperm.xlane v3, v0;
	_ =	sdelay $0x1  }
0x3a: {  	v3 =	vperm.xlane v3, v2;
	v4 =	vadd.s32 v1, v4;
	_ =	sdelay $0x1  }
0x3b: {  	v3 =	vadd.s32 v1, v3;
	_ =	sdelay $0x1  }
0x3c: {  	s0 =	rddreg [dreg:$0x8]  }
0x3d: {  	[hbm4b:s3+s2] =	stream.indirect_vreg.scatter [tilespmem:s0], [sflag:$0x1], $0x80, v4, vm0, $0xb8;
	[tilespmem:$0x10100] =	vst v63  }
0x3e: {  	s7 =	rddreg [dreg:$0x9]  }
0x3f: {  	[hbm4b:s3+s2] =	stream.indirect_vreg.scatter [tilespmem:s7], [sflag:$0x1], $0x80, v3, vm0, $0xb8;
	[tilespmem:$0x10100] =	vst v63  }
0x40: {  	v3 =	vld [tilespmem:$0x30];
	_ =	sdelay $0x4  }
0x41: {  	v51 =	vshll.u32 v3, $0x1  }
0x42: {  	v3 =	vand.u32 $0x7, v3;
	v4 =	vand.u32 $0xFFFFFFF0, v51  }
0x43: {  	v3 =	vor.u32 v3, v4  }
0x44: {  	v4 =	vperm.xlane v3, v0;
	_ =	sdelay $0x1  }
0x45: {  	v3 =	vperm.xlane v3, v2;
	v4 =	vadd.s32 v1, v4;
	_ =	sdelay $0x1  }
0x46: {  	v3 =	vadd.s32 v1, v3;
	_ =	sdelay $0x1  }
0x47: {  	s0 =	rddreg [dreg:$0xa]  }
0x48: {  	[hbm4b:s3+s2] =	stream.indirect_vreg.scatter [tilespmem:s0], [sflag:$0x1], $0x80, v4, vm0, $0xb8;
	[tilespmem:$0x10100] =	vst v63  }
0x49: {  	s7 =	rddreg [dreg:$0xb]  }
0x4a: {  	[hbm4b:s3+s2] =	stream.indirect_vreg.scatter [tilespmem:s7], [sflag:$0x1], $0x80, v3, vm0, $0xb8;
	[tilespmem:$0x10100] =	vst v63  }
0x4b: {  	v3 =	vld [tilespmem:$0x40];
	_ =	sdelay $0x4  }
0x4c: {  	v52 =	vshll.u32 v3, $0x1  }
0x4d: {  	v3 =	vand.u32 $0x7, v3;
	v4 =	vand.u32 $0xFFFFFFF0, v52  }
0x4e: {  	v3 =	vor.u32 v3, v4  }
0x4f: {  	v4 =	vperm.xlane v3, v0;
	_ =	sdelay $0x1  }
0x50: {  	v3 =	vperm.xlane v3, v2;
	v4 =	vadd.s32 v1, v4;
	_ =	sdelay $0x1  }
0x51: {  	v3 =	vadd.s32 v1, v3;
	_ =	sdelay $0x1  }
0x52: {  	s7 =	simm.s32 $0x4100  }
0x53: {  	[hbm4b:s3+s2] =	stream.indirect_vreg.scatter [tilespmem:s7], [sflag:$0x1], $0x80, v4, vm0, $0xb8;
	[tilespmem:$0x10100] =	vst v63  }
0x54: {  	_ = 	snop  }
0x55: {  	[hbm4b:s3+s2] =	stream.indirect_vreg.scatter [tilespmem:s8], [sflag:$0x1], $0x80, v3, vm0, $0xb8;
	[tilespmem:$0x10100] =	vst v63  }
0x56: {  	v3 =	vld [tilespmem:$0x50];
	_ =	sdelay $0x4  }
0x57: {  	v53 =	vshll.u32 v3, $0x1  }
0x58: {  	v3 =	vand.u32 $0x7, v3;
	v4 =	vand.u32 $0xFFFFFFF0, v53  }
0x59: {  	v3 =	vor.u32 v3, v4  }
0x5a: {  	v4 =	vperm.xlane v3, v0;
	_ =	sdelay $0x1  }
0x5b: {  	v3 =	vperm.xlane v3, v2;
	v4 =	vadd.s32 v1, v4;
	_ =	sdelay $0x1  }
0x5c: {  	v3 =	vadd.s32 v1, v3;
	_ =	sdelay $0x2  }
0x5d: {  	[hbm4b:s3+s2] =	stream.indirect_vreg.scatter [tilespmem:s9], [sflag:$0x1], $0x80, v4, vm0, $0xb8;
	[tilespmem:$0x10100] =	vst v63  }
0x5e: {  	_ = 	snop  }
0x5f: {  	[hbm4b:s3+s2] =	stream.indirect_vreg.scatter [tilespmem:s10], [sflag:$0x1], $0x80, v3, vm0, $0xb8;
	[tilespmem:$0x10100] =	vst v63  }
0x60: {  	v3 =	vld [tilespmem:$0x60];
	_ =	sdelay $0x4  }
0x61: {  	v54 =	vshll.u32 v3, $0x1  }
0x62: {  	v3 =	vand.u32 $0x7, v3;
	v4 =	vand.u32 $0xFFFFFFF0, v54  }
0x63: {  	v3 =	vor.u32 v3, v4  }
0x64: {  	v4 =	vperm.xlane v3, v0;
	_ =	sdelay $0x1  }
0x65: {  	v3 =	vperm.xlane v3, v2;
	v4 =	vadd.s32 v1, v4;
	_ =	sdelay $0x1  }
0x66: {  	v3 =	vadd.s32 v1, v3;
	_ =	sdelay $0x2  }
0x67: {  	[hbm4b:s3+s2] =	stream.indirect_vreg.scatter [tilespmem:s11], [sflag:$0x1], $0x80, v4, vm0, $0xb8;
	[tilespmem:$0x10100] =	vst v63  }
0x68: {  	_ = 	snop  }
0x69: {  	[hbm4b:s3+s2] =	stream.indirect_vreg.scatter [tilespmem:s12], [sflag:$0x1], $0x80, v3, vm0, $0xb8;
	[tilespmem:$0x10100] =	vst v63  }
0x6a: {  	v3 =	vld [tilespmem:$0x70];
	_ =	sdelay $0x4  }
0x6b: {  	v55 =	vshll.u32 v3, $0x1  }
0x6c: {  	v3 =	vand.u32 $0x7, v3;
	v4 =	vand.u32 $0xFFFFFFF0, v55  }
0x6d: {  	v3 =	vor.u32 v3, v4  }
0x6e: {  	v4 =	vperm.xlane v3, v0;
	_ =	sdelay $0x1  }
0x6f: {  	v3 =	vperm.xlane v3, v2;
	v4 =	vadd.s32 v1, v4;
	_ =	sdelay $0x1  }
0x70: {  	v3 =	vadd.s32 v1, v3;
	_ =	sdelay $0x2  }
0x71: {  	[hbm4b:s3+s2] =	stream.indirect_vreg.scatter [tilespmem:s13], [sflag:$0x1], $0x80, v4, vm0, $0xb8;
	[tilespmem:$0x10100] =	vst v63  }
0x72: {  	_ = 	snop  }
0x73: {  	[hbm4b:s3+s2] =	stream.indirect_vreg.scatter [tilespmem:s14], [sflag:$0x1], $0x80, v3, vm0, $0xb8;
	[tilespmem:$0x10100] =	vst v63  }
0x74: {  	_ =	swait.ge [sflag:s15], $0x8000  }
0x75: {  	[sflag:s15] =	ssyncset.done $0x0  }
0x76: {  	[sflag:s15] =	ssyncadd.s32 $0xFFFF8000  }
0x77: {  	v3 =	vld [tilespmem:$0x80];
	_ =	sdelay $0x4  }
0x78: {  	v56 =	vshll.u32 v3, $0x1  }
0x79: {  	v3 =	vand.u32 $0x7, v3;
	v4 =	vand.u32 $0xFFFFFFF0, v56  }
0x7a: {  	v3 =	vor.u32 v3, v4  }
0x7b: {  	v4 =	vperm.xlane v3, v0;
	_ =	sdelay $0x1  }
0x7c: {  	v3 =	vperm.xlane v3, v2;
	v4 =	vadd.s32 v1, v4;
	_ =	sdelay $0x1  }
0x7d: {  	v3 =	vadd.s32 v1, v3;
	_ =	sdelay $0x2  }
0x7e: {  	[hbm4b:s3+s2] =	stream.indirect_vreg.scatter [tilespmem:s16], [sflag:$0x1], $0x80, v4, vm0, $0xb8;
	[tilespmem:$0x10100] =	vst v63  }
0x7f: {  	_ = 	snop  }
0x80: {  	[hbm4b:s3+s2] =	stream.indirect_vreg.scatter [tilespmem:s17], [sflag:$0x1], $0x80, v3, vm0, $0xb8;
	[tilespmem:$0x10100] =	vst v63  }
0x81: {  	v3 =	vld [tilespmem:$0x90];
	_ =	sdelay $0x4  }
0x82: {  	v57 =	vshll.u32 v3, $0x1  }
0x83: {  	v3 =	vand.u32 $0x7, v3;
	v4 =	vand.u32 $0xFFFFFFF0, v57  }
0x84: {  	v3 =	vor.u32 v3, v4  }
0x85: {  	v4 =	vperm.xlane v3, v0;
	_ =	sdelay $0x1  }
0x86: {  	v3 =	vperm.xlane v3, v2;
	v4 =	vadd.s32 v1, v4;
	_ =	sdelay $0x1  }
0x87: {  	v3 =	vadd.s32 v1, v3;
	_ =	sdelay $0x2  }
0x88: {  	[hbm4b:s3+s2] =	stream.indirect_vreg.scatter [tilespmem:s18], [sflag:$0x1], $0x80, v4, vm0, $0xb8;
	[tilespmem:$0x10100] =	vst v63  }
0x89: {  	_ = 	snop  }
0x8a: {  	[hbm4b:s3+s2] =	stream.indirect_vreg.scatter [tilespmem:s19], [sflag:$0x1], $0x80, v3, vm0, $0xb8;
	[tilespmem:$0x10100] =	vst v63  }
0x8b: {  	v3 =	vld [tilespmem:$0xA0];
	_ =	sdelay $0x4  }
0x8c: {  	v58 =	vshll.u32 v3, $0x1  }
0x8d: {  	v3 =	vand.u32 $0x7, v3;
	v4 =	vand.u32 $0xFFFFFFF0, v58  }
0x8e: {  	v3 =	vor.u32 v3, v4  }
0x8f: {  	v4 =	vperm.xlane v3, v0;
	_ =	sdelay $0x1  }
0x90: {  	v3 =	vperm.xlane v3, v2;
	v4 =	vadd.s32 v1, v4;
	_ =	sdelay $0x1  }
0x91: {  	v3 =	vadd.s32 v1, v3;
	_ =	sdelay $0x2  }
0x92: {  	[hbm4b:s3+s2] =	stream.indirect_vreg.scatter [tilespmem:s20], [sflag:$0x1], $0x80, v4, vm0, $0xb8;
	[tilespmem:$0x10100] =	vst v63  }
0x93: {  	_ = 	snop  }
0x94: {  	[hbm4b:s3+s2] =	stream.indirect_vreg.scatter [tilespmem:s21], [sflag:$0x1], $0x80, v3, vm0, $0xb8;
	[tilespmem:$0x10100] =	vst v63  }
0x95: {  	v3 =	vld [tilespmem:$0xB0];
	_ =	sdelay $0x4  }
0x96: {  	v59 =	vshll.u32 v3, $0x1  }
0x97: {  	v3 =	vand.u32 $0x7, v3;
	v4 =	vand.u32 $0xFFFFFFF0, v59  }
0x98: {  	v3 =	vor.u32 v3, v4  }
0x99: {  	v4 =	vperm.xlane v3, v0;
	_ =	sdelay $0x1  }
0x9a: {  	v3 =	vperm.xlane v3, v2;
	v4 =	vadd.s32 v1, v4;
	_ =	sdelay $0x1  }
0x9b: {  	v3 =	vadd.s32 v1, v3;
	_ =	sdelay $0x2  }
0x9c: {  	[hbm4b:s3+s2] =	stream.indirect_vreg.scatter [tilespmem:s22], [sflag:$0x1], $0x80, v4, vm0, $0xb8;
	[tilespmem:$0x10100] =	vst v63  }
0x9d: {  	_ = 	snop  }
0x9e: {  	[hbm4b:s3+s2] =	stream.indirect_vreg.scatter [tilespmem:s23], [sflag:$0x1], $0x80, v3, vm0, $0xb8;
	[tilespmem:$0x10100] =	vst v63  }
0x9f: {  	v3 =	vld [tilespmem:$0xC0];
	_ =	sdelay $0x4  }
0xa0: {  	v60 =	vshll.u32 v3, $0x1  }
0xa1: {  	v3 =	vand.u32 $0x7, v3;
	v4 =	vand.u32 $0xFFFFFFF0, v60  }
0xa2: {  	v3 =	vor.u32 v3, v4  }
0xa3: {  	v4 =	vperm.xlane v3, v0;
	_ =	sdelay $0x1  }
0xa4: {  	v3 =	vperm.xlane v3, v2;
	v4 =	vadd.s32 v1, v4;
	_ =	sdelay $0x1  }
0xa5: {  	v3 =	vadd.s32 v1, v3;
	_ =	sdelay $0x2  }
0xa6: {  	[hbm4b:s3+s2] =	stream.indirect_vreg.scatter [tilespmem:s24], [sflag:$0x1], $0x80, v4, vm0, $0xb8;
	[tilespmem:$0x10100] =	vst v63  }
0xa7: {  	_ = 	snop  }
0xa8: {  	[hbm4b:s3+s2] =	stream.indirect_vreg.scatter [tilespmem:s25], [sflag:$0x1], $0x80, v3, vm0, $0xb8;
	[tilespmem:$0x10100] =	vst v63  }
0xa9: {  	v3 =	vld [tilespmem:$0xD0];
	_ =	sdelay $0x4  }
0xaa: {  	v61 =	vshll.u32 v3, $0x1  }
0xab: {  	v3 =	vand.u32 $0x7, v3;
	v4 =	vand.u32 $0xFFFFFFF0, v61  }
0xac: {  	v3 =	vor.u32 v3, v4  }
0xad: {  	v4 =	vperm.xlane v3, v0;
	_ =	sdelay $0x1  }
0xae: {  	v3 =	vperm.xlane v3, v2;
	v4 =	vadd.s32 v1, v4;
	_ =	sdelay $0x1  }
0xaf: {  	v3 =	vadd.s32 v1, v3;
	_ =	sdelay $0x2  }
0xb0: {  	[hbm4b:s3+s2] =	stream.indirect_vreg.scatter [tilespmem:s26], [sflag:$0x1], $0x80, v4, vm0, $0xb8;
	[tilespmem:$0x10100] =	vst v63  }
0xb1: {  	_ = 	snop  }
0xb2: {  	[hbm4b:s3+s2] =	stream.indirect_vreg.scatter [tilespmem:s28], [sflag:$0x1], $0x80, v3, vm0, $0xb8;
	[tilespmem:$0x10100] =	vst v63  }
0xb3: {  	v3 =	vld [tilespmem:$0xE0];
	_ =	sdelay $0x4  }
0xb4: {  	v62 =	vshll.u32 v3, $0x1  }
0xb5: {  	v3 =	vand.u32 $0x7, v3;
	v4 =	vand.u32 $0xFFFFFFF0, v62  }
0xb6: {  	v3 =	vor.u32 v3, v4  }
0xb7: {  	v4 =	vperm.xlane v3, v0;
	_ =	sdelay $0x1  }
0xb8: {  	v3 =	vperm.xlane v3, v2;
	v4 =	vadd.s32 v1, v4;
	_ =	sdelay $0x1  }
0xb9: {  	v3 =	vadd.s32 v1, v3;
	_ =	sdelay $0x2  }
0xba: {  	[hbm4b:s3+s2] =	stream.indirect_vreg.scatter [tilespmem:s29], [sflag:$0x1], $0x80, v4, vm0, $0xb8;
	[tilespmem:$0x10100] =	vst v63  }
0xbb: {  	_ = 	snop  }
0xbc: {  	[hbm4b:s3+s2] =	stream.indirect_vreg.scatter [tilespmem:s30], [sflag:$0x1], $0x80, v3, vm0, $0xb8;
	[tilespmem:$0x10100] =	vst v63  }
0xbd: {  	v3 =	vld [tilespmem:$0xF0];
	_ =	sdelay $0x4  }
0xbe: {  	v63 =	vshll.u32 v3, $0x1  }
0xbf: {  	v3 =	vand.u32 $0x7, v3;
	v4 =	vand.u32 $0xFFFFFFF0, v63  }
0xc0: {  	v3 =	vor.u32 v3, v4  }
0xc1: {  	v4 =	vperm.xlane v3, v0;
	_ =	sdelay $0x1  }
0xc2: {  	v3 =	vperm.xlane v3, v2;
	v4 =	vadd.s32 v1, v4;
	_ =	sdelay $0x1  }
0xc3: {  	v3 =	vadd.s32 v1, v3;
	_ =	sdelay $0x1  }
0xc4: {  	p0 =	sne.s32 s4, $0x1  }
0xc5: {  	[hbm4b:s3+s2] =	stream.indirect_vreg.scatter [tilespmem:s31], [sflag:$0x1], $0x80, v4, vm0, $0xb8;
	[tilespmem:$0x10100] =	vst v63  }
.Ltmp0:
0xc6: {  	_ = 	snop;
	(pc) =	sbr.rel @p0 .LBB2_1-.Ltmp0, $4  }
0xc7: {  	[hbm4b:s3+s2] =	stream.indirect_vreg.scatter [tilespmem:s1], [sflag:$0x1], $0x80, v3, vm0, $0xb8;
	[tilespmem:$0x10100] =	vst v63  }
0xc8: {  	_ =	swait.ge [sflag:s15], $0x8000  }
0xc9: {  	[sflag:s15] =	ssyncset.done $0x0  }
0xca: {  	s4 =	sadd.s32 $0xFFFFFFFF, s4;
	[sflag:s15] =	ssyncadd.s32 $0xFFFF8000  }
0xcb: {  	_ =	sfence.sel $0x180000  }
0xcc: {  	[bflag:$0x0] =	sbarrier.arrive $0xFFFF  }
0xcd: {  	_ =	strace $0x9000004A  }
0xce: {  	s0 =	stileid.u32;
	[bflag:$0x2] =	sbarrier.arrive $0xFFFF  }
0xcf: {  	p0 =	sne.s32 s0, $0x0;
	s0 =	rddreg [dreg:$0x2]  }
0xd0: {  	s0 =	sadd.s32 @!p0 $0x100000, s0  }
0xd1: {  	[sflag:s0] =	ssyncadd.tile.s32 @!p0 $0x1;
	_ =	shalt  }
.Lfunc_end2:
_tile_overlayer_lowered:
.L_overlay_start_2:
0xd2: {  	(tag) =	ssettag $0x2  }
0xd3: {  	s0 =	rddreg [dreg:$0x0];
	s2 =	stileid.u32  }
0xd4: {  	s1 =	rddreg [dreg:$0x1];
	p0 =	sne.s32 s2, $0x0  }
0xd5: {  	s3 =	rddreg [dreg:$0x2];
	[bflag:$0x3] =	sbarrier.arrive $0xFFFF;
	s2 =	simm.s32 @!p0 $0x1C02  }
0xd6: {  	[timem:s3], [sflag:s2] =	dma.local @!p0 [hbm:s0], s1  }
0xd7: {  	s0 =	simm.s32 @!p0 $0x2  }
0xd8: {  	_ =	swait.ge @!p0 [sflag:s0], s1  }
0xd9: {  	s1 =	ssub.s32 @!p0 $0x0, s1;
	[sflag:s0] =	ssyncset.done @!p0 $0x0  }
0xda: {  	[sflag:s0] =	ssyncadd.s32 @!p0 s1  }
0xdb: {  	[bflag:$0x3] =	sbarrier.arrive $0xFFFF  }
0xdc: {  	_ =	shalt  }

</sc_bundles>
